<compile_context>
chip_gen: v7x
topology: tpu7x:2x2x1
jax: 0.10.2.dev20260603
libtpu: 0.0.44.dev20260713+nightly
codegen_flags: <defaults>
</compile_context>

<pallas_src>
import jax
import jax.numpy as jnp
from jax import lax
from jax.experimental import pallas as pl
from jax.experimental.pallas import tpu as pltpu
from jax.experimental.pallas import tpu_sc as plsc

N_NODES = 10000
N_PAD = 10240
E_PAD = 163840
CHUNK = 128
MBLK = 512
NROW = N_PAD // 16
NSUB = NROW // CHUNK



def _tc1_body(x_ref, w_ref, yself_ref, qab_ref):
    y = jnp.dot(x_ref[...], w_ref[...], preferred_element_type=jnp.float32)
    yself_ref[...] = y[:, :256]
    qab_ref[0] = y[:, 256:384]
    qab_ref[1] = y[:, 384:512]


def _tc1(xp, w1h):
    nb = N_PAD // MBLK
    return pl.pallas_call(
        _tc1_body,
        grid=(nb,),
        in_specs=[
            pl.BlockSpec((MBLK, 256), lambda m: (m, 0)),
            pl.BlockSpec((256, 512), lambda m: (0, 0)),
        ],
        out_specs=[
            pl.BlockSpec((MBLK, 256), lambda m: (m, 0)),
            pl.BlockSpec((2, MBLK, 128), lambda m: (0, m, 0)),
        ],
        out_shape=[
            jax.ShapeDtypeStruct((N_PAD, 256), jnp.float32),
            jax.ShapeDtypeStruct((2, N_PAD, 128), jnp.float32),
        ],
    )(xp, w1h)


def _tc2_body(yself_ref, s1_ref, d0_ref, d1_ref, b1_ref, w2h_ref,
              zself_ref, q2_ref):
    m = pl.program_id(0)
    deg = jnp.maximum(d0_ref[...] + d1_ref[...], 1.0)
    inv = 1.0 / deg
    h_n = jnp.concatenate([s1_ref[0], s1_ref[1]], axis=1)
    pre = yself_ref[...] + b1_ref[...] + h_n * inv
    row = m * MBLK + lax.broadcasted_iota(jnp.int32, (MBLK, 1), 0)
    out1 = jnp.where(row < N_NODES, jnp.maximum(pre, 0.0), 0.0)
    z = jnp.dot(out1, w2h_ref[...], preferred_element_type=jnp.float32)
    zself_ref[...] = z[:, :128]
    q2_ref[...] = z[:, 128:]


def _tc2(yself, s1, deg8, b1, w2h):
    nb = N_PAD // MBLK
    return pl.pallas_call(
        _tc2_body,
        grid=(nb,),
        in_specs=[
            pl.BlockSpec((MBLK, 256), lambda m: (m, 0)),
            pl.BlockSpec((2, MBLK, 128), lambda m: (0, m, 0)),
            pl.BlockSpec((MBLK, 1), lambda m: (m, 0)),
            pl.BlockSpec((MBLK, 1), lambda m: (m + nb, 0)),
            pl.BlockSpec((1, 256), lambda m: (0, 0)),
            pl.BlockSpec((256, 256), lambda m: (0, 0)),
        ],
        out_specs=[
            pl.BlockSpec((MBLK, 128), lambda m: (m, 0)),
            pl.BlockSpec((MBLK, 128), lambda m: (m, 0)),
        ],
        out_shape=[
            jax.ShapeDtypeStruct((N_PAD, 128), jnp.float32),
            jax.ShapeDtypeStruct((N_PAD, 128), jnp.float32),
        ],
    )(yself, s1, deg8, deg8, b1, w2h)


def _tc3_body(zself_ref, s2a_ref, s2b_ref, d0_ref, d1_ref, b2_ref, out_ref):
    deg = jnp.maximum(d0_ref[...] + d1_ref[...], 1.0)
    inv = 1.0 / deg
    s2 = s2a_ref[...] + s2b_ref[...]
    out_ref[...] = zself_ref[...] + b2_ref[...] + s2 * inv


def _tc3(zself, s2p, deg8, b2):
    nb = N_PAD // MBLK
    return pl.pallas_call(
        _tc3_body,
        grid=(nb,),
        in_specs=[
            pl.BlockSpec((MBLK, 128), lambda m: (m, 0)),
            pl.BlockSpec((MBLK, 128), lambda m: (m, 0)),
            pl.BlockSpec((MBLK, 128), lambda m: (m + nb, 0)),
            pl.BlockSpec((MBLK, 1), lambda m: (m, 0)),
            pl.BlockSpec((MBLK, 1), lambda m: (m + nb, 0)),
            pl.BlockSpec((1, 128), lambda m: (0, 0)),
        ],
        out_specs=pl.BlockSpec((MBLK, 128), lambda m: (m, 0)),
        out_shape=jax.ShapeDtypeStruct((N_PAD, 128), jnp.float32),
    )(zself, s2p, s2p, deg8, deg8, b2)



_MESH = dict(core_axis_name="c", subcore_axis_name="s",
             num_cores=2, num_subcores=16)

def _zero_vmem(ref):
    nrow, ncol = ref.shape

    def step(i, carry):
        r = i // (ncol // 16)
        c = lax.rem(i, ncol // 16) * 16
        ref[r, pl.ds(c, 16)] = jnp.zeros((16,), jnp.float32)
        return carry

    lax.fori_loop(0, nrow * (ncol // 16), step, 0, unroll=False)


P1 = 2
SLAB1 = 40
NDC1 = 20
SLAB2 = 40


def _agg_pass(qab, acc, sidx2, didx2, rowsA, semA, nbody):
    def step(j, carry):
        pltpu.async_copy(qab.at[sidx2.at[j]], rowsA, semA).wait()
        pltpu.sync_copy(rowsA, acc.at[didx2.at[j]], add=True)
        return carry

    lax.fori_loop(0, nbody, step, 0, unroll=False)


def _sc1_body(qab, src5, dst5, dd5, me5,
              s1, degp1,
              sidx2, didx2, didx3, mval2, rowsA,
              acc, dacc1, semA):
    cid = lax.axis_index("c")
    sid = lax.axis_index("s")
    wid = cid * 16 + sid
    _zero_vmem(rowsA)
    for j in range(NSUB):
        zs = pl.ds(sid * NROW + j * CHUNK, CHUNK)
        pltpu.sync_copy(rowsA, acc.at[zs])
        pltpu.sync_copy(rowsA.at[0], dacc1.at[zs])
    plsc.subcore_barrier()

    for p in range(P1):
        pltpu.sync_copy(src5.at[wid * P1 + p], sidx2)
        pltpu.sync_copy(dst5.at[sid * P1 + p], didx2)
        pltpu.sync_copy(dd5.at[wid * P1 + p], didx3)
        pltpu.sync_copy(me5.at[wid * P1 + p], mval2)
        _agg_pass(qab, acc, sidx2, didx2, rowsA, semA, SLAB1)

        def dstep(j, carry):
            pltpu.sync_copy(mval2.at[j], dacc1.at[didx3.at[j]], add=True)
            return carry

        lax.fori_loop(0, NDC1, dstep, 0, unroll=False)
    plsc.subcore_barrier()

    for j in range(NSUB):
        zs = pl.ds(sid * NROW + j * CHUNK, CHUNK)
        hs = pl.ds(cid * N_PAD + sid * NROW + j * CHUNK, CHUNK)
        pltpu.sync_copy(acc.at[zs], rowsA)
        pltpu.sync_copy(rowsA, s1.at[hs])
        pltpu.sync_copy(dacc1.at[zs], rowsA.at[0])
        pltpu.sync_copy(rowsA.at[0], degp1.at[hs])


def _sc1(qab, src5, dst5, dd5, me5):
    mesh = plsc.VectorSubcoreMesh(**_MESH)
    f = pl.kernel(
        _sc1_body,
        out_type=[
            jax.ShapeDtypeStruct((2 * N_PAD, 128), jnp.float32),
            jax.ShapeDtypeStruct((2 * N_PAD,), jnp.float32),
        ],
        mesh=mesh,
        scratch_types=[
            pltpu.VMEM((SLAB1 + 1, CHUNK), jnp.int32),
            pltpu.VMEM((SLAB1, CHUNK), jnp.int32),
            pltpu.VMEM((NDC1, CHUNK), jnp.int32),
            pltpu.VMEM((NDC1, CHUNK), jnp.float32),
            pltpu.VMEM((CHUNK, 128), jnp.float32),
            pltpu.VMEM_SHARED((N_PAD, 128), jnp.float32),
            pltpu.VMEM_SHARED((N_PAD,), jnp.float32),
            pltpu.SemaphoreType.DMA,
        ],
    )
    return f(qab, src5, dst5, dd5, me5)


def _sc2_body(q2, srcp5, dstp5,
              s2p,
              sidx2, didx2, rowsA, acc, semA):
    cid = lax.axis_index("c")
    sid = lax.axis_index("s")
    wid = cid * 16 + sid
    _zero_vmem(rowsA)
    for j in range(NSUB):
        zs = pl.ds(sid * NROW + j * CHUNK, CHUNK)
        pltpu.sync_copy(rowsA, acc.at[zs])
    plsc.subcore_barrier()

    slab = sid * 2 + cid
    pltpu.sync_copy(srcp5.at[slab], sidx2)
    pltpu.sync_copy(dstp5.at[slab], didx2)
    _agg_pass(q2, acc, sidx2, didx2, rowsA, semA, SLAB2)
    plsc.subcore_barrier()
    for j in range(NSUB):
        zs = pl.ds(sid * NROW + j * CHUNK, CHUNK)
        hs = pl.ds(cid * N_PAD + sid * NROW + j * CHUNK, CHUNK)
        pltpu.sync_copy(acc.at[zs], rowsA)
        pltpu.sync_copy(rowsA, s2p.at[hs])


def _sc2(q2, srcp5, dstp5):
    mesh = plsc.VectorSubcoreMesh(**_MESH)
    f = pl.kernel(
        _sc2_body,
        out_type=jax.ShapeDtypeStruct((2 * N_PAD, 128), jnp.float32),
        mesh=mesh,
        scratch_types=[
            pltpu.VMEM((SLAB2 + 1, CHUNK), jnp.int32),
            pltpu.VMEM((SLAB2, CHUNK), jnp.int32),
            pltpu.VMEM((CHUNK, 128), jnp.float32),
            pltpu.VMEM_SHARED((N_PAD, 128), jnp.float32),
            pltpu.SemaphoreType.DMA,
        ],
    )
    return f(q2, srcp5, dstp5)



def kernel(x, edge_index, W1, b1, W2, b2):
    src = edge_index[0].astype(jnp.int32)
    dst = edge_index[1].astype(jnp.int32)
    npad = E_PAD - src.shape[0]
    srcp = jnp.pad(src, (0, npad), constant_values=N_NODES)
    dstp = jnp.concatenate([dst, jnp.arange(npad, dtype=jnp.int32)])
    src2 = jnp.concatenate([srcp, srcp + N_PAD])
    emask1 = jnp.pad(jnp.ones((src.shape[0],), jnp.float32), (0, npad))
    pad1 = jnp.full((32 * P1, 1, CHUNK), N_NODES, jnp.int32)
    src5 = jnp.concatenate(
        [src2.reshape(32 * P1, SLAB1, CHUNK), pad1], axis=1)
    dst5 = dstp.reshape(16 * P1, SLAB1, CHUNK)
    dd5 = dstp.reshape(32 * P1, NDC1, CHUNK)
    me5 = emask1.reshape(32 * P1, NDC1, CHUNK)
    srcp5 = jnp.concatenate(
        [srcp.reshape(32, SLAB2, CHUNK), pad1[:32]], axis=1)
    dst5b = dstp.reshape(32, SLAB2, CHUNK)

    xp = jnp.pad(x, ((0, N_PAD - N_NODES), (0, 0)))
    w1h = jnp.concatenate([W1[:256], W1[256:]], axis=1)
    w2h = jnp.concatenate([W2[:256], W2[256:]], axis=1)

    yself, qab = _tc1(xp, w1h)
    qab2 = qab.reshape(2 * N_PAD, 128)
    s1, deg1 = _sc1(qab2, src5, dst5, dd5, me5)
    s1 = s1.reshape(2, N_PAD, 128)
    degc = deg1.reshape(2 * N_PAD, 1)
    zself, q2 = _tc2(yself, s1, degc, b1.reshape(1, 256), w2h)
    s2p = _sc2(q2, srcp5, dst5b)
    out = _tc3(zself, s2p, degc, b2.reshape(1, 128))
    return out[:N_NODES]

# --- scband reference (transcript-rebuilt; emitter-appended) ---
"""Pipeline reference for scband-graph-sage-39427799777286 (READ-ONLY COPY).

The authoritative reference and input builder live on the scoring server;
editing this copy changes nothing except your own understanding.
"""

import jax, jax.numpy as jnp
import numpy as np

N_NODES = 10000
N_EDGES = 160000
IN_FEATS = 256
H_FEATS = 256
NUM_CLASSES = 128


def setup_inputs(seed: int = 0) -> dict:
    key = jax.random.key(seed)
    k1, k2, k3, k4, k5, k6 = jax.random.split(key, 6)
    x = jax.random.normal(k1, (N_NODES, IN_FEATS), dtype=jnp.float32)
    edge_index = jax.random.randint(k2, (2, N_EDGES), 0, N_NODES, dtype=jnp.int64)
    # Linear(in_feat*2, out_feat): store as [2*in, out] for x @ W + b
    lim1 = 1.0 / np.sqrt(2 * IN_FEATS)
    W1 = jax.random.uniform(k3, (2 * IN_FEATS, H_FEATS), dtype=jnp.float32, minval=-lim1, maxval=lim1)
    b1 = jax.random.uniform(k4, (H_FEATS,), dtype=jnp.float32, minval=-lim1, maxval=lim1)
    lim2 = 1.0 / np.sqrt(2 * H_FEATS)
    W2 = jax.random.uniform(k5, (2 * H_FEATS, NUM_CLASSES), dtype=jnp.float32, minval=-lim2, maxval=lim2)
    b2 = jax.random.uniform(k6, (NUM_CLASSES,), dtype=jnp.float32, minval=-lim2, maxval=lim2)
    return {"x": x, "edge_index": edge_index, "W1": W1, "b1": b1, "W2": W2, "b2": b2}


def _sage_conv(h, src, dst, n_nodes, W, b):
    # message: copy_u -> gather source features per edge
    m = jnp.take(h, src, axis=0)
    # reduce: mean over incoming edges per destination node
    s = jax.ops.segment_sum(m, dst, num_segments=n_nodes)
    deg = jax.ops.segment_sum(jnp.ones((src.shape[0],), dtype=h.dtype), dst, num_segments=n_nodes)
    h_N = s / jnp.maximum(deg, 1.0)[:, None]
    h_total = jnp.concatenate([h, h_N], axis=1)
    return h_total @ W + b


def reference(x, edge_index, W1, b1, W2, b2):
    src = edge_index[0]
    dst = edge_index[1]
    n = x.shape[0]
    h = _sage_conv(x, src, dst, n, W1, b1)
    h = jax.nn.relu(h)
    h = _sage_conv(h, src, dst, n, W2, b2)
    return h

if __name__ == "__main__":
    import jax
    _d = setup_inputs()
    print(jax.jit(kernel)(*tuple(_d.values())))

</pallas_src>

<mosaic_0001>
#map = affine_map<(d0, d1) -> (0, 0)>
#map1 = affine_map<(d0, d1) -> (0, 0, 0)>
module attributes {stable_mosaic.version = 14 : i64} {
  func.func @_sc2_body(%arg0: i32, %arg1: i32, %arg2: memref<10240x128xf32, #tpu.memory_space<hbm>>, %arg3: memref<32x41x128xi32, #tpu.memory_space<hbm>>, %arg4: memref<32x40x128xi32, #tpu.memory_space<hbm>>, %arg5: memref<20480x128xf32, #tpu.memory_space<hbm>>, %arg6: memref<41x128xi32, #tpu.memory_space<vmem>>, %arg7: memref<40x128xi32, #tpu.memory_space<vmem>>, %arg8: memref<128x128xf32, #tpu.memory_space<vmem>>, %arg9: memref<10240x128xf32, #tpu.memory_space<vmem_shared>>, %arg10: memref<!tpu.dma_semaphore, #tpu.memory_space<semaphore_mem>>) attributes {dimension_semantics = [#tpu.dimension_semantics<core_parallel>, #tpu.dimension_semantics<subcore_parallel>], iteration_bounds = array<i64: 2, 16>, scalar_prefetch = 0 : i64, scratch_operands = 5 : i64, tpu.core_type = #tpu.core_type<sc_vector_subcore>, window_params = [{transform_indices = #map}, {transform_indices = #map1}, {transform_indices = #map1}, {transform_indices = #map}]} {
    %mul3A = arith.constant 16 : i32
    %mul3A_0 = arith.muli %arg0, %mul3A : i32
    %add3A = arith.addi %mul3A_0, %arg1 : i32
    %scan3A = arith.constant 0 : i32
    %scan3A_1 = arith.constant 0 : i32
    %scan3A_2 = arith.constant 1024 : i32
    %scan3A_3 = arith.addi %scan3A_1, %scan3A_2 : i32
    %scan3A_4 = arith.constant 1 : i32
    scf.for %scan3A_91 = %scan3A_1 to %scan3A_3 step %scan3A_4  : i32 {
      %jit3A = arith.constant 8 : i32
      %div3A = arith.divsi %scan3A_91, %jit3A : i32
      %sign3A = arith.constant 0 : i32
      %sign3A_92 = arith.cmpi sgt, %scan3A_91, %sign3A : i32
      %sign3A_93 = arith.extui %sign3A_92 : i1 to i32
      %sign3A_94 = arith.constant 0 : i32
      %sign3A_95 = arith.cmpi slt, %scan3A_91, %sign3A_94 : i32
      %sign3A_96 = arith.extui %sign3A_95 : i1 to i32
      %sign3A_97 = arith.subi %sign3A_93, %sign3A_96 : i32
      %sign3A_98 = arith.constant 0 : i32
      %sign3A_99 = arith.cmpi sgt, %jit3A, %sign3A_98 : i32
      %sign3A_100 = arith.extui %sign3A_99 : i1 to i32
      %sign3A_101 = arith.constant 0 : i32
      %sign3A_102 = arith.cmpi slt, %jit3A, %sign3A_101 : i32
      %sign3A_103 = arith.extui %sign3A_102 : i1 to i32
      %sign3A_104 = arith.subi %sign3A_100, %sign3A_103 : i32
      %ne3A = arith.cmpi ne, %sign3A_97, %sign3A_104 : i32
      %rem3A = arith.remsi %scan3A_91, %jit3A : i32
      %ne3A_105 = arith.constant 0 : i32
      %ne3A_106 = arith.cmpi ne, %rem3A, %ne3A_105 : i32
      %and3A = arith.andi %ne3A, %ne3A_106 : i1
      %sub3A = arith.constant 1 : i32
      %sub3A_107 = arith.subi %div3A, %sub3A : i32
      %select_n3A = arith.select %and3A, %sub3A_107, %div3A : i32
      %rem3A_108 = arith.constant 8 : i32
      %rem3A_109 = arith.remsi %scan3A_91, %rem3A_108 : i32
      %mul3A_110 = arith.constant 16 : i32
      %mul3A_111 = arith.muli %rem3A_109, %mul3A_110 : i32
      %broadcast_in_dim3A = arith.constant 0.000000e+00 : f32
      %broadcast_in_dim3A_112 = vector.broadcast %broadcast_in_dim3A : f32 to vector<16xf32>
      %swap3A = arith.index_cast %select_n3A : i32 to index
      %swap3A_113 = arith.index_cast %mul3A_111 : i32 to index
      %swap3A_114 = tpu.vector_load %arg8[%swap3A, %swap3A_113] {strides = array<i32>} : memref<128x128xf32, #tpu.memory_space<vmem>>, vector<1x16xf32>,
      %swap3A_115 = vector.shape_cast %swap3A_114 : vector<1x16xf32> to vector<16xf32>
      %swap3A_116 = vector.shape_cast %broadcast_in_dim3A_112 : vector<16xf32> to vector<1x16xf32>
      tpu.vector_store %arg8[%swap3A, %swap3A_113], %swap3A_116 {strides = array<i32>} : memref<128x128xf32, #tpu.memory_space<vmem>>, vector<1x16xf32>,
    }
    %scan3A_5 = arith.constant 1024 : i32
    %mul3A_6 = arith.constant 640 : i32
    %mul3A_7 = arith.muli %arg1, %mul3A_6 : i32
    %add3A_8 = arith.constant 0 : i32
    %add3A_9 = arith.addi %mul3A_7, %add3A_8 : i32
    "tpu.region"() ({
      %run_scoped3A = tpu.sem_alloc : memref<!tpu.dma_semaphore, #tpu.memory_space<semaphore_mem>>
      %dma_start3A = arith.constant 0 : i32
      %dma_start3A_91 = tpu.memref_slice %arg9[%add3A_9, %dma_start3A] : memref<10240x128xf32, #tpu.memory_space<vmem_shared>> -> memref<128x128xf32, #tpu.memory_space<vmem_shared>>
      %dma_start3A_92 = arith.constant 0 : i32
      %dma_start3A_93 = tpu.memref_slice %arg9[%add3A_9, %dma_start3A_92] : memref<10240x128xf32, #tpu.memory_space<vmem_shared>> -> memref<128x128xf32, #tpu.memory_space<vmem_shared>>
      tpu.enqueue_dma source(%arg8 : memref<128x128xf32, #tpu.memory_space<vmem>>) target(%dma_start3A_93 : memref<128x128xf32, #tpu.memory_space<vmem_shared>>) target_semaphore(%run_scoped3A : memref<!tpu.dma_semaphore, #tpu.memory_space<semaphore_mem>>)
      %dma_wait3A = arith.constant 0 : i32
      %dma_wait3A_94 = tpu.memref_slice %arg9[%add3A_9, %dma_wait3A] : memref<10240x128xf32, #tpu.memory_space<vmem_shared>> -> memref<128x128xf32, #tpu.memory_space<vmem_shared>>
      %dma_wait3A_95 = arith.constant 0 : i32
      %dma_wait3A_96 = tpu.memref_slice %arg9[%add3A_9, %dma_wait3A_95] : memref<10240x128xf32, #tpu.memory_space<vmem_shared>> -> memref<128x128xf32, #tpu.memory_space<vmem_shared>>
      tpu.wait_dma2 semaphore(%run_scoped3A : memref<!tpu.dma_semaphore, #tpu.memory_space<semaphore_mem>>) src(%arg8 : memref<128x128xf32, #tpu.memory_space<vmem>>) dst(%dma_wait3A_96 : memref<128x128xf32, #tpu.memory_space<vmem_shared>>)
      tpu.yield
    }) : () -> ()
    %mul3A_10 = arith.constant 640 : i32
    %mul3A_11 = arith.muli %arg1, %mul3A_10 : i32
    %add3A_12 = arith.constant 128 : i32
    %add3A_13 = arith.addi %mul3A_11, %add3A_12 : i32
    "tpu.region"() ({
      %run_scoped3A = tpu.sem_alloc : memref<!tpu.dma_semaphore, #tpu.memory_space<semaphore_mem>>
      %dma_start3A = arith.constant 0 : i32
      %dma_start3A_91 = tpu.memref_slice %arg9[%add3A_13, %dma_start3A] : memref<10240x128xf32, #tpu.memory_space<vmem_shared>> -> memref<128x128xf32, #tpu.memory_space<vmem_shared>>
      %dma_start3A_92 = arith.constant 0 : i32
      %dma_start3A_93 = tpu.memref_slice %arg9[%add3A_13, %dma_start3A_92] : memref<10240x128xf32, #tpu.memory_space<vmem_shared>> -> memref<128x128xf32, #tpu.memory_space<vmem_shared>>
      tpu.enqueue_dma source(%arg8 : memref<128x128xf32, #tpu.memory_space<vmem>>) target(%dma_start3A_93 : memref<128x128xf32, #tpu.memory_space<vmem_shared>>) target_semaphore(%run_scoped3A : memref<!tpu.dma_semaphore, #tpu.memory_space<semaphore_mem>>)
      %dma_wait3A = arith.constant 0 : i32
      %dma_wait3A_94 = tpu.memref_slice %arg9[%add3A_13, %dma_wait3A] : memref<10240x128xf32, #tpu.memory_space<vmem_shared>> -> memref<128x128xf32, #tpu.memory_space<vmem_shared>>
      %dma_wait3A_95 = arith.constant 0 : i32
      %dma_wait3A_96 = tpu.memref_slice %arg9[%add3A_13, %dma_wait3A_95] : memref<10240x128xf32, #tpu.memory_space<vmem_shared>> -> memref<128x128xf32, #tpu.memory_space<vmem_shared>>
      tpu.wait_dma2 semaphore(%run_scoped3A : memref<!tpu.dma_semaphore, #tpu.memory_space<semaphore_mem>>) src(%arg8 : memref<128x128xf32, #tpu.memory_space<vmem>>) dst(%dma_wait3A_96 : memref<128x128xf32, #tpu.memory_space<vmem_shared>>)
      tpu.yield
    }) : () -> ()
    %mul3A_14 = arith.constant 640 : i32
    %mul3A_15 = arith.muli %arg1, %mul3A_14 : i32
    %add3A_16 = arith.constant 256 : i32
    %add3A_17 = arith.addi %mul3A_15, %add3A_16 : i32
    "tpu.region"() ({
      %run_scoped3A = tpu.sem_alloc : memref<!tpu.dma_semaphore, #tpu.memory_space<semaphore_mem>>
      %dma_start3A = arith.constant 0 : i32
      %dma_start3A_91 = tpu.memref_slice %arg9[%add3A_17, %dma_start3A] : memref<10240x128xf32, #tpu.memory_space<vmem_shared>> -> memref<128x128xf32, #tpu.memory_space<vmem_shared>>
      %dma_start3A_92 = arith.constant 0 : i32
      %dma_start3A_93 = tpu.memref_slice %arg9[%add3A_17, %dma_start3A_92] : memref<10240x128xf32, #tpu.memory_space<vmem_shared>> -> memref<128x128xf32, #tpu.memory_space<vmem_shared>>
      tpu.enqueue_dma source(%arg8 : memref<128x128xf32, #tpu.memory_space<vmem>>) target(%dma_start3A_93 : memref<128x128xf32, #tpu.memory_space<vmem_shared>>) target_semaphore(%run_scoped3A : memref<!tpu.dma_semaphore, #tpu.memory_space<semaphore_mem>>)
      %dma_wait3A = arith.constant 0 : i32
      %dma_wait3A_94 = tpu.memref_slice %arg9[%add3A_17, %dma_wait3A] : memref<10240x128xf32, #tpu.memory_space<vmem_shared>> -> memref<128x128xf32, #tpu.memory_space<vmem_shared>>
      %dma_wait3A_95 = arith.constant 0 : i32
      %dma_wait3A_96 = tpu.memref_slice %arg9[%add3A_17, %dma_wait3A_95] : memref<10240x128xf32, #tpu.memory_space<vmem_shared>> -> memref<128x128xf32, #tpu.memory_space<vmem_shared>>
      tpu.wait_dma2 semaphore(%run_scoped3A : memref<!tpu.dma_semaphore, #tpu.memory_space<semaphore_mem>>) src(%arg8 : memref<128x128xf32, #tpu.memory_space<vmem>>) dst(%dma_wait3A_96 : memref<128x128xf32, #tpu.memory_space<vmem_shared>>)
      tpu.yield
    }) : () -> ()
    %mul3A_18 = arith.constant 640 : i32
    %mul3A_19 = arith.muli %arg1, %mul3A_18 : i32
    %add3A_20 = arith.constant 384 : i32
    %add3A_21 = arith.addi %mul3A_19, %add3A_20 : i32
    "tpu.region"() ({
      %run_scoped3A = tpu.sem_alloc : memref<!tpu.dma_semaphore, #tpu.memory_space<semaphore_mem>>
      %dma_start3A = arith.constant 0 : i32
      %dma_start3A_91 = tpu.memref_slice %arg9[%add3A_21, %dma_start3A] : memref<10240x128xf32, #tpu.memory_space<vmem_shared>> -> memref<128x128xf32, #tpu.memory_space<vmem_shared>>
      %dma_start3A_92 = arith.constant 0 : i32
      %dma_start3A_93 = tpu.memref_slice %arg9[%add3A_21, %dma_start3A_92] : memref<10240x128xf32, #tpu.memory_space<vmem_shared>> -> memref<128x128xf32, #tpu.memory_space<vmem_shared>>
      tpu.enqueue_dma source(%arg8 : memref<128x128xf32, #tpu.memory_space<vmem>>) target(%dma_start3A_93 : memref<128x128xf32, #tpu.memory_space<vmem_shared>>) target_semaphore(%run_scoped3A : memref<!tpu.dma_semaphore, #tpu.memory_space<semaphore_mem>>)
      %dma_wait3A = arith.constant 0 : i32
      %dma_wait3A_94 = tpu.memref_slice %arg9[%add3A_21, %dma_wait3A] : memref<10240x128xf32, #tpu.memory_space<vmem_shared>> -> memref<128x128xf32, #tpu.memory_space<vmem_shared>>
      %dma_wait3A_95 = arith.constant 0 : i32
      %dma_wait3A_96 = tpu.memref_slice %arg9[%add3A_21, %dma_wait3A_95] : memref<10240x128xf32, #tpu.memory_space<vmem_shared>> -> memref<128x128xf32, #tpu.memory_space<vmem_shared>>
      tpu.wait_dma2 semaphore(%run_scoped3A : memref<!tpu.dma_semaphore, #tpu.memory_space<semaphore_mem>>) src(%arg8 : memref<128x128xf32, #tpu.memory_space<vmem>>) dst(%dma_wait3A_96 : memref<128x128xf32, #tpu.memory_space<vmem_shared>>)
      tpu.yield
    }) : () -> ()
    %mul3A_22 = arith.constant 640 : i32
    %mul3A_23 = arith.muli %arg1, %mul3A_22 : i32
    %add3A_24 = arith.constant 512 : i32
    %add3A_25 = arith.addi %mul3A_23, %add3A_24 : i32
    "tpu.region"() ({
      %run_scoped3A = tpu.sem_alloc : memref<!tpu.dma_semaphore, #tpu.memory_space<semaphore_mem>>
      %dma_start3A = arith.constant 0 : i32
      %dma_start3A_91 = tpu.memref_slice %arg9[%add3A_25, %dma_start3A] : memref<10240x128xf32, #tpu.memory_space<vmem_shared>> -> memref<128x128xf32, #tpu.memory_space<vmem_shared>>
      %dma_start3A_92 = arith.constant 0 : i32
      %dma_start3A_93 = tpu.memref_slice %arg9[%add3A_25, %dma_start3A_92] : memref<10240x128xf32, #tpu.memory_space<vmem_shared>> -> memref<128x128xf32, #tpu.memory_space<vmem_shared>>
      tpu.enqueue_dma source(%arg8 : memref<128x128xf32, #tpu.memory_space<vmem>>) target(%dma_start3A_93 : memref<128x128xf32, #tpu.memory_space<vmem_shared>>) target_semaphore(%run_scoped3A : memref<!tpu.dma_semaphore, #tpu.memory_space<semaphore_mem>>)
      %dma_wait3A = arith.constant 0 : i32
      %dma_wait3A_94 = tpu.memref_slice %arg9[%add3A_25, %dma_wait3A] : memref<10240x128xf32, #tpu.memory_space<vmem_shared>> -> memref<128x128xf32, #tpu.memory_space<vmem_shared>>
      %dma_wait3A_95 = arith.constant 0 : i32
      %dma_wait3A_96 = tpu.memref_slice %arg9[%add3A_25, %dma_wait3A_95] : memref<10240x128xf32, #tpu.memory_space<vmem_shared>> -> memref<128x128xf32, #tpu.memory_space<vmem_shared>>
      tpu.wait_dma2 semaphore(%run_scoped3A : memref<!tpu.dma_semaphore, #tpu.memory_space<semaphore_mem>>) src(%arg8 : memref<128x128xf32, #tpu.memory_space<vmem>>) dst(%dma_wait3A_96 : memref<128x128xf32, #tpu.memory_space<vmem_shared>>)
      tpu.yield
    }) : () -> ()
    %barrier3A = arith.constant 0 : index
    tpu.barrier barrier_id(%barrier3A)
    %mul3A_26 = arith.constant 2 : i32
    %mul3A_27 = arith.muli %arg1, %mul3A_26 : i32
    %add3A_28 = arith.addi %mul3A_27, %arg0 : i32
    "tpu.region"() ({
      %run_scoped3A = tpu.sem_alloc : memref<!tpu.dma_semaphore, #tpu.memory_space<semaphore_mem>>
      %dma_start3A = arith.constant 0 : i32
      %dma_start3A_91 = arith.constant 0 : i32
      %dma_start3A_92 = tpu.memref_slice %arg3[%add3A_28, %dma_start3A, %dma_start3A_91] : memref<32x41x128xi32, #tpu.memory_space<hbm>> -> memref<1x41x128xi32, #tpu.memory_space<hbm>>
      %dma_start3A_93 = tpu.memref_squeeze %dma_start3A_92 : memref<1x41x128xi32, #tpu.memory_space<hbm>> -> memref<41x128xi32, #tpu.memory_space<hbm>>
      %dma_start3A_94 = arith.constant 0 : i32
      %dma_start3A_95 = arith.constant 0 : i32
      %dma_start3A_96 = tpu.memref_slice %arg3[%add3A_28, %dma_start3A_94, %dma_start3A_95] : memref<32x41x128xi32, #tpu.memory_space<hbm>> -> memref<1x41x128xi32, #tpu.memory_space<hbm>>
      %dma_start3A_97 = tpu.memref_squeeze %dma_start3A_96 : memref<1x41x128xi32, #tpu.memory_space<hbm>> -> memref<41x128xi32, #tpu.memory_space<hbm>>
      tpu.enqueue_dma source(%dma_start3A_97 : memref<41x128xi32, #tpu.memory_space<hbm>>) target(%arg6 : memref<41x128xi32, #tpu.memory_space<vmem>>) target_semaphore(%run_scoped3A : memref<!tpu.dma_semaphore, #tpu.memory_space<semaphore_mem>>)
      %dma_wait3A = arith.constant 0 : i32
      %dma_wait3A_98 = arith.constant 0 : i32
      %dma_wait3A_99 = tpu.memref_slice %arg3[%add3A_28, %dma_wait3A, %dma_wait3A_98] : memref<32x41x128xi32, #tpu.memory_space<hbm>> -> memref<1x41x128xi32, #tpu.memory_space<hbm>>
      %dma_wait3A_100 = tpu.memref_squeeze %dma_wait3A_99 : memref<1x41x128xi32, #tpu.memory_space<hbm>> -> memref<41x128xi32, #tpu.memory_space<hbm>>
      %dma_wait3A_101 = arith.constant 0 : i32
      %dma_wait3A_102 = arith.constant 0 : i32
      %dma_wait3A_103 = tpu.memref_slice %arg3[%add3A_28, %dma_wait3A_101, %dma_wait3A_102] : memref<32x41x128xi32, #tpu.memory_space<hbm>> -> memref<1x41x128xi32, #tpu.memory_space<hbm>>
      %dma_wait3A_104 = tpu.memref_squeeze %dma_wait3A_103 : memref<1x41x128xi32, #tpu.memory_space<hbm>> -> memref<41x128xi32, #tpu.memory_space<hbm>>
      tpu.wait_dma2 semaphore(%run_scoped3A : memref<!tpu.dma_semaphore, #tpu.memory_space<semaphore_mem>>) src(%dma_wait3A_104 : memref<41x128xi32, #tpu.memory_space<hbm>>) dst(%arg6 : memref<41x128xi32, #tpu.memory_space<vmem>>)
      tpu.yield
    }) : () -> ()
    "tpu.region"() ({
      %run_scoped3A = tpu.sem_alloc : memref<!tpu.dma_semaphore, #tpu.memory_space<semaphore_mem>>
      %dma_start3A = arith.constant 0 : i32
      %dma_start3A_91 = arith.constant 0 : i32
      %dma_start3A_92 = tpu.memref_slice %arg4[%add3A_28, %dma_start3A, %dma_start3A_91] : memref<32x40x128xi32, #tpu.memory_space<hbm>> -> memref<1x40x128xi32, #tpu.memory_space<hbm>>
      %dma_start3A_93 = tpu.memref_squeeze %dma_start3A_92 : memref<1x40x128xi32, #tpu.memory_space<hbm>> -> memref<40x128xi32, #tpu.memory_space<hbm>>
      %dma_start3A_94 = arith.constant 0 : i32
      %dma_start3A_95 = arith.constant 0 : i32
      %dma_start3A_96 = tpu.memref_slice %arg4[%add3A_28, %dma_start3A_94, %dma_start3A_95] : memref<32x40x128xi32, #tpu.memory_space<hbm>> -> memref<1x40x128xi32, #tpu.memory_space<hbm>>
      %dma_start3A_97 = tpu.memref_squeeze %dma_start3A_96 : memref<1x40x128xi32, #tpu.memory_space<hbm>> -> memref<40x128xi32, #tpu.memory_space<hbm>>
      tpu.enqueue_dma source(%dma_start3A_97 : memref<40x128xi32, #tpu.memory_space<hbm>>) target(%arg7 : memref<40x128xi32, #tpu.memory_space<vmem>>) target_semaphore(%run_scoped3A : memref<!tpu.dma_semaphore, #tpu.memory_space<semaphore_mem>>)
      %dma_wait3A = arith.constant 0 : i32
      %dma_wait3A_98 = arith.constant 0 : i32
      %dma_wait3A_99 = tpu.memref_slice %arg4[%add3A_28, %dma_wait3A, %dma_wait3A_98] : memref<32x40x128xi32, #tpu.memory_space<hbm>> -> memref<1x40x128xi32, #tpu.memory_space<hbm>>
      %dma_wait3A_100 = tpu.memref_squeeze %dma_wait3A_99 : memref<1x40x128xi32, #tpu.memory_space<hbm>> -> memref<40x128xi32, #tpu.memory_space<hbm>>
      %dma_wait3A_101 = arith.constant 0 : i32
      %dma_wait3A_102 = arith.constant 0 : i32
      %dma_wait3A_103 = tpu.memref_slice %arg4[%add3A_28, %dma_wait3A_101, %dma_wait3A_102] : memref<32x40x128xi32, #tpu.memory_space<hbm>> -> memref<1x40x128xi32, #tpu.memory_space<hbm>>
      %dma_wait3A_104 = tpu.memref_squeeze %dma_wait3A_103 : memref<1x40x128xi32, #tpu.memory_space<hbm>> -> memref<40x128xi32, #tpu.memory_space<hbm>>
      tpu.wait_dma2 semaphore(%run_scoped3A : memref<!tpu.dma_semaphore, #tpu.memory_space<semaphore_mem>>) src(%dma_wait3A_104 : memref<40x128xi32, #tpu.memory_space<hbm>>) dst(%arg7 : memref<40x128xi32, #tpu.memory_space<vmem>>)
      tpu.yield
    }) : () -> ()
    %scan3A_29 = arith.constant 0 : i32
    %scan3A_30 = arith.constant 0 : i32
    %scan3A_31 = arith.constant 40 : i32
    %scan3A_32 = arith.addi %scan3A_30, %scan3A_31 : i32
    %scan3A_33 = arith.constant 1 : i32
    scf.for %scan3A_91 = %scan3A_30 to %scan3A_32 step %scan3A_33  : i32 {
      %dma_start3A = arith.constant 0 : i32
      %dma_start3A_92 = tpu.memref_slice %arg6[%scan3A_91, %dma_start3A] : memref<41x128xi32, #tpu.memory_space<vmem>> -> memref<1x128xi32, #tpu.memory_space<vmem>>
      %dma_start3A_93 = tpu.memref_squeeze %dma_start3A_92 : memref<1x128xi32, #tpu.memory_space<vmem>> -> memref<128xi32, #tpu.memory_space<vmem>>
      %dma_start3A_94 = arith.constant 0 : i32
      %dma_start3A_95 = arith.constant 0 : i32
      %dma_start3A_96 = tpu.memref_slice %arg2[%dma_start3A_94, %dma_start3A_95] : memref<10240x128xf32, #tpu.memory_space<hbm>> -> memref<10240x128xf32, #tpu.memory_space<hbm>>
      tpu.enqueue_indirect_dma source(%dma_start3A_96 : memref<10240x128xf32, #tpu.memory_space<hbm>>) target(%arg8 : memref<128x128xf32, #tpu.memory_space<vmem>>) offsets(%dma_start3A_93 : memref<128xi32, #tpu.memory_space<vmem>>) semaphore(%arg10 : memref<!tpu.dma_semaphore, #tpu.memory_space<semaphore_mem>>)
      %dma_wait3A = arith.constant 0 : i32
      %dma_wait3A_97 = tpu.memref_slice %arg6[%scan3A_91, %dma_wait3A] : memref<41x128xi32, #tpu.memory_space<vmem>> -> memref<1x128xi32, #tpu.memory_space<vmem>>
      %dma_wait3A_98 = tpu.memref_squeeze %dma_wait3A_97 : memref<1x128xi32, #tpu.memory_space<vmem>> -> memref<128xi32, #tpu.memory_space<vmem>>
      %dma_wait3A_99 = arith.constant 0 : i32
      %dma_wait3A_100 = arith.constant 0 : i32
      %dma_wait3A_101 = tpu.memref_slice %arg2[%dma_wait3A_99, %dma_wait3A_100] : memref<10240x128xf32, #tpu.memory_space<hbm>> -> memref<10240x128xf32, #tpu.memory_space<hbm>>
      tpu.wait_indirect_dma semaphore(%arg10 : memref<!tpu.dma_semaphore, #tpu.memory_space<semaphore_mem>>) src(%dma_wait3A_101 : memref<10240x128xf32, #tpu.memory_space<hbm>>) dst(%arg8 : memref<128x128xf32, #tpu.memory_space<vmem>>)
      "tpu.region"() ({
        %run_scoped3A = tpu.sem_alloc : memref<!tpu.dma_semaphore, #tpu.memory_space<semaphore_mem>>
        %dma_start3A_102 = arith.constant 0 : i32
        %dma_start3A_103 = tpu.memref_slice %arg7[%scan3A_91, %dma_start3A_102] : memref<40x128xi32, #tpu.memory_space<vmem>> -> memref<1x128xi32, #tpu.memory_space<vmem>>
        %dma_start3A_104 = tpu.memref_squeeze %dma_start3A_103 : memref<1x128xi32, #tpu.memory_space<vmem>> -> memref<128xi32, #tpu.memory_space<vmem>>
        %dma_start3A_105 = arith.constant 0 : i32
        %dma_start3A_106 = arith.constant 0 : i32
        %dma_start3A_107 = tpu.memref_slice %arg9[%dma_start3A_105, %dma_start3A_106] : memref<10240x128xf32, #tpu.memory_space<vmem_shared>> -> memref<10240x128xf32, #tpu.memory_space<vmem_shared>>
        tpu.enqueue_indirect_dma source(%arg8 : memref<128x128xf32, #tpu.memory_space<vmem>>) target(%dma_start3A_107 : memref<10240x128xf32, #tpu.memory_space<vmem_shared>>) offsets(%dma_start3A_104 : memref<128xi32, #tpu.memory_space<vmem>>) semaphore(%run_scoped3A : memref<!tpu.dma_semaphore, #tpu.memory_space<semaphore_mem>>) {add = true}
        %dma_wait3A_108 = arith.constant 0 : i32
        %dma_wait3A_109 = tpu.memref_slice %arg7[%scan3A_91, %dma_wait3A_108] : memref<40x128xi32, #tpu.memory_space<vmem>> -> memref<1x128xi32, #tpu.memory_space<vmem>>
        %dma_wait3A_110 = tpu.memref_squeeze %dma_wait3A_109 : memref<1x128xi32, #tpu.memory_space<vmem>> -> memref<128xi32, #tpu.memory_space<vmem>>
        %dma_wait3A_111 = arith.constant 0 : i32
        %dma_wait3A_112 = arith.constant 0 : i32
        %dma_wait3A_113 = tpu.memref_slice %arg9[%dma_wait3A_111, %dma_wait3A_112] : memref<10240x128xf32, #tpu.memory_space<vmem_shared>> -> memref<10240x128xf32, #tpu.memory_space<vmem_shared>>
        tpu.wait_indirect_dma semaphore(%run_scoped3A : memref<!tpu.dma_semaphore, #tpu.memory_space<semaphore_mem>>) src(%arg8 : memref<128x128xf32, #tpu.memory_space<vmem>>) dst(%dma_wait3A_113 : memref<10240x128xf32, #tpu.memory_space<vmem_shared>>)
        tpu.yield
      }) : () -> ()
    }
    %scan3A_34 = arith.constant 40 : i32
    %barrier3A_35 = arith.constant 0 : index
    tpu.barrier barrier_id(%barrier3A_35)
    %mul3A_36 = arith.constant 640 : i32
    %mul3A_37 = arith.muli %arg1, %mul3A_36 : i32
    %add3A_38 = arith.constant 0 : i32
    %add3A_39 = arith.addi %mul3A_37, %add3A_38 : i32
    %mul3A_40 = arith.constant 10240 : i32
    %mul3A_41 = arith.muli %arg0, %mul3A_40 : i32
    %mul3A_42 = arith.constant 640 : i32
    %mul3A_43 = arith.muli %arg1, %mul3A_42 : i32
    %add3A_44 = arith.addi %mul3A_41, %mul3A_43 : i32
    %add3A_45 = arith.constant 0 : i32
    %add3A_46 = arith.addi %add3A_44, %add3A_45 : i32
    "tpu.region"() ({
      %run_scoped3A = tpu.sem_alloc : memref<!tpu.dma_semaphore, #tpu.memory_space<semaphore_mem>>
      %dma_start3A = arith.constant 0 : i32
      %dma_start3A_91 = tpu.memref_slice %arg9[%add3A_39, %dma_start3A] : memref<10240x128xf32, #tpu.memory_space<vmem_shared>> -> memref<128x128xf32, #tpu.memory_space<vmem_shared>>
      %dma_start3A_92 = arith.constant 0 : i32
      %dma_start3A_93 = tpu.memref_slice %arg9[%add3A_39, %dma_start3A_92] : memref<10240x128xf32, #tpu.memory_space<vmem_shared>> -> memref<128x128xf32, #tpu.memory_space<vmem_shared>>
      tpu.enqueue_dma source(%dma_start3A_93 : memref<128x128xf32, #tpu.memory_space<vmem_shared>>) target(%arg8 : memref<128x128xf32, #tpu.memory_space<vmem>>) target_semaphore(%run_scoped3A : memref<!tpu.dma_semaphore, #tpu.memory_space<semaphore_mem>>)
      %dma_wait3A = arith.constant 0 : i32
      %dma_wait3A_94 = tpu.memref_slice %arg9[%add3A_39, %dma_wait3A] : memref<10240x128xf32, #tpu.memory_space<vmem_shared>> -> memref<128x128xf32, #tpu.memory_space<vmem_shared>>
      %dma_wait3A_95 = arith.constant 0 : i32
      %dma_wait3A_96 = tpu.memref_slice %arg9[%add3A_39, %dma_wait3A_95] : memref<10240x128xf32, #tpu.memory_space<vmem_shared>> -> memref<128x128xf32, #tpu.memory_space<vmem_shared>>
      tpu.wait_dma2 semaphore(%run_scoped3A : memref<!tpu.dma_semaphore, #tpu.memory_space<semaphore_mem>>) src(%dma_wait3A_96 : memref<128x128xf32, #tpu.memory_space<vmem_shared>>) dst(%arg8 : memref<128x128xf32, #tpu.memory_space<vmem>>)
      tpu.yield
    }) : () -> ()
    "tpu.region"() ({
      %run_scoped3A = tpu.sem_alloc : memref<!tpu.dma_semaphore, #tpu.memory_space<semaphore_mem>>
      %dma_start3A = arith.constant 0 : i32
      %dma_start3A_91 = tpu.memref_slice %arg5[%add3A_46, %dma_start3A] : memref<20480x128xf32, #tpu.memory_space<hbm>> -> memref<128x128xf32, #tpu.memory_space<hbm>>
      %dma_start3A_92 = arith.constant 0 : i32
      %dma_start3A_93 = tpu.memref_slice %arg5[%add3A_46, %dma_start3A_92] : memref<20480x128xf32, #tpu.memory_space<hbm>> -> memref<128x128xf32, #tpu.memory_space<hbm>>
      tpu.enqueue_dma source(%arg8 : memref<128x128xf32, #tpu.memory_space<vmem>>) target(%dma_start3A_93 : memref<128x128xf32, #tpu.memory_space<hbm>>) target_semaphore(%run_scoped3A : memref<!tpu.dma_semaphore, #tpu.memory_space<semaphore_mem>>)
      %dma_wait3A = arith.constant 0 : i32
      %dma_wait3A_94 = tpu.memref_slice %arg5[%add3A_46, %dma_wait3A] : memref<20480x128xf32, #tpu.memory_space<hbm>> -> memref<128x128xf32, #tpu.memory_space<hbm>>
      %dma_wait3A_95 = arith.constant 0 : i32
      %dma_wait3A_96 = tpu.memref_slice %arg5[%add3A_46, %dma_wait3A_95] : memref<20480x128xf32, #tpu.memory_space<hbm>> -> memref<128x128xf32, #tpu.memory_space<hbm>>
      tpu.wait_dma2 semaphore(%run_scoped3A : memref<!tpu.dma_semaphore, #tpu.memory_space<semaphore_mem>>) src(%arg8 : memref<128x128xf32, #tpu.memory_space<vmem>>) dst(%dma_wait3A_96 : memref<128x128xf32, #tpu.memory_space<hbm>>)
      tpu.yield
    }) : () -> ()
    %mul3A_47 = arith.constant 640 : i32
    %mul3A_48 = arith.muli %arg1, %mul3A_47 : i32
    %add3A_49 = arith.constant 128 : i32
    %add3A_50 = arith.addi %mul3A_48, %add3A_49 : i32
    %mul3A_51 = arith.constant 10240 : i32
    %mul3A_52 = arith.muli %arg0, %mul3A_51 : i32
    %mul3A_53 = arith.constant 640 : i32
    %mul3A_54 = arith.muli %arg1, %mul3A_53 : i32
    %add3A_55 = arith.addi %mul3A_52, %mul3A_54 : i32
    %add3A_56 = arith.constant 128 : i32
    %add3A_57 = arith.addi %add3A_55, %add3A_56 : i32
    "tpu.region"() ({
      %run_scoped3A = tpu.sem_alloc : memref<!tpu.dma_semaphore, #tpu.memory_space<semaphore_mem>>
      %dma_start3A = arith.constant 0 : i32
      %dma_start3A_91 = tpu.memref_slice %arg9[%add3A_50, %dma_start3A] : memref<10240x128xf32, #tpu.memory_space<vmem_shared>> -> memref<128x128xf32, #tpu.memory_space<vmem_shared>>
      %dma_start3A_92 = arith.constant 0 : i32
      %dma_start3A_93 = tpu.memref_slice %arg9[%add3A_50, %dma_start3A_92] : memref<10240x128xf32, #tpu.memory_space<vmem_shared>> -> memref<128x128xf32, #tpu.memory_space<vmem_shared>>
      tpu.enqueue_dma source(%dma_start3A_93 : memref<128x128xf32, #tpu.memory_space<vmem_shared>>) target(%arg8 : memref<128x128xf32, #tpu.memory_space<vmem>>) target_semaphore(%run_scoped3A : memref<!tpu.dma_semaphore, #tpu.memory_space<semaphore_mem>>)
      %dma_wait3A = arith.constant 0 : i32
      %dma_wait3A_94 = tpu.memref_slice %arg9[%add3A_50, %dma_wait3A] : memref<10240x128xf32, #tpu.memory_space<vmem_shared>> -> memref<128x128xf32, #tpu.memory_space<vmem_shared>>
      %dma_wait3A_95 = arith.constant 0 : i32
      %dma_wait3A_96 = tpu.memref_slice %arg9[%add3A_50, %dma_wait3A_95] : memref<10240x128xf32, #tpu.memory_space<vmem_shared>> -> memref<128x128xf32, #tpu.memory_space<vmem_shared>>
      tpu.wait_dma2 semaphore(%run_scoped3A : memref<!tpu.dma_semaphore, #tpu.memory_space<semaphore_mem>>) src(%dma_wait3A_96 : memref<128x128xf32, #tpu.memory_space<vmem_shared>>) dst(%arg8 : memref<128x128xf32, #tpu.memory_space<vmem>>)
      tpu.yield
    }) : () -> ()
    "tpu.region"() ({
      %run_scoped3A = tpu.sem_alloc : memref<!tpu.dma_semaphore, #tpu.memory_space<semaphore_mem>>
      %dma_start3A = arith.constant 0 : i32
      %dma_start3A_91 = tpu.memref_slice %arg5[%add3A_57, %dma_start3A] : memref<20480x128xf32, #tpu.memory_space<hbm>> -> memref<128x128xf32, #tpu.memory_space<hbm>>
      %dma_start3A_92 = arith.constant 0 : i32
      %dma_start3A_93 = tpu.memref_slice %arg5[%add3A_57, %dma_start3A_92] : memref<20480x128xf32, #tpu.memory_space<hbm>> -> memref<128x128xf32, #tpu.memory_space<hbm>>
      tpu.enqueue_dma source(%arg8 : memref<128x128xf32, #tpu.memory_space<vmem>>) target(%dma_start3A_93 : memref<128x128xf32, #tpu.memory_space<hbm>>) target_semaphore(%run_scoped3A : memref<!tpu.dma_semaphore, #tpu.memory_space<semaphore_mem>>)
      %dma_wait3A = arith.constant 0 : i32
      %dma_wait3A_94 = tpu.memref_slice %arg5[%add3A_57, %dma_wait3A] : memref<20480x128xf32, #tpu.memory_space<hbm>> -> memref<128x128xf32, #tpu.memory_space<hbm>>
      %dma_wait3A_95 = arith.constant 0 : i32
      %dma_wait3A_96 = tpu.memref_slice %arg5[%add3A_57, %dma_wait3A_95] : memref<20480x128xf32, #tpu.memory_space<hbm>> -> memref<128x128xf32, #tpu.memory_space<hbm>>
      tpu.wait_dma2 semaphore(%run_scoped3A : memref<!tpu.dma_semaphore, #tpu.memory_space<semaphore_mem>>) src(%arg8 : memref<128x128xf32, #tpu.memory_space<vmem>>) dst(%dma_wait3A_96 : memref<128x128xf32, #tpu.memory_space<hbm>>)
      tpu.yield
    }) : () -> ()
    %mul3A_58 = arith.constant 640 : i32
    %mul3A_59 = arith.muli %arg1, %mul3A_58 : i32
    %add3A_60 = arith.constant 256 : i32
    %add3A_61 = arith.addi %mul3A_59, %add3A_60 : i32
    %mul3A_62 = arith.constant 10240 : i32
    %mul3A_63 = arith.muli %arg0, %mul3A_62 : i32
    %mul3A_64 = arith.constant 640 : i32
    %mul3A_65 = arith.muli %arg1, %mul3A_64 : i32
    %add3A_66 = arith.addi %mul3A_63, %mul3A_65 : i32
    %add3A_67 = arith.constant 256 : i32
    %add3A_68 = arith.addi %add3A_66, %add3A_67 : i32
    "tpu.region"() ({
      %run_scoped3A = tpu.sem_alloc : memref<!tpu.dma_semaphore, #tpu.memory_space<semaphore_mem>>
      %dma_start3A = arith.constant 0 : i32
      %dma_start3A_91 = tpu.memref_slice %arg9[%add3A_61, %dma_start3A] : memref<10240x128xf32, #tpu.memory_space<vmem_shared>> -> memref<128x128xf32, #tpu.memory_space<vmem_shared>>
      %dma_start3A_92 = arith.constant 0 : i32
      %dma_start3A_93 = tpu.memref_slice %arg9[%add3A_61, %dma_start3A_92] : memref<10240x128xf32, #tpu.memory_space<vmem_shared>> -> memref<128x128xf32, #tpu.memory_space<vmem_shared>>
      tpu.enqueue_dma source(%dma_start3A_93 : memref<128x128xf32, #tpu.memory_space<vmem_shared>>) target(%arg8 : memref<128x128xf32, #tpu.memory_space<vmem>>) target_semaphore(%run_scoped3A : memref<!tpu.dma_semaphore, #tpu.memory_space<semaphore_mem>>)
      %dma_wait3A = arith.constant 0 : i32
      %dma_wait3A_94 = tpu.memref_slice %arg9[%add3A_61, %dma_wait3A] : memref<10240x128xf32, #tpu.memory_space<vmem_shared>> -> memref<128x128xf32, #tpu.memory_space<vmem_shared>>
      %dma_wait3A_95 = arith.constant 0 : i32
      %dma_wait3A_96 = tpu.memref_slice %arg9[%add3A_61, %dma_wait3A_95] : memref<10240x128xf32, #tpu.memory_space<vmem_shared>> -> memref<128x128xf32, #tpu.memory_space<vmem_shared>>
      tpu.wait_dma2 semaphore(%run_scoped3A : memref<!tpu.dma_semaphore, #tpu.memory_space<semaphore_mem>>) src(%dma_wait3A_96 : memref<128x128xf32, #tpu.memory_space<vmem_shared>>) dst(%arg8 : memref<128x128xf32, #tpu.memory_space<vmem>>)
      tpu.yield
    }) : () -> ()
    "tpu.region"() ({
      %run_scoped3A = tpu.sem_alloc : memref<!tpu.dma_semaphore, #tpu.memory_space<semaphore_mem>>
      %dma_start3A = arith.constant 0 : i32
      %dma_start3A_91 = tpu.memref_slice %arg5[%add3A_68, %dma_start3A] : memref<20480x128xf32, #tpu.memory_space<hbm>> -> memref<128x128xf32, #tpu.memory_space<hbm>>
      %dma_start3A_92 = arith.constant 0 : i32
      %dma_start3A_93 = tpu.memref_slice %arg5[%add3A_68, %dma_start3A_92] : memref<20480x128xf32, #tpu.memory_space<hbm>> -> memref<128x128xf32, #tpu.memory_space<hbm>>
      tpu.enqueue_dma source(%arg8 : memref<128x128xf32, #tpu.memory_space<vmem>>) target(%dma_start3A_93 : memref<128x128xf32, #tpu.memory_space<hbm>>) target_semaphore(%run_scoped3A : memref<!tpu.dma_semaphore, #tpu.memory_space<semaphore_mem>>)
      %dma_wait3A = arith.constant 0 : i32
      %dma_wait3A_94 = tpu.memref_slice %arg5[%add3A_68, %dma_wait3A] : memref<20480x128xf32, #tpu.memory_space<hbm>> -> memref<128x128xf32, #tpu.memory_space<hbm>>
      %dma_wait3A_95 = arith.constant 0 : i32
      %dma_wait3A_96 = tpu.memref_slice %arg5[%add3A_68, %dma_wait3A_95] : memref<20480x128xf32, #tpu.memory_space<hbm>> -> memref<128x128xf32, #tpu.memory_space<hbm>>
      tpu.wait_dma2 semaphore(%run_scoped3A : memref<!tpu.dma_semaphore, #tpu.memory_space<semaphore_mem>>) src(%arg8 : memref<128x128xf32, #tpu.memory_space<vmem>>) dst(%dma_wait3A_96 : memref<128x128xf32, #tpu.memory_space<hbm>>)
      tpu.yield
    }) : () -> ()
    %mul3A_69 = arith.constant 640 : i32
    %mul3A_70 = arith.muli %arg1, %mul3A_69 : i32
    %add3A_71 = arith.constant 384 : i32
    %add3A_72 = arith.addi %mul3A_70, %add3A_71 : i32
    %mul3A_73 = arith.constant 10240 : i32
    %mul3A_74 = arith.muli %arg0, %mul3A_73 : i32
    %mul3A_75 = arith.constant 640 : i32
    %mul3A_76 = arith.muli %arg1, %mul3A_75 : i32
    %add3A_77 = arith.addi %mul3A_74, %mul3A_76 : i32
    %add3A_78 = arith.constant 384 : i32
    %add3A_79 = arith.addi %add3A_77, %add3A_78 : i32
    "tpu.region"() ({
      %run_scoped3A = tpu.sem_alloc : memref<!tpu.dma_semaphore, #tpu.memory_space<semaphore_mem>>
      %dma_start3A = arith.constant 0 : i32
      %dma_start3A_91 = tpu.memref_slice %arg9[%add3A_72, %dma_start3A] : memref<10240x128xf32, #tpu.memory_space<vmem_shared>> -> memref<128x128xf32, #tpu.memory_space<vmem_shared>>
      %dma_start3A_92 = arith.constant 0 : i32
      %dma_start3A_93 = tpu.memref_slice %arg9[%add3A_72, %dma_start3A_92] : memref<10240x128xf32, #tpu.memory_space<vmem_shared>> -> memref<128x128xf32, #tpu.memory_space<vmem_shared>>
      tpu.enqueue_dma source(%dma_start3A_93 : memref<128x128xf32, #tpu.memory_space<vmem_shared>>) target(%arg8 : memref<128x128xf32, #tpu.memory_space<vmem>>) target_semaphore(%run_scoped3A : memref<!tpu.dma_semaphore, #tpu.memory_space<semaphore_mem>>)
      %dma_wait3A = arith.constant 0 : i32
      %dma_wait3A_94 = tpu.memref_slice %arg9[%add3A_72, %dma_wait3A] : memref<10240x128xf32, #tpu.memory_space<vmem_shared>> -> memref<128x128xf32, #tpu.memory_space<vmem_shared>>
      %dma_wait3A_95 = arith.constant 0 : i32
      %dma_wait3A_96 = tpu.memref_slice %arg9[%add3A_72, %dma_wait3A_95] : memref<10240x128xf32, #tpu.memory_space<vmem_shared>> -> memref<128x128xf32, #tpu.memory_space<vmem_shared>>
      tpu.wait_dma2 semaphore(%run_scoped3A : memref<!tpu.dma_semaphore, #tpu.memory_space<semaphore_mem>>) src(%dma_wait3A_96 : memref<128x128xf32, #tpu.memory_space<vmem_shared>>) dst(%arg8 : memref<128x128xf32, #tpu.memory_space<vmem>>)
      tpu.yield
    }) : () -> ()
    "tpu.region"() ({
      %run_scoped3A = tpu.sem_alloc : memref<!tpu.dma_semaphore, #tpu.memory_space<semaphore_mem>>
      %dma_start3A = arith.constant 0 : i32
      %dma_start3A_91 = tpu.memref_slice %arg5[%add3A_79, %dma_start3A] : memref<20480x128xf32, #tpu.memory_space<hbm>> -> memref<128x128xf32, #tpu.memory_space<hbm>>
      %dma_start3A_92 = arith.constant 0 : i32
      %dma_start3A_93 = tpu.memref_slice %arg5[%add3A_79, %dma_start3A_92] : memref<20480x128xf32, #tpu.memory_space<hbm>> -> memref<128x128xf32, #tpu.memory_space<hbm>>
      tpu.enqueue_dma source(%arg8 : memref<128x128xf32, #tpu.memory_space<vmem>>) target(%dma_start3A_93 : memref<128x128xf32, #tpu.memory_space<hbm>>) target_semaphore(%run_scoped3A : memref<!tpu.dma_semaphore, #tpu.memory_space<semaphore_mem>>)
      %dma_wait3A = arith.constant 0 : i32
      %dma_wait3A_94 = tpu.memref_slice %arg5[%add3A_79, %dma_wait3A] : memref<20480x128xf32, #tpu.memory_space<hbm>> -> memref<128x128xf32, #tpu.memory_space<hbm>>
      %dma_wait3A_95 = arith.constant 0 : i32
      %dma_wait3A_96 = tpu.memref_slice %arg5[%add3A_79, %dma_wait3A_95] : memref<20480x128xf32, #tpu.memory_space<hbm>> -> memref<128x128xf32, #tpu.memory_space<hbm>>
      tpu.wait_dma2 semaphore(%run_scoped3A : memref<!tpu.dma_semaphore, #tpu.memory_space<semaphore_mem>>) src(%arg8 : memref<128x128xf32, #tpu.memory_space<vmem>>) dst(%dma_wait3A_96 : memref<128x128xf32, #tpu.memory_space<hbm>>)
      tpu.yield
    }) : () -> ()
    %mul3A_80 = arith.constant 640 : i32
    %mul3A_81 = arith.muli %arg1, %mul3A_80 : i32
    %add3A_82 = arith.constant 512 : i32
    %add3A_83 = arith.addi %mul3A_81, %add3A_82 : i32
    %mul3A_84 = arith.constant 10240 : i32
    %mul3A_85 = arith.muli %arg0, %mul3A_84 : i32
    %mul3A_86 = arith.constant 640 : i32
    %mul3A_87 = arith.muli %arg1, %mul3A_86 : i32
    %add3A_88 = arith.addi %mul3A_85, %mul3A_87 : i32
    %add3A_89 = arith.constant 512 : i32
    %add3A_90 = arith.addi %add3A_88, %add3A_89 : i32
    "tpu.region"() ({
      %run_scoped3A = tpu.sem_alloc : memref<!tpu.dma_semaphore, #tpu.memory_space<semaphore_mem>>
      %dma_start3A = arith.constant 0 : i32
      %dma_start3A_91 = tpu.memref_slice %arg9[%add3A_83, %dma_start3A] : memref<10240x128xf32, #tpu.memory_space<vmem_shared>> -> memref<128x128xf32, #tpu.memory_space<vmem_shared>>
      %dma_start3A_92 = arith.constant 0 : i32
      %dma_start3A_93 = tpu.memref_slice %arg9[%add3A_83, %dma_start3A_92] : memref<10240x128xf32, #tpu.memory_space<vmem_shared>> -> memref<128x128xf32, #tpu.memory_space<vmem_shared>>
      tpu.enqueue_dma source(%dma_start3A_93 : memref<128x128xf32, #tpu.memory_space<vmem_shared>>) target(%arg8 : memref<128x128xf32, #tpu.memory_space<vmem>>) target_semaphore(%run_scoped3A : memref<!tpu.dma_semaphore, #tpu.memory_space<semaphore_mem>>)
      %dma_wait3A = arith.constant 0 : i32
      %dma_wait3A_94 = tpu.memref_slice %arg9[%add3A_83, %dma_wait3A] : memref<10240x128xf32, #tpu.memory_space<vmem_shared>> -> memref<128x128xf32, #tpu.memory_space<vmem_shared>>
      %dma_wait3A_95 = arith.constant 0 : i32
      %dma_wait3A_96 = tpu.memref_slice %arg9[%add3A_83, %dma_wait3A_95] : memref<10240x128xf32, #tpu.memory_space<vmem_shared>> -> memref<128x128xf32, #tpu.memory_space<vmem_shared>>
      tpu.wait_dma2 semaphore(%run_scoped3A : memref<!tpu.dma_semaphore, #tpu.memory_space<semaphore_mem>>) src(%dma_wait3A_96 : memref<128x128xf32, #tpu.memory_space<vmem_shared>>) dst(%arg8 : memref<128x128xf32, #tpu.memory_space<vmem>>)
      tpu.yield
    }) : () -> ()
    "tpu.region"() ({
      %run_scoped3A = tpu.sem_alloc : memref<!tpu.dma_semaphore, #tpu.memory_space<semaphore_mem>>
      %dma_start3A = arith.constant 0 : i32
      %dma_start3A_91 = tpu.memref_slice %arg5[%add3A_90, %dma_start3A] : memref<20480x128xf32, #tpu.memory_space<hbm>> -> memref<128x128xf32, #tpu.memory_space<hbm>>
      %dma_start3A_92 = arith.constant 0 : i32
      %dma_start3A_93 = tpu.memref_slice %arg5[%add3A_90, %dma_start3A_92] : memref<20480x128xf32, #tpu.memory_space<hbm>> -> memref<128x128xf32, #tpu.memory_space<hbm>>
      tpu.enqueue_dma source(%arg8 : memref<128x128xf32, #tpu.memory_space<vmem>>) target(%dma_start3A_93 : memref<128x128xf32, #tpu.memory_space<hbm>>) target_semaphore(%run_scoped3A : memref<!tpu.dma_semaphore, #tpu.memory_space<semaphore_mem>>)
      %dma_wait3A = arith.constant 0 : i32
      %dma_wait3A_94 = tpu.memref_slice %arg5[%add3A_90, %dma_wait3A] : memref<20480x128xf32, #tpu.memory_space<hbm>> -> memref<128x128xf32, #tpu.memory_space<hbm>>
      %dma_wait3A_95 = arith.constant 0 : i32
      %dma_wait3A_96 = tpu.memref_slice %arg5[%add3A_90, %dma_wait3A_95] : memref<20480x128xf32, #tpu.memory_space<hbm>> -> memref<128x128xf32, #tpu.memory_space<hbm>>
      tpu.wait_dma2 semaphore(%run_scoped3A : memref<!tpu.dma_semaphore, #tpu.memory_space<semaphore_mem>>) src(%arg8 : memref<128x128xf32, #tpu.memory_space<vmem>>) dst(%dma_wait3A_96 : memref<128x128xf32, #tpu.memory_space<hbm>>)
      tpu.yield
    }) : () -> ()
    return
  }
}

#map = affine_map<(d0, d1) -> (0, 0)>
#map1 = affine_map<(d0, d1) -> (0, 0, 0)>
#map2 = affine_map<(d0, d1) -> (0)>
module attributes {stable_mosaic.version = 14 : i64} {
  func.func @_sc1_body(%arg0: i32, %arg1: i32, %arg2: memref<20480x128xf32, #tpu.memory_space<hbm>>, %arg3: memref<64x41x128xi32, #tpu.memory_space<hbm>>, %arg4: memref<32x40x128xi32, #tpu.memory_space<hbm>>, %arg5: memref<64x20x128xi32, #tpu.memory_space<hbm>>, %arg6: memref<64x20x128xf32, #tpu.memory_space<hbm>>, %arg7: memref<20480x128xf32, #tpu.memory_space<hbm>>, %arg8: memref<20480xf32, #tpu.memory_space<hbm>>, %arg9: memref<41x128xi32, #tpu.memory_space<vmem>>, %arg10: memref<40x128xi32, #tpu.memory_space<vmem>>, %arg11: memref<20x128xi32, #tpu.memory_space<vmem>>, %arg12: memref<20x128xf32, #tpu.memory_space<vmem>>, %arg13: memref<128x128xf32, #tpu.memory_space<vmem>>, %arg14: memref<10240x128xf32, #tpu.memory_space<vmem_shared>>, %arg15: memref<10240xf32, #tpu.memory_space<vmem_shared>>, %arg16: memref<!tpu.dma_semaphore, #tpu.memory_space<semaphore_mem>>) attributes {dimension_semantics = [#tpu.dimension_semantics<core_parallel>, #tpu.dimension_semantics<subcore_parallel>], iteration_bounds = array<i64: 2, 16>, scalar_prefetch = 0 : i64, scratch_operands = 8 : i64, tpu.core_type = #tpu.core_type<sc_vector_subcore>, window_params = [{transform_indices = #map}, {transform_indices = #map1}, {transform_indices = #map1}, {transform_indices = #map1}, {transform_indices = #map1}, {transform_indices = #map}, {transform_indices = #map2}]} {
    %mul3A = arith.constant 16 : i32
    %mul3A_0 = arith.muli %arg0, %mul3A : i32
    %add3A = arith.addi %mul3A_0, %arg1 : i32
    %scan3A = arith.constant 0 : i32
    %scan3A_1 = arith.constant 0 : i32
    %scan3A_2 = arith.constant 1024 : i32
    %scan3A_3 = arith.addi %scan3A_1, %scan3A_2 : i32
    %scan3A_4 = arith.constant 1 : i32
    scf.for %scan3A_152 = %scan3A_1 to %scan3A_3 step %scan3A_4  : i32 {
      %jit3A = arith.constant 8 : i32
      %div3A = arith.divsi %scan3A_152, %jit3A : i32
      %sign3A = arith.constant 0 : i32
      %sign3A_153 = arith.cmpi sgt, %scan3A_152, %sign3A : i32
      %sign3A_154 = arith.extui %sign3A_153 : i1 to i32
      %sign3A_155 = arith.constant 0 : i32
      %sign3A_156 = arith.cmpi slt, %scan3A_152, %sign3A_155 : i32
      %sign3A_157 = arith.extui %sign3A_156 : i1 to i32
      %sign3A_158 = arith.subi %sign3A_154, %sign3A_157 : i32
      %sign3A_159 = arith.constant 0 : i32
      %sign3A_160 = arith.cmpi sgt, %jit3A, %sign3A_159 : i32
      %sign3A_161 = arith.extui %sign3A_160 : i1 to i32
      %sign3A_162 = arith.constant 0 : i32
      %sign3A_163 = arith.cmpi slt, %jit3A, %sign3A_162 : i32
      %sign3A_164 = arith.extui %sign3A_163 : i1 to i32
      %sign3A_165 = arith.subi %sign3A_161, %sign3A_164 : i32
      %ne3A = arith.cmpi ne, %sign3A_158, %sign3A_165 : i32
      %rem3A = arith.remsi %scan3A_152, %jit3A : i32
      %ne3A_166 = arith.constant 0 : i32
      %ne3A_167 = arith.cmpi ne, %rem3A, %ne3A_166 : i32
      %and3A = arith.andi %ne3A, %ne3A_167 : i1
      %sub3A = arith.constant 1 : i32
      %sub3A_168 = arith.subi %div3A, %sub3A : i32
      %select_n3A = arith.select %and3A, %sub3A_168, %div3A : i32
      %rem3A_169 = arith.constant 8 : i32
      %rem3A_170 = arith.remsi %scan3A_152, %rem3A_169 : i32
      %mul3A_171 = arith.constant 16 : i32
      %mul3A_172 = arith.muli %rem3A_170, %mul3A_171 : i32
      %broadcast_in_dim3A = arith.constant 0.000000e+00 : f32
      %broadcast_in_dim3A_173 = vector.broadcast %broadcast_in_dim3A : f32 to vector<16xf32>
      %swap3A = arith.index_cast %select_n3A : i32 to index
      %swap3A_174 = arith.index_cast %mul3A_172 : i32 to index
      %swap3A_175 = tpu.vector_load %arg13[%swap3A, %swap3A_174] {strides = array<i32>} : memref<128x128xf32, #tpu.memory_space<vmem>>, vector<1x16xf32>,
      %swap3A_176 = vector.shape_cast %swap3A_175 : vector<1x16xf32> to vector<16xf32>
      %swap3A_177 = vector.shape_cast %broadcast_in_dim3A_173 : vector<16xf32> to vector<1x16xf32>
      tpu.vector_store %arg13[%swap3A, %swap3A_174], %swap3A_177 {strides = array<i32>} : memref<128x128xf32, #tpu.memory_space<vmem>>, vector<1x16xf32>,
    }
    %scan3A_5 = arith.constant 1024 : i32
    %mul3A_6 = arith.constant 640 : i32
    %mul3A_7 = arith.muli %arg1, %mul3A_6 : i32
    %add3A_8 = arith.constant 0 : i32
    %add3A_9 = arith.addi %mul3A_7, %add3A_8 : i32
    "tpu.region"() ({
      %run_scoped3A_152 = tpu.sem_alloc : memref<!tpu.dma_semaphore, #tpu.memory_space<semaphore_mem>>
      %dma_start3A = arith.constant 0 : i32
      %dma_start3A_153 = tpu.memref_slice %arg14[%add3A_9, %dma_start3A] : memref<10240x128xf32, #tpu.memory_space<vmem_shared>> -> memref<128x128xf32, #tpu.memory_space<vmem_shared>>
      %dma_start3A_154 = arith.constant 0 : i32
      %dma_start3A_155 = tpu.memref_slice %arg14[%add3A_9, %dma_start3A_154] : memref<10240x128xf32, #tpu.memory_space<vmem_shared>> -> memref<128x128xf32, #tpu.memory_space<vmem_shared>>
      tpu.enqueue_dma source(%arg13 : memref<128x128xf32, #tpu.memory_space<vmem>>) target(%dma_start3A_155 : memref<128x128xf32, #tpu.memory_space<vmem_shared>>) target_semaphore(%run_scoped3A_152 : memref<!tpu.dma_semaphore, #tpu.memory_space<semaphore_mem>>)
      %dma_wait3A = arith.constant 0 : i32
      %dma_wait3A_156 = tpu.memref_slice %arg14[%add3A_9, %dma_wait3A] : memref<10240x128xf32, #tpu.memory_space<vmem_shared>> -> memref<128x128xf32, #tpu.memory_space<vmem_shared>>
      %dma_wait3A_157 = arith.constant 0 : i32
      %dma_wait3A_158 = tpu.memref_slice %arg14[%add3A_9, %dma_wait3A_157] : memref<10240x128xf32, #tpu.memory_space<vmem_shared>> -> memref<128x128xf32, #tpu.memory_space<vmem_shared>>
      tpu.wait_dma2 semaphore(%run_scoped3A_152 : memref<!tpu.dma_semaphore, #tpu.memory_space<semaphore_mem>>) src(%arg13 : memref<128x128xf32, #tpu.memory_space<vmem>>) dst(%dma_wait3A_158 : memref<128x128xf32, #tpu.memory_space<vmem_shared>>)
      tpu.yield
    }) : () -> ()
    %run_scoped3A = arith.constant 0 : i32
    "tpu.region"() ({
      %run_scoped3A_152 = tpu.sem_alloc : memref<!tpu.dma_semaphore, #tpu.memory_space<semaphore_mem>>
      %dma_start3A = arith.constant 0 : i32
      %dma_start3A_153 = tpu.memref_slice %arg13[%run_scoped3A, %dma_start3A] : memref<128x128xf32, #tpu.memory_space<vmem>> -> memref<1x128xf32, #tpu.memory_space<vmem>>
      %dma_start3A_154 = tpu.memref_squeeze %dma_start3A_153 : memref<1x128xf32, #tpu.memory_space<vmem>> -> memref<128xf32, #tpu.memory_space<vmem>>
      %dma_start3A_155 = tpu.memref_slice %arg15[%add3A_9] : memref<10240xf32, #tpu.memory_space<vmem_shared>> -> memref<128xf32, #tpu.memory_space<vmem_shared>>
      %dma_start3A_156 = tpu.memref_slice %arg15[%add3A_9] : memref<10240xf32, #tpu.memory_space<vmem_shared>> -> memref<128xf32, #tpu.memory_space<vmem_shared>>
      %dma_start3A_157 = arith.constant 0 : i32
      %dma_start3A_158 = tpu.memref_slice %arg13[%run_scoped3A, %dma_start3A_157] : memref<128x128xf32, #tpu.memory_space<vmem>> -> memref<1x128xf32, #tpu.memory_space<vmem>>
      %dma_start3A_159 = tpu.memref_squeeze %dma_start3A_158 : memref<1x128xf32, #tpu.memory_space<vmem>> -> memref<128xf32, #tpu.memory_space<vmem>>
      tpu.enqueue_dma source(%dma_start3A_159 : memref<128xf32, #tpu.memory_space<vmem>>) target(%dma_start3A_156 : memref<128xf32, #tpu.memory_space<vmem_shared>>) target_semaphore(%run_scoped3A_152 : memref<!tpu.dma_semaphore, #tpu.memory_space<semaphore_mem>>)
      %dma_wait3A = arith.constant 0 : i32
      %dma_wait3A_160 = tpu.memref_slice %arg13[%run_scoped3A, %dma_wait3A] : memref<128x128xf32, #tpu.memory_space<vmem>> -> memref<1x128xf32, #tpu.memory_space<vmem>>
      %dma_wait3A_161 = tpu.memref_squeeze %dma_wait3A_160 : memref<1x128xf32, #tpu.memory_space<vmem>> -> memref<128xf32, #tpu.memory_space<vmem>>
      %dma_wait3A_162 = tpu.memref_slice %arg15[%add3A_9] : memref<10240xf32, #tpu.memory_space<vmem_shared>> -> memref<128xf32, #tpu.memory_space<vmem_shared>>
      %dma_wait3A_163 = tpu.memref_slice %arg15[%add3A_9] : memref<10240xf32, #tpu.memory_space<vmem_shared>> -> memref<128xf32, #tpu.memory_space<vmem_shared>>
      %dma_wait3A_164 = arith.constant 0 : i32
      %dma_wait3A_165 = tpu.memref_slice %arg13[%run_scoped3A, %dma_wait3A_164] : memref<128x128xf32, #tpu.memory_space<vmem>> -> memref<1x128xf32, #tpu.memory_space<vmem>>
      %dma_wait3A_166 = tpu.memref_squeeze %dma_wait3A_165 : memref<1x128xf32, #tpu.memory_space<vmem>> -> memref<128xf32, #tpu.memory_space<vmem>>
      tpu.wait_dma2 semaphore(%run_scoped3A_152 : memref<!tpu.dma_semaphore, #tpu.memory_space<semaphore_mem>>) src(%dma_wait3A_166 : memref<128xf32, #tpu.memory_space<vmem>>) dst(%dma_wait3A_163 : memref<128xf32, #tpu.memory_space<vmem_shared>>)
      tpu.yield
    }) : () -> ()
    %mul3A_10 = arith.constant 640 : i32
    %mul3A_11 = arith.muli %arg1, %mul3A_10 : i32
    %add3A_12 = arith.constant 128 : i32
    %add3A_13 = arith.addi %mul3A_11, %add3A_12 : i32
    "tpu.region"() ({
      %run_scoped3A_152 = tpu.sem_alloc : memref<!tpu.dma_semaphore, #tpu.memory_space<semaphore_mem>>
      %dma_start3A = arith.constant 0 : i32
      %dma_start3A_153 = tpu.memref_slice %arg14[%add3A_13, %dma_start3A] : memref<10240x128xf32, #tpu.memory_space<vmem_shared>> -> memref<128x128xf32, #tpu.memory_space<vmem_shared>>
      %dma_start3A_154 = arith.constant 0 : i32
      %dma_start3A_155 = tpu.memref_slice %arg14[%add3A_13, %dma_start3A_154] : memref<10240x128xf32, #tpu.memory_space<vmem_shared>> -> memref<128x128xf32, #tpu.memory_space<vmem_shared>>
      tpu.enqueue_dma source(%arg13 : memref<128x128xf32, #tpu.memory_space<vmem>>) target(%dma_start3A_155 : memref<128x128xf32, #tpu.memory_space<vmem_shared>>) target_semaphore(%run_scoped3A_152 : memref<!tpu.dma_semaphore, #tpu.memory_space<semaphore_mem>>)
      %dma_wait3A = arith.constant 0 : i32
      %dma_wait3A_156 = tpu.memref_slice %arg14[%add3A_13, %dma_wait3A] : memref<10240x128xf32, #tpu.memory_space<vmem_shared>> -> memref<128x128xf32, #tpu.memory_space<vmem_shared>>
      %dma_wait3A_157 = arith.constant 0 : i32
      %dma_wait3A_158 = tpu.memref_slice %arg14[%add3A_13, %dma_wait3A_157] : memref<10240x128xf32, #tpu.memory_space<vmem_shared>> -> memref<128x128xf32, #tpu.memory_space<vmem_shared>>
      tpu.wait_dma2 semaphore(%run_scoped3A_152 : memref<!tpu.dma_semaphore, #tpu.memory_space<semaphore_mem>>) src(%arg13 : memref<128x128xf32, #tpu.memory_space<vmem>>) dst(%dma_wait3A_158 : memref<128x128xf32, #tpu.memory_space<vmem_shared>>)
      tpu.yield
    }) : () -> ()
    %run_scoped3A_14 = arith.constant 0 : i32
    "tpu.region"() ({
      %run_scoped3A_152 = tpu.sem_alloc : memref<!tpu.dma_semaphore, #tpu.memory_space<semaphore_mem>>
      %dma_start3A = arith.constant 0 : i32
      %dma_start3A_153 = tpu.memref_slice %arg13[%run_scoped3A_14, %dma_start3A] : memref<128x128xf32, #tpu.memory_space<vmem>> -> memref<1x128xf32, #tpu.memory_space<vmem>>
      %dma_start3A_154 = tpu.memref_squeeze %dma_start3A_153 : memref<1x128xf32, #tpu.memory_space<vmem>> -> memref<128xf32, #tpu.memory_space<vmem>>
      %dma_start3A_155 = tpu.memref_slice %arg15[%add3A_13] : memref<10240xf32, #tpu.memory_space<vmem_shared>> -> memref<128xf32, #tpu.memory_space<vmem_shared>>
      %dma_start3A_156 = tpu.memref_slice %arg15[%add3A_13] : memref<10240xf32, #tpu.memory_space<vmem_shared>> -> memref<128xf32, #tpu.memory_space<vmem_shared>>
      %dma_start3A_157 = arith.constant 0 : i32
      %dma_start3A_158 = tpu.memref_slice %arg13[%run_scoped3A_14, %dma_start3A_157] : memref<128x128xf32, #tpu.memory_space<vmem>> -> memref<1x128xf32, #tpu.memory_space<vmem>>
      %dma_start3A_159 = tpu.memref_squeeze %dma_start3A_158 : memref<1x128xf32, #tpu.memory_space<vmem>> -> memref<128xf32, #tpu.memory_space<vmem>>
      tpu.enqueue_dma source(%dma_start3A_159 : memref<128xf32, #tpu.memory_space<vmem>>) target(%dma_start3A_156 : memref<128xf32, #tpu.memory_space<vmem_shared>>) target_semaphore(%run_scoped3A_152 : memref<!tpu.dma_semaphore, #tpu.memory_space<semaphore_mem>>)
      %dma_wait3A = arith.constant 0 : i32
      %dma_wait3A_160 = tpu.memref_slice %arg13[%run_scoped3A_14, %dma_wait3A] : memref<128x128xf32, #tpu.memory_space<vmem>> -> memref<1x128xf32, #tpu.memory_space<vmem>>
      %dma_wait3A_161 = tpu.memref_squeeze %dma_wait3A_160 : memref<1x128xf32, #tpu.memory_space<vmem>> -> memref<128xf32, #tpu.memory_space<vmem>>
      %dma_wait3A_162 = tpu.memref_slice %arg15[%add3A_13] : memref<10240xf32, #tpu.memory_space<vmem_shared>> -> memref<128xf32, #tpu.memory_space<vmem_shared>>
      %dma_wait3A_163 = tpu.memref_slice %arg15[%add3A_13] : memref<10240xf32, #tpu.memory_space<vmem_shared>> -> memref<128xf32, #tpu.memory_space<vmem_shared>>
      %dma_wait3A_164 = arith.constant 0 : i32
      %dma_wait3A_165 = tpu.memref_slice %arg13[%run_scoped3A_14, %dma_wait3A_164] : memref<128x128xf32, #tpu.memory_space<vmem>> -> memref<1x128xf32, #tpu.memory_space<vmem>>
      %dma_wait3A_166 = tpu.memref_squeeze %dma_wait3A_165 : memref<1x128xf32, #tpu.memory_space<vmem>> -> memref<128xf32, #tpu.memory_space<vmem>>
      tpu.wait_dma2 semaphore(%run_scoped3A_152 : memref<!tpu.dma_semaphore, #tpu.memory_space<semaphore_mem>>) src(%dma_wait3A_166 : memref<128xf32, #tpu.memory_space<vmem>>) dst(%dma_wait3A_163 : memref<128xf32, #tpu.memory_space<vmem_shared>>)
      tpu.yield
    }) : () -> ()
    %mul3A_15 = arith.constant 640 : i32
    %mul3A_16 = arith.muli %arg1, %mul3A_15 : i32
    %add3A_17 = arith.constant 256 : i32
    %add3A_18 = arith.addi %mul3A_16, %add3A_17 : i32
    "tpu.region"() ({
      %run_scoped3A_152 = tpu.sem_alloc : memref<!tpu.dma_semaphore, #tpu.memory_space<semaphore_mem>>
      %dma_start3A = arith.constant 0 : i32
      %dma_start3A_153 = tpu.memref_slice %arg14[%add3A_18, %dma_start3A] : memref<10240x128xf32, #tpu.memory_space<vmem_shared>> -> memref<128x128xf32, #tpu.memory_space<vmem_shared>>
      %dma_start3A_154 = arith.constant 0 : i32
      %dma_start3A_155 = tpu.memref_slice %arg14[%add3A_18, %dma_start3A_154] : memref<10240x128xf32, #tpu.memory_space<vmem_shared>> -> memref<128x128xf32, #tpu.memory_space<vmem_shared>>
      tpu.enqueue_dma source(%arg13 : memref<128x128xf32, #tpu.memory_space<vmem>>) target(%dma_start3A_155 : memref<128x128xf32, #tpu.memory_space<vmem_shared>>) target_semaphore(%run_scoped3A_152 : memref<!tpu.dma_semaphore, #tpu.memory_space<semaphore_mem>>)
      %dma_wait3A = arith.constant 0 : i32
      %dma_wait3A_156 = tpu.memref_slice %arg14[%add3A_18, %dma_wait3A] : memref<10240x128xf32, #tpu.memory_space<vmem_shared>> -> memref<128x128xf32, #tpu.memory_space<vmem_shared>>
      %dma_wait3A_157 = arith.constant 0 : i32
      %dma_wait3A_158 = tpu.memref_slice %arg14[%add3A_18, %dma_wait3A_157] : memref<10240x128xf32, #tpu.memory_space<vmem_shared>> -> memref<128x128xf32, #tpu.memory_space<vmem_shared>>
      tpu.wait_dma2 semaphore(%run_scoped3A_152 : memref<!tpu.dma_semaphore, #tpu.memory_space<semaphore_mem>>) src(%arg13 : memref<128x128xf32, #tpu.memory_space<vmem>>) dst(%dma_wait3A_158 : memref<128x128xf32, #tpu.memory_space<vmem_shared>>)
      tpu.yield
    }) : () -> ()
    %run_scoped3A_19 = arith.constant 0 : i32
    "tpu.region"() ({
      %run_scoped3A_152 = tpu.sem_alloc : memref<!tpu.dma_semaphore, #tpu.memory_space<semaphore_mem>>
      %dma_start3A = arith.constant 0 : i32
      %dma_start3A_153 = tpu.memref_slice %arg13[%run_scoped3A_19, %dma_start3A] : memref<128x128xf32, #tpu.memory_space<vmem>> -> memref<1x128xf32, #tpu.memory_space<vmem>>
      %dma_start3A_154 = tpu.memref_squeeze %dma_start3A_153 : memref<1x128xf32, #tpu.memory_space<vmem>> -> memref<128xf32, #tpu.memory_space<vmem>>
      %dma_start3A_155 = tpu.memref_slice %arg15[%add3A_18] : memref<10240xf32, #tpu.memory_space<vmem_shared>> -> memref<128xf32, #tpu.memory_space<vmem_shared>>
      %dma_start3A_156 = tpu.memref_slice %arg15[%add3A_18] : memref<10240xf32, #tpu.memory_space<vmem_shared>> -> memref<128xf32, #tpu.memory_space<vmem_shared>>
      %dma_start3A_157 = arith.constant 0 : i32
      %dma_start3A_158 = tpu.memref_slice %arg13[%run_scoped3A_19, %dma_start3A_157] : memref<128x128xf32, #tpu.memory_space<vmem>> -> memref<1x128xf32, #tpu.memory_space<vmem>>
      %dma_start3A_159 = tpu.memref_squeeze %dma_start3A_158 : memref<1x128xf32, #tpu.memory_space<vmem>> -> memref<128xf32, #tpu.memory_space<vmem>>
      tpu.enqueue_dma source(%dma_start3A_159 : memref<128xf32, #tpu.memory_space<vmem>>) target(%dma_start3A_156 : memref<128xf32, #tpu.memory_space<vmem_shared>>) target_semaphore(%run_scoped3A_152 : memref<!tpu.dma_semaphore, #tpu.memory_space<semaphore_mem>>)
      %dma_wait3A = arith.constant 0 : i32
      %dma_wait3A_160 = tpu.memref_slice %arg13[%run_scoped3A_19, %dma_wait3A] : memref<128x128xf32, #tpu.memory_space<vmem>> -> memref<1x128xf32, #tpu.memory_space<vmem>>
      %dma_wait3A_161 = tpu.memref_squeeze %dma_wait3A_160 : memref<1x128xf32, #tpu.memory_space<vmem>> -> memref<128xf32, #tpu.memory_space<vmem>>
      %dma_wait3A_162 = tpu.memref_slice %arg15[%add3A_18] : memref<10240xf32, #tpu.memory_space<vmem_shared>> -> memref<128xf32, #tpu.memory_space<vmem_shared>>
      %dma_wait3A_163 = tpu.memref_slice %arg15[%add3A_18] : memref<10240xf32, #tpu.memory_space<vmem_shared>> -> memref<128xf32, #tpu.memory_space<vmem_shared>>
      %dma_wait3A_164 = arith.constant 0 : i32
      %dma_wait3A_165 = tpu.memref_slice %arg13[%run_scoped3A_19, %dma_wait3A_164] : memref<128x128xf32, #tpu.memory_space<vmem>> -> memref<1x128xf32, #tpu.memory_space<vmem>>
      %dma_wait3A_166 = tpu.memref_squeeze %dma_wait3A_165 : memref<1x128xf32, #tpu.memory_space<vmem>> -> memref<128xf32, #tpu.memory_space<vmem>>
      tpu.wait_dma2 semaphore(%run_scoped3A_152 : memref<!tpu.dma_semaphore, #tpu.memory_space<semaphore_mem>>) src(%dma_wait3A_166 : memref<128xf32, #tpu.memory_space<vmem>>) dst(%dma_wait3A_163 : memref<128xf32, #tpu.memory_space<vmem_shared>>)
      tpu.yield
    }) : () -> ()
    %mul3A_20 = arith.constant 640 : i32
    %mul3A_21 = arith.muli %arg1, %mul3A_20 : i32
    %add3A_22 = arith.constant 384 : i32
    %add3A_23 = arith.addi %mul3A_21, %add3A_22 : i32
    "tpu.region"() ({
      %run_scoped3A_152 = tpu.sem_alloc : memref<!tpu.dma_semaphore, #tpu.memory_space<semaphore_mem>>
      %dma_start3A = arith.constant 0 : i32
      %dma_start3A_153 = tpu.memref_slice %arg14[%add3A_23, %dma_start3A] : memref<10240x128xf32, #tpu.memory_space<vmem_shared>> -> memref<128x128xf32, #tpu.memory_space<vmem_shared>>
      %dma_start3A_154 = arith.constant 0 : i32
      %dma_start3A_155 = tpu.memref_slice %arg14[%add3A_23, %dma_start3A_154] : memref<10240x128xf32, #tpu.memory_space<vmem_shared>> -> memref<128x128xf32, #tpu.memory_space<vmem_shared>>
      tpu.enqueue_dma source(%arg13 : memref<128x128xf32, #tpu.memory_space<vmem>>) target(%dma_start3A_155 : memref<128x128xf32, #tpu.memory_space<vmem_shared>>) target_semaphore(%run_scoped3A_152 : memref<!tpu.dma_semaphore, #tpu.memory_space<semaphore_mem>>)
      %dma_wait3A = arith.constant 0 : i32
      %dma_wait3A_156 = tpu.memref_slice %arg14[%add3A_23, %dma_wait3A] : memref<10240x128xf32, #tpu.memory_space<vmem_shared>> -> memref<128x128xf32, #tpu.memory_space<vmem_shared>>
      %dma_wait3A_157 = arith.constant 0 : i32
      %dma_wait3A_158 = tpu.memref_slice %arg14[%add3A_23, %dma_wait3A_157] : memref<10240x128xf32, #tpu.memory_space<vmem_shared>> -> memref<128x128xf32, #tpu.memory_space<vmem_shared>>
      tpu.wait_dma2 semaphore(%run_scoped3A_152 : memref<!tpu.dma_semaphore, #tpu.memory_space<semaphore_mem>>) src(%arg13 : memref<128x128xf32, #tpu.memory_space<vmem>>) dst(%dma_wait3A_158 : memref<128x128xf32, #tpu.memory_space<vmem_shared>>)
      tpu.yield
    }) : () -> ()
    %run_scoped3A_24 = arith.constant 0 : i32
    "tpu.region"() ({
      %run_scoped3A_152 = tpu.sem_alloc : memref<!tpu.dma_semaphore, #tpu.memory_space<semaphore_mem>>
      %dma_start3A = arith.constant 0 : i32
      %dma_start3A_153 = tpu.memref_slice %arg13[%run_scoped3A_24, %dma_start3A] : memref<128x128xf32, #tpu.memory_space<vmem>> -> memref<1x128xf32, #tpu.memory_space<vmem>>
      %dma_start3A_154 = tpu.memref_squeeze %dma_start3A_153 : memref<1x128xf32, #tpu.memory_space<vmem>> -> memref<128xf32, #tpu.memory_space<vmem>>
      %dma_start3A_155 = tpu.memref_slice %arg15[%add3A_23] : memref<10240xf32, #tpu.memory_space<vmem_shared>> -> memref<128xf32, #tpu.memory_space<vmem_shared>>
      %dma_start3A_156 = tpu.memref_slice %arg15[%add3A_23] : memref<10240xf32, #tpu.memory_space<vmem_shared>> -> memref<128xf32, #tpu.memory_space<vmem_shared>>
      %dma_start3A_157 = arith.constant 0 : i32
      %dma_start3A_158 = tpu.memref_slice %arg13[%run_scoped3A_24, %dma_start3A_157] : memref<128x128xf32, #tpu.memory_space<vmem>> -> memref<1x128xf32, #tpu.memory_space<vmem>>
      %dma_start3A_159 = tpu.memref_squeeze %dma_start3A_158 : memref<1x128xf32, #tpu.memory_space<vmem>> -> memref<128xf32, #tpu.memory_space<vmem>>
      tpu.enqueue_dma source(%dma_start3A_159 : memref<128xf32, #tpu.memory_space<vmem>>) target(%dma_start3A_156 : memref<128xf32, #tpu.memory_space<vmem_shared>>) target_semaphore(%run_scoped3A_152 : memref<!tpu.dma_semaphore, #tpu.memory_space<semaphore_mem>>)
      %dma_wait3A = arith.constant 0 : i32
      %dma_wait3A_160 = tpu.memref_slice %arg13[%run_scoped3A_24, %dma_wait3A] : memref<128x128xf32, #tpu.memory_space<vmem>> -> memref<1x128xf32, #tpu.memory_space<vmem>>
      %dma_wait3A_161 = tpu.memref_squeeze %dma_wait3A_160 : memref<1x128xf32, #tpu.memory_space<vmem>> -> memref<128xf32, #tpu.memory_space<vmem>>
      %dma_wait3A_162 = tpu.memref_slice %arg15[%add3A_23] : memref<10240xf32, #tpu.memory_space<vmem_shared>> -> memref<128xf32, #tpu.memory_space<vmem_shared>>
      %dma_wait3A_163 = tpu.memref_slice %arg15[%add3A_23] : memref<10240xf32, #tpu.memory_space<vmem_shared>> -> memref<128xf32, #tpu.memory_space<vmem_shared>>
      %dma_wait3A_164 = arith.constant 0 : i32
      %dma_wait3A_165 = tpu.memref_slice %arg13[%run_scoped3A_24, %dma_wait3A_164] : memref<128x128xf32, #tpu.memory_space<vmem>> -> memref<1x128xf32, #tpu.memory_space<vmem>>
      %dma_wait3A_166 = tpu.memref_squeeze %dma_wait3A_165 : memref<1x128xf32, #tpu.memory_space<vmem>> -> memref<128xf32, #tpu.memory_space<vmem>>
      tpu.wait_dma2 semaphore(%run_scoped3A_152 : memref<!tpu.dma_semaphore, #tpu.memory_space<semaphore_mem>>) src(%dma_wait3A_166 : memref<128xf32, #tpu.memory_space<vmem>>) dst(%dma_wait3A_163 : memref<128xf32, #tpu.memory_space<vmem_shared>>)
      tpu.yield
    }) : () -> ()
    %mul3A_25 = arith.constant 640 : i32
    %mul3A_26 = arith.muli %arg1, %mul3A_25 : i32
    %add3A_27 = arith.constant 512 : i32
    %add3A_28 = arith.addi %mul3A_26, %add3A_27 : i32
    "tpu.region"() ({
      %run_scoped3A_152 = tpu.sem_alloc : memref<!tpu.dma_semaphore, #tpu.memory_space<semaphore_mem>>
      %dma_start3A = arith.constant 0 : i32
      %dma_start3A_153 = tpu.memref_slice %arg14[%add3A_28, %dma_start3A] : memref<10240x128xf32, #tpu.memory_space<vmem_shared>> -> memref<128x128xf32, #tpu.memory_space<vmem_shared>>
      %dma_start3A_154 = arith.constant 0 : i32
      %dma_start3A_155 = tpu.memref_slice %arg14[%add3A_28, %dma_start3A_154] : memref<10240x128xf32, #tpu.memory_space<vmem_shared>> -> memref<128x128xf32, #tpu.memory_space<vmem_shared>>
      tpu.enqueue_dma source(%arg13 : memref<128x128xf32, #tpu.memory_space<vmem>>) target(%dma_start3A_155 : memref<128x128xf32, #tpu.memory_space<vmem_shared>>) target_semaphore(%run_scoped3A_152 : memref<!tpu.dma_semaphore, #tpu.memory_space<semaphore_mem>>)
      %dma_wait3A = arith.constant 0 : i32
      %dma_wait3A_156 = tpu.memref_slice %arg14[%add3A_28, %dma_wait3A] : memref<10240x128xf32, #tpu.memory_space<vmem_shared>> -> memref<128x128xf32, #tpu.memory_space<vmem_shared>>
      %dma_wait3A_157 = arith.constant 0 : i32
      %dma_wait3A_158 = tpu.memref_slice %arg14[%add3A_28, %dma_wait3A_157] : memref<10240x128xf32, #tpu.memory_space<vmem_shared>> -> memref<128x128xf32, #tpu.memory_space<vmem_shared>>
      tpu.wait_dma2 semaphore(%run_scoped3A_152 : memref<!tpu.dma_semaphore, #tpu.memory_space<semaphore_mem>>) src(%arg13 : memref<128x128xf32, #tpu.memory_space<vmem>>) dst(%dma_wait3A_158 : memref<128x128xf32, #tpu.memory_space<vmem_shared>>)
      tpu.yield
    }) : () -> ()
    %run_scoped3A_29 = arith.constant 0 : i32
    "tpu.region"() ({
      %run_scoped3A_152 = tpu.sem_alloc : memref<!tpu.dma_semaphore, #tpu.memory_space<semaphore_mem>>
      %dma_start3A = arith.constant 0 : i32
      %dma_start3A_153 = tpu.memref_slice %arg13[%run_scoped3A_29, %dma_start3A] : memref<128x128xf32, #tpu.memory_space<vmem>> -> memref<1x128xf32, #tpu.memory_space<vmem>>
      %dma_start3A_154 = tpu.memref_squeeze %dma_start3A_153 : memref<1x128xf32, #tpu.memory_space<vmem>> -> memref<128xf32, #tpu.memory_space<vmem>>
      %dma_start3A_155 = tpu.memref_slice %arg15[%add3A_28] : memref<10240xf32, #tpu.memory_space<vmem_shared>> -> memref<128xf32, #tpu.memory_space<vmem_shared>>
      %dma_start3A_156 = tpu.memref_slice %arg15[%add3A_28] : memref<10240xf32, #tpu.memory_space<vmem_shared>> -> memref<128xf32, #tpu.memory_space<vmem_shared>>
      %dma_start3A_157 = arith.constant 0 : i32
      %dma_start3A_158 = tpu.memref_slice %arg13[%run_scoped3A_29, %dma_start3A_157] : memref<128x128xf32, #tpu.memory_space<vmem>> -> memref<1x128xf32, #tpu.memory_space<vmem>>
      %dma_start3A_159 = tpu.memref_squeeze %dma_start3A_158 : memref<1x128xf32, #tpu.memory_space<vmem>> -> memref<128xf32, #tpu.memory_space<vmem>>
      tpu.enqueue_dma source(%dma_start3A_159 : memref<128xf32, #tpu.memory_space<vmem>>) target(%dma_start3A_156 : memref<128xf32, #tpu.memory_space<vmem_shared>>) target_semaphore(%run_scoped3A_152 : memref<!tpu.dma_semaphore, #tpu.memory_space<semaphore_mem>>)
      %dma_wait3A = arith.constant 0 : i32
      %dma_wait3A_160 = tpu.memref_slice %arg13[%run_scoped3A_29, %dma_wait3A] : memref<128x128xf32, #tpu.memory_space<vmem>> -> memref<1x128xf32, #tpu.memory_space<vmem>>
      %dma_wait3A_161 = tpu.memref_squeeze %dma_wait3A_160 : memref<1x128xf32, #tpu.memory_space<vmem>> -> memref<128xf32, #tpu.memory_space<vmem>>
      %dma_wait3A_162 = tpu.memref_slice %arg15[%add3A_28] : memref<10240xf32, #tpu.memory_space<vmem_shared>> -> memref<128xf32, #tpu.memory_space<vmem_shared>>
      %dma_wait3A_163 = tpu.memref_slice %arg15[%add3A_28] : memref<10240xf32, #tpu.memory_space<vmem_shared>> -> memref<128xf32, #tpu.memory_space<vmem_shared>>
      %dma_wait3A_164 = arith.constant 0 : i32
      %dma_wait3A_165 = tpu.memref_slice %arg13[%run_scoped3A_29, %dma_wait3A_164] : memref<128x128xf32, #tpu.memory_space<vmem>> -> memref<1x128xf32, #tpu.memory_space<vmem>>
      %dma_wait3A_166 = tpu.memref_squeeze %dma_wait3A_165 : memref<1x128xf32, #tpu.memory_space<vmem>> -> memref<128xf32, #tpu.memory_space<vmem>>
      tpu.wait_dma2 semaphore(%run_scoped3A_152 : memref<!tpu.dma_semaphore, #tpu.memory_space<semaphore_mem>>) src(%dma_wait3A_166 : memref<128xf32, #tpu.memory_space<vmem>>) dst(%dma_wait3A_163 : memref<128xf32, #tpu.memory_space<vmem_shared>>)
      tpu.yield
    }) : () -> ()
    %barrier3A = arith.constant 0 : index
    tpu.barrier barrier_id(%barrier3A)
    %mul3A_30 = arith.constant 2 : i32
    %mul3A_31 = arith.muli %add3A, %mul3A_30 : i32
    %add3A_32 = arith.constant 0 : i32
    %add3A_33 = arith.addi %mul3A_31, %add3A_32 : i32
    "tpu.region"() ({
      %run_scoped3A_152 = tpu.sem_alloc : memref<!tpu.dma_semaphore, #tpu.memory_space<semaphore_mem>>
      %dma_start3A = arith.constant 0 : i32
      %dma_start3A_153 = arith.constant 0 : i32
      %dma_start3A_154 = tpu.memref_slice %arg3[%add3A_33, %dma_start3A, %dma_start3A_153] : memref<64x41x128xi32, #tpu.memory_space<hbm>> -> memref<1x41x128xi32, #tpu.memory_space<hbm>>
      %dma_start3A_155 = tpu.memref_squeeze %dma_start3A_154 : memref<1x41x128xi32, #tpu.memory_space<hbm>> -> memref<41x128xi32, #tpu.memory_space<hbm>>
      %dma_start3A_156 = arith.constant 0 : i32
      %dma_start3A_157 = arith.constant 0 : i32
      %dma_start3A_158 = tpu.memref_slice %arg3[%add3A_33, %dma_start3A_156, %dma_start3A_157] : memref<64x41x128xi32, #tpu.memory_space<hbm>> -> memref<1x41x128xi32, #tpu.memory_space<hbm>>
      %dma_start3A_159 = tpu.memref_squeeze %dma_start3A_158 : memref<1x41x128xi32, #tpu.memory_space<hbm>> -> memref<41x128xi32, #tpu.memory_space<hbm>>
      tpu.enqueue_dma source(%dma_start3A_159 : memref<41x128xi32, #tpu.memory_space<hbm>>) target(%arg9 : memref<41x128xi32, #tpu.memory_space<vmem>>) target_semaphore(%run_scoped3A_152 : memref<!tpu.dma_semaphore, #tpu.memory_space<semaphore_mem>>)
      %dma_wait3A = arith.constant 0 : i32
      %dma_wait3A_160 = arith.constant 0 : i32
      %dma_wait3A_161 = tpu.memref_slice %arg3[%add3A_33, %dma_wait3A, %dma_wait3A_160] : memref<64x41x128xi32, #tpu.memory_space<hbm>> -> memref<1x41x128xi32, #tpu.memory_space<hbm>>
      %dma_wait3A_162 = tpu.memref_squeeze %dma_wait3A_161 : memref<1x41x128xi32, #tpu.memory_space<hbm>> -> memref<41x128xi32, #tpu.memory_space<hbm>>
      %dma_wait3A_163 = arith.constant 0 : i32
      %dma_wait3A_164 = arith.constant 0 : i32
      %dma_wait3A_165 = tpu.memref_slice %arg3[%add3A_33, %dma_wait3A_163, %dma_wait3A_164] : memref<64x41x128xi32, #tpu.memory_space<hbm>> -> memref<1x41x128xi32, #tpu.memory_space<hbm>>
      %dma_wait3A_166 = tpu.memref_squeeze %dma_wait3A_165 : memref<1x41x128xi32, #tpu.memory_space<hbm>> -> memref<41x128xi32, #tpu.memory_space<hbm>>
      tpu.wait_dma2 semaphore(%run_scoped3A_152 : memref<!tpu.dma_semaphore, #tpu.memory_space<semaphore_mem>>) src(%dma_wait3A_166 : memref<41x128xi32, #tpu.memory_space<hbm>>) dst(%arg9 : memref<41x128xi32, #tpu.memory_space<vmem>>)
      tpu.yield
    }) : () -> ()
    %mul3A_34 = arith.constant 2 : i32
    %mul3A_35 = arith.muli %arg1, %mul3A_34 : i32
    %add3A_36 = arith.constant 0 : i32
    %add3A_37 = arith.addi %mul3A_35, %add3A_36 : i32
    "tpu.region"() ({
      %run_scoped3A_152 = tpu.sem_alloc : memref<!tpu.dma_semaphore, #tpu.memory_space<semaphore_mem>>
      %dma_start3A = arith.constant 0 : i32
      %dma_start3A_153 = arith.constant 0 : i32
      %dma_start3A_154 = tpu.memref_slice %arg4[%add3A_37, %dma_start3A, %dma_start3A_153] : memref<32x40x128xi32, #tpu.memory_space<hbm>> -> memref<1x40x128xi32, #tpu.memory_space<hbm>>
      %dma_start3A_155 = tpu.memref_squeeze %dma_start3A_154 : memref<1x40x128xi32, #tpu.memory_space<hbm>> -> memref<40x128xi32, #tpu.memory_space<hbm>>
      %dma_start3A_156 = arith.constant 0 : i32
      %dma_start3A_157 = arith.constant 0 : i32
      %dma_start3A_158 = tpu.memref_slice %arg4[%add3A_37, %dma_start3A_156, %dma_start3A_157] : memref<32x40x128xi32, #tpu.memory_space<hbm>> -> memref<1x40x128xi32, #tpu.memory_space<hbm>>
      %dma_start3A_159 = tpu.memref_squeeze %dma_start3A_158 : memref<1x40x128xi32, #tpu.memory_space<hbm>> -> memref<40x128xi32, #tpu.memory_space<hbm>>
      tpu.enqueue_dma source(%dma_start3A_159 : memref<40x128xi32, #tpu.memory_space<hbm>>) target(%arg10 : memref<40x128xi32, #tpu.memory_space<vmem>>) target_semaphore(%run_scoped3A_152 : memref<!tpu.dma_semaphore, #tpu.memory_space<semaphore_mem>>)
      %dma_wait3A = arith.constant 0 : i32
      %dma_wait3A_160 = arith.constant 0 : i32
      %dma_wait3A_161 = tpu.memref_slice %arg4[%add3A_37, %dma_wait3A, %dma_wait3A_160] : memref<32x40x128xi32, #tpu.memory_space<hbm>> -> memref<1x40x128xi32, #tpu.memory_space<hbm>>
      %dma_wait3A_162 = tpu.memref_squeeze %dma_wait3A_161 : memref<1x40x128xi32, #tpu.memory_space<hbm>> -> memref<40x128xi32, #tpu.memory_space<hbm>>
      %dma_wait3A_163 = arith.constant 0 : i32
      %dma_wait3A_164 = arith.constant 0 : i32
      %dma_wait3A_165 = tpu.memref_slice %arg4[%add3A_37, %dma_wait3A_163, %dma_wait3A_164] : memref<32x40x128xi32, #tpu.memory_space<hbm>> -> memref<1x40x128xi32, #tpu.memory_space<hbm>>
      %dma_wait3A_166 = tpu.memref_squeeze %dma_wait3A_165 : memref<1x40x128xi32, #tpu.memory_space<hbm>> -> memref<40x128xi32, #tpu.memory_space<hbm>>
      tpu.wait_dma2 semaphore(%run_scoped3A_152 : memref<!tpu.dma_semaphore, #tpu.memory_space<semaphore_mem>>) src(%dma_wait3A_166 : memref<40x128xi32, #tpu.memory_space<hbm>>) dst(%arg10 : memref<40x128xi32, #tpu.memory_space<vmem>>)
      tpu.yield
    }) : () -> ()
    %mul3A_38 = arith.constant 2 : i32
    %mul3A_39 = arith.muli %add3A, %mul3A_38 : i32
    %add3A_40 = arith.constant 0 : i32
    %add3A_41 = arith.addi %mul3A_39, %add3A_40 : i32
    "tpu.region"() ({
      %run_scoped3A_152 = tpu.sem_alloc : memref<!tpu.dma_semaphore, #tpu.memory_space<semaphore_mem>>
      %dma_start3A = arith.constant 0 : i32
      %dma_start3A_153 = arith.constant 0 : i32
      %dma_start3A_154 = tpu.memref_slice %arg5[%add3A_41, %dma_start3A, %dma_start3A_153] : memref<64x20x128xi32, #tpu.memory_space<hbm>> -> memref<1x20x128xi32, #tpu.memory_space<hbm>>
      %dma_start3A_155 = tpu.memref_squeeze %dma_start3A_154 : memref<1x20x128xi32, #tpu.memory_space<hbm>> -> memref<20x128xi32, #tpu.memory_space<hbm>>
      %dma_start3A_156 = arith.constant 0 : i32
      %dma_start3A_157 = arith.constant 0 : i32
      %dma_start3A_158 = tpu.memref_slice %arg5[%add3A_41, %dma_start3A_156, %dma_start3A_157] : memref<64x20x128xi32, #tpu.memory_space<hbm>> -> memref<1x20x128xi32, #tpu.memory_space<hbm>>
      %dma_start3A_159 = tpu.memref_squeeze %dma_start3A_158 : memref<1x20x128xi32, #tpu.memory_space<hbm>> -> memref<20x128xi32, #tpu.memory_space<hbm>>
      tpu.enqueue_dma source(%dma_start3A_159 : memref<20x128xi32, #tpu.memory_space<hbm>>) target(%arg11 : memref<20x128xi32, #tpu.memory_space<vmem>>) target_semaphore(%run_scoped3A_152 : memref<!tpu.dma_semaphore, #tpu.memory_space<semaphore_mem>>)
      %dma_wait3A = arith.constant 0 : i32
      %dma_wait3A_160 = arith.constant 0 : i32
      %dma_wait3A_161 = tpu.memref_slice %arg5[%add3A_41, %dma_wait3A, %dma_wait3A_160] : memref<64x20x128xi32, #tpu.memory_space<hbm>> -> memref<1x20x128xi32, #tpu.memory_space<hbm>>
      %dma_wait3A_162 = tpu.memref_squeeze %dma_wait3A_161 : memref<1x20x128xi32, #tpu.memory_space<hbm>> -> memref<20x128xi32, #tpu.memory_space<hbm>>
      %dma_wait3A_163 = arith.constant 0 : i32
      %dma_wait3A_164 = arith.constant 0 : i32
      %dma_wait3A_165 = tpu.memref_slice %arg5[%add3A_41, %dma_wait3A_163, %dma_wait3A_164] : memref<64x20x128xi32, #tpu.memory_space<hbm>> -> memref<1x20x128xi32, #tpu.memory_space<hbm>>
      %dma_wait3A_166 = tpu.memref_squeeze %dma_wait3A_165 : memref<1x20x128xi32, #tpu.memory_space<hbm>> -> memref<20x128xi32, #tpu.memory_space<hbm>>
      tpu.wait_dma2 semaphore(%run_scoped3A_152 : memref<!tpu.dma_semaphore, #tpu.memory_space<semaphore_mem>>) src(%dma_wait3A_166 : memref<20x128xi32, #tpu.memory_space<hbm>>) dst(%arg11 : memref<20x128xi32, #tpu.memory_space<vmem>>)
      tpu.yield
    }) : () -> ()
    %mul3A_42 = arith.constant 2 : i32
    %mul3A_43 = arith.muli %add3A, %mul3A_42 : i32
    %add3A_44 = arith.constant 0 : i32
    %add3A_45 = arith.addi %mul3A_43, %add3A_44 : i32
    "tpu.region"() ({
      %run_scoped3A_152 = tpu.sem_alloc : memref<!tpu.dma_semaphore, #tpu.memory_space<semaphore_mem>>
      %dma_start3A = arith.constant 0 : i32
      %dma_start3A_153 = arith.constant 0 : i32
      %dma_start3A_154 = tpu.memref_slice %arg6[%add3A_45, %dma_start3A, %dma_start3A_153] : memref<64x20x128xf32, #tpu.memory_space<hbm>> -> memref<1x20x128xf32, #tpu.memory_space<hbm>>
      %dma_start3A_155 = tpu.memref_squeeze %dma_start3A_154 : memref<1x20x128xf32, #tpu.memory_space<hbm>> -> memref<20x128xf32, #tpu.memory_space<hbm>>
      %dma_start3A_156 = arith.constant 0 : i32
      %dma_start3A_157 = arith.constant 0 : i32
      %dma_start3A_158 = tpu.memref_slice %arg6[%add3A_45, %dma_start3A_156, %dma_start3A_157] : memref<64x20x128xf32, #tpu.memory_space<hbm>> -> memref<1x20x128xf32, #tpu.memory_space<hbm>>
      %dma_start3A_159 = tpu.memref_squeeze %dma_start3A_158 : memref<1x20x128xf32, #tpu.memory_space<hbm>> -> memref<20x128xf32, #tpu.memory_space<hbm>>
      tpu.enqueue_dma source(%dma_start3A_159 : memref<20x128xf32, #tpu.memory_space<hbm>>) target(%arg12 : memref<20x128xf32, #tpu.memory_space<vmem>>) target_semaphore(%run_scoped3A_152 : memref<!tpu.dma_semaphore, #tpu.memory_space<semaphore_mem>>)
      %dma_wait3A = arith.constant 0 : i32
      %dma_wait3A_160 = arith.constant 0 : i32
      %dma_wait3A_161 = tpu.memref_slice %arg6[%add3A_45, %dma_wait3A, %dma_wait3A_160] : memref<64x20x128xf32, #tpu.memory_space<hbm>> -> memref<1x20x128xf32, #tpu.memory_space<hbm>>
      %dma_wait3A_162 = tpu.memref_squeeze %dma_wait3A_161 : memref<1x20x128xf32, #tpu.memory_space<hbm>> -> memref<20x128xf32, #tpu.memory_space<hbm>>
      %dma_wait3A_163 = arith.constant 0 : i32
      %dma_wait3A_164 = arith.constant 0 : i32
      %dma_wait3A_165 = tpu.memref_slice %arg6[%add3A_45, %dma_wait3A_163, %dma_wait3A_164] : memref<64x20x128xf32, #tpu.memory_space<hbm>> -> memref<1x20x128xf32, #tpu.memory_space<hbm>>
      %dma_wait3A_166 = tpu.memref_squeeze %dma_wait3A_165 : memref<1x20x128xf32, #tpu.memory_space<hbm>> -> memref<20x128xf32, #tpu.memory_space<hbm>>
      tpu.wait_dma2 semaphore(%run_scoped3A_152 : memref<!tpu.dma_semaphore, #tpu.memory_space<semaphore_mem>>) src(%dma_wait3A_166 : memref<20x128xf32, #tpu.memory_space<hbm>>) dst(%arg12 : memref<20x128xf32, #tpu.memory_space<vmem>>)
      tpu.yield
    }) : () -> ()
    %scan3A_46 = arith.constant 0 : i32
    %scan3A_47 = arith.constant 0 : i32
    %scan3A_48 = arith.constant 40 : i32
    %scan3A_49 = arith.addi %scan3A_47, %scan3A_48 : i32
    %scan3A_50 = arith.constant 1 : i32
    scf.for %scan3A_152 = %scan3A_47 to %scan3A_49 step %scan3A_50  : i32 {
      %dma_start3A = arith.constant 0 : i32
      %dma_start3A_153 = tpu.memref_slice %arg9[%scan3A_152, %dma_start3A] : memref<41x128xi32, #tpu.memory_space<vmem>> -> memref<1x128xi32, #tpu.memory_space<vmem>>
      %dma_start3A_154 = tpu.memref_squeeze %dma_start3A_153 : memref<1x128xi32, #tpu.memory_space<vmem>> -> memref<128xi32, #tpu.memory_space<vmem>>
      %dma_start3A_155 = arith.constant 0 : i32
      %dma_start3A_156 = arith.constant 0 : i32
      %dma_start3A_157 = tpu.memref_slice %arg2[%dma_start3A_155, %dma_start3A_156] : memref<20480x128xf32, #tpu.memory_space<hbm>> -> memref<20480x128xf32, #tpu.memory_space<hbm>>
      tpu.enqueue_indirect_dma source(%dma_start3A_157 : memref<20480x128xf32, #tpu.memory_space<hbm>>) target(%arg13 : memref<128x128xf32, #tpu.memory_space<vmem>>) offsets(%dma_start3A_154 : memref<128xi32, #tpu.memory_space<vmem>>) semaphore(%arg16 : memref<!tpu.dma_semaphore, #tpu.memory_space<semaphore_mem>>)
      %dma_wait3A = arith.constant 0 : i32
      %dma_wait3A_158 = tpu.memref_slice %arg9[%scan3A_152, %dma_wait3A] : memref<41x128xi32, #tpu.memory_space<vmem>> -> memref<1x128xi32, #tpu.memory_space<vmem>>
      %dma_wait3A_159 = tpu.memref_squeeze %dma_wait3A_158 : memref<1x128xi32, #tpu.memory_space<vmem>> -> memref<128xi32, #tpu.memory_space<vmem>>
      %dma_wait3A_160 = arith.constant 0 : i32
      %dma_wait3A_161 = arith.constant 0 : i32
      %dma_wait3A_162 = tpu.memref_slice %arg2[%dma_wait3A_160, %dma_wait3A_161] : memref<20480x128xf32, #tpu.memory_space<hbm>> -> memref<20480x128xf32, #tpu.memory_space<hbm>>
      tpu.wait_indirect_dma semaphore(%arg16 : memref<!tpu.dma_semaphore, #tpu.memory_space<semaphore_mem>>) src(%dma_wait3A_162 : memref<20480x128xf32, #tpu.memory_space<hbm>>) dst(%arg13 : memref<128x128xf32, #tpu.memory_space<vmem>>)
      "tpu.region"() ({
        %run_scoped3A_163 = tpu.sem_alloc : memref<!tpu.dma_semaphore, #tpu.memory_space<semaphore_mem>>
        %dma_start3A_164 = arith.constant 0 : i32
        %dma_start3A_165 = tpu.memref_slice %arg10[%scan3A_152, %dma_start3A_164] : memref<40x128xi32, #tpu.memory_space<vmem>> -> memref<1x128xi32, #tpu.memory_space<vmem>>
        %dma_start3A_166 = tpu.memref_squeeze %dma_start3A_165 : memref<1x128xi32, #tpu.memory_space<vmem>> -> memref<128xi32, #tpu.memory_space<vmem>>
        %dma_start3A_167 = arith.constant 0 : i32
        %dma_start3A_168 = arith.constant 0 : i32
        %dma_start3A_169 = tpu.memref_slice %arg14[%dma_start3A_167, %dma_start3A_168] : memref<10240x128xf32, #tpu.memory_space<vmem_shared>> -> memref<10240x128xf32, #tpu.memory_space<vmem_shared>>
        tpu.enqueue_indirect_dma source(%arg13 : memref<128x128xf32, #tpu.memory_space<vmem>>) target(%dma_start3A_169 : memref<10240x128xf32, #tpu.memory_space<vmem_shared>>) offsets(%dma_start3A_166 : memref<128xi32, #tpu.memory_space<vmem>>) semaphore(%run_scoped3A_163 : memref<!tpu.dma_semaphore, #tpu.memory_space<semaphore_mem>>) {add = true}
        %dma_wait3A_170 = arith.constant 0 : i32
        %dma_wait3A_171 = tpu.memref_slice %arg10[%scan3A_152, %dma_wait3A_170] : memref<40x128xi32, #tpu.memory_space<vmem>> -> memref<1x128xi32, #tpu.memory_space<vmem>>
        %dma_wait3A_172 = tpu.memref_squeeze %dma_wait3A_171 : memref<1x128xi32, #tpu.memory_space<vmem>> -> memref<128xi32, #tpu.memory_space<vmem>>
        %dma_wait3A_173 = arith.constant 0 : i32
        %dma_wait3A_174 = arith.constant 0 : i32
        %dma_wait3A_175 = tpu.memref_slice %arg14[%dma_wait3A_173, %dma_wait3A_174] : memref<10240x128xf32, #tpu.memory_space<vmem_shared>> -> memref<10240x128xf32, #tpu.memory_space<vmem_shared>>
        tpu.wait_indirect_dma semaphore(%run_scoped3A_163 : memref<!tpu.dma_semaphore, #tpu.memory_space<semaphore_mem>>) src(%arg13 : memref<128x128xf32, #tpu.memory_space<vmem>>) dst(%dma_wait3A_175 : memref<10240x128xf32, #tpu.memory_space<vmem_shared>>)
        tpu.yield
      }) : () -> ()
    }
    %scan3A_51 = arith.constant 40 : i32
    %scan3A_52 = arith.constant 0 : i32
    %scan3A_53 = arith.constant 0 : i32
    %scan3A_54 = arith.constant 20 : i32
    %scan3A_55 = arith.addi %scan3A_53, %scan3A_54 : i32
    %scan3A_56 = arith.constant 1 : i32
    scf.for %scan3A_152 = %scan3A_53 to %scan3A_55 step %scan3A_56  : i32 {
      "tpu.region"() ({
        %run_scoped3A_153 = tpu.sem_alloc : memref<!tpu.dma_semaphore, #tpu.memory_space<semaphore_mem>>
        %dma_start3A = arith.constant 0 : i32
        %dma_start3A_154 = tpu.memref_slice %arg12[%scan3A_152, %dma_start3A] : memref<20x128xf32, #tpu.memory_space<vmem>> -> memref<1x128xf32, #tpu.memory_space<vmem>>
        %dma_start3A_155 = tpu.memref_squeeze %dma_start3A_154 : memref<1x128xf32, #tpu.memory_space<vmem>> -> memref<128xf32, #tpu.memory_space<vmem>>
        %dma_start3A_156 = arith.constant 0 : i32
        %dma_start3A_157 = tpu.memref_slice %arg11[%scan3A_152, %dma_start3A_156] : memref<20x128xi32, #tpu.memory_space<vmem>> -> memref<1x128xi32, #tpu.memory_space<vmem>>
        %dma_start3A_158 = tpu.memref_squeeze %dma_start3A_157 : memref<1x128xi32, #tpu.memory_space<vmem>> -> memref<128xi32, #tpu.memory_space<vmem>>
        %dma_start3A_159 = arith.constant 0 : i32
        %dma_start3A_160 = tpu.memref_slice %arg15[%dma_start3A_159] : memref<10240xf32, #tpu.memory_space<vmem_shared>> -> memref<10240xf32, #tpu.memory_space<vmem_shared>>
        tpu.enqueue_indirect_dma source(%dma_start3A_155 : memref<128xf32, #tpu.memory_space<vmem>>) target(%dma_start3A_160 : memref<10240xf32, #tpu.memory_space<vmem_shared>>) offsets(%dma_start3A_158 : memref<128xi32, #tpu.memory_space<vmem>>) semaphore(%run_scoped3A_153 : memref<!tpu.dma_semaphore, #tpu.memory_space<semaphore_mem>>) {add = true}
        %dma_wait3A = arith.constant 0 : i32
        %dma_wait3A_161 = tpu.memref_slice %arg12[%scan3A_152, %dma_wait3A] : memref<20x128xf32, #tpu.memory_space<vmem>> -> memref<1x128xf32, #tpu.memory_space<vmem>>
        %dma_wait3A_162 = tpu.memref_squeeze %dma_wait3A_161 : memref<1x128xf32, #tpu.memory_space<vmem>> -> memref<128xf32, #tpu.memory_space<vmem>>
        %dma_wait3A_163 = arith.constant 0 : i32
        %dma_wait3A_164 = tpu.memref_slice %arg11[%scan3A_152, %dma_wait3A_163] : memref<20x128xi32, #tpu.memory_space<vmem>> -> memref<1x128xi32, #tpu.memory_space<vmem>>
        %dma_wait3A_165 = tpu.memref_squeeze %dma_wait3A_164 : memref<1x128xi32, #tpu.memory_space<vmem>> -> memref<128xi32, #tpu.memory_space<vmem>>
        %dma_wait3A_166 = arith.constant 0 : i32
        %dma_wait3A_167 = tpu.memref_slice %arg15[%dma_wait3A_166] : memref<10240xf32, #tpu.memory_space<vmem_shared>> -> memref<10240xf32, #tpu.memory_space<vmem_shared>>
        tpu.wait_indirect_dma semaphore(%run_scoped3A_153 : memref<!tpu.dma_semaphore, #tpu.memory_space<semaphore_mem>>) src(%dma_wait3A_162 : memref<128xf32, #tpu.memory_space<vmem>>) dst(%dma_wait3A_167 : memref<10240xf32, #tpu.memory_space<vmem_shared>>)
        tpu.yield
      }) : () -> ()
    }
    %scan3A_57 = arith.constant 20 : i32
    %mul3A_58 = arith.constant 2 : i32
    %mul3A_59 = arith.muli %add3A, %mul3A_58 : i32
    %add3A_60 = arith.constant 1 : i32
    %add3A_61 = arith.addi %mul3A_59, %add3A_60 : i32
    "tpu.region"() ({
      %run_scoped3A_152 = tpu.sem_alloc : memref<!tpu.dma_semaphore, #tpu.memory_space<semaphore_mem>>
      %dma_start3A = arith.constant 0 : i32
      %dma_start3A_153 = arith.constant 0 : i32
      %dma_start3A_154 = tpu.memref_slice %arg3[%add3A_61, %dma_start3A, %dma_start3A_153] : memref<64x41x128xi32, #tpu.memory_space<hbm>> -> memref<1x41x128xi32, #tpu.memory_space<hbm>>
      %dma_start3A_155 = tpu.memref_squeeze %dma_start3A_154 : memref<1x41x128xi32, #tpu.memory_space<hbm>> -> memref<41x128xi32, #tpu.memory_space<hbm>>
      %dma_start3A_156 = arith.constant 0 : i32
      %dma_start3A_157 = arith.constant 0 : i32
      %dma_start3A_158 = tpu.memref_slice %arg3[%add3A_61, %dma_start3A_156, %dma_start3A_157] : memref<64x41x128xi32, #tpu.memory_space<hbm>> -> memref<1x41x128xi32, #tpu.memory_space<hbm>>
      %dma_start3A_159 = tpu.memref_squeeze %dma_start3A_158 : memref<1x41x128xi32, #tpu.memory_space<hbm>> -> memref<41x128xi32, #tpu.memory_space<hbm>>
      tpu.enqueue_dma source(%dma_start3A_159 : memref<41x128xi32, #tpu.memory_space<hbm>>) target(%arg9 : memref<41x128xi32, #tpu.memory_space<vmem>>) target_semaphore(%run_scoped3A_152 : memref<!tpu.dma_semaphore, #tpu.memory_space<semaphore_mem>>)
      %dma_wait3A = arith.constant 0 : i32
      %dma_wait3A_160 = arith.constant 0 : i32
      %dma_wait3A_161 = tpu.memref_slice %arg3[%add3A_61, %dma_wait3A, %dma_wait3A_160] : memref<64x41x128xi32, #tpu.memory_space<hbm>> -> memref<1x41x128xi32, #tpu.memory_space<hbm>>
      %dma_wait3A_162 = tpu.memref_squeeze %dma_wait3A_161 : memref<1x41x128xi32, #tpu.memory_space<hbm>> -> memref<41x128xi32, #tpu.memory_space<hbm>>
      %dma_wait3A_163 = arith.constant 0 : i32
      %dma_wait3A_164 = arith.constant 0 : i32
      %dma_wait3A_165 = tpu.memref_slice %arg3[%add3A_61, %dma_wait3A_163, %dma_wait3A_164] : memref<64x41x128xi32, #tpu.memory_space<hbm>> -> memref<1x41x128xi32, #tpu.memory_space<hbm>>
      %dma_wait3A_166 = tpu.memref_squeeze %dma_wait3A_165 : memref<1x41x128xi32, #tpu.memory_space<hbm>> -> memref<41x128xi32, #tpu.memory_space<hbm>>
      tpu.wait_dma2 semaphore(%run_scoped3A_152 : memref<!tpu.dma_semaphore, #tpu.memory_space<semaphore_mem>>) src(%dma_wait3A_166 : memref<41x128xi32, #tpu.memory_space<hbm>>) dst(%arg9 : memref<41x128xi32, #tpu.memory_space<vmem>>)
      tpu.yield
    }) : () -> ()
    %mul3A_62 = arith.constant 2 : i32
    %mul3A_63 = arith.muli %arg1, %mul3A_62 : i32
    %add3A_64 = arith.constant 1 : i32
    %add3A_65 = arith.addi %mul3A_63, %add3A_64 : i32
    "tpu.region"() ({
      %run_scoped3A_152 = tpu.sem_alloc : memref<!tpu.dma_semaphore, #tpu.memory_space<semaphore_mem>>
      %dma_start3A = arith.constant 0 : i32
      %dma_start3A_153 = arith.constant 0 : i32
      %dma_start3A_154 = tpu.memref_slice %arg4[%add3A_65, %dma_start3A, %dma_start3A_153] : memref<32x40x128xi32, #tpu.memory_space<hbm>> -> memref<1x40x128xi32, #tpu.memory_space<hbm>>
      %dma_start3A_155 = tpu.memref_squeeze %dma_start3A_154 : memref<1x40x128xi32, #tpu.memory_space<hbm>> -> memref<40x128xi32, #tpu.memory_space<hbm>>
      %dma_start3A_156 = arith.constant 0 : i32
      %dma_start3A_157 = arith.constant 0 : i32
      %dma_start3A_158 = tpu.memref_slice %arg4[%add3A_65, %dma_start3A_156, %dma_start3A_157] : memref<32x40x128xi32, #tpu.memory_space<hbm>> -> memref<1x40x128xi32, #tpu.memory_space<hbm>>
      %dma_start3A_159 = tpu.memref_squeeze %dma_start3A_158 : memref<1x40x128xi32, #tpu.memory_space<hbm>> -> memref<40x128xi32, #tpu.memory_space<hbm>>
      tpu.enqueue_dma source(%dma_start3A_159 : memref<40x128xi32, #tpu.memory_space<hbm>>) target(%arg10 : memref<40x128xi32, #tpu.memory_space<vmem>>) target_semaphore(%run_scoped3A_152 : memref<!tpu.dma_semaphore, #tpu.memory_space<semaphore_mem>>)
      %dma_wait3A = arith.constant 0 : i32
      %dma_wait3A_160 = arith.constant 0 : i32
      %dma_wait3A_161 = tpu.memref_slice %arg4[%add3A_65, %dma_wait3A, %dma_wait3A_160] : memref<32x40x128xi32, #tpu.memory_space<hbm>> -> memref<1x40x128xi32, #tpu.memory_space<hbm>>
      %dma_wait3A_162 = tpu.memref_squeeze %dma_wait3A_161 : memref<1x40x128xi32, #tpu.memory_space<hbm>> -> memref<40x128xi32, #tpu.memory_space<hbm>>
      %dma_wait3A_163 = arith.constant 0 : i32
      %dma_wait3A_164 = arith.constant 0 : i32
      %dma_wait3A_165 = tpu.memref_slice %arg4[%add3A_65, %dma_wait3A_163, %dma_wait3A_164] : memref<32x40x128xi32, #tpu.memory_space<hbm>> -> memref<1x40x128xi32, #tpu.memory_space<hbm>>
      %dma_wait3A_166 = tpu.memref_squeeze %dma_wait3A_165 : memref<1x40x128xi32, #tpu.memory_space<hbm>> -> memref<40x128xi32, #tpu.memory_space<hbm>>
      tpu.wait_dma2 semaphore(%run_scoped3A_152 : memref<!tpu.dma_semaphore, #tpu.memory_space<semaphore_mem>>) src(%dma_wait3A_166 : memref<40x128xi32, #tpu.memory_space<hbm>>) dst(%arg10 : memref<40x128xi32, #tpu.memory_space<vmem>>)
      tpu.yield
    }) : () -> ()
    %mul3A_66 = arith.constant 2 : i32
    %mul3A_67 = arith.muli %add3A, %mul3A_66 : i32
    %add3A_68 = arith.constant 1 : i32
    %add3A_69 = arith.addi %mul3A_67, %add3A_68 : i32
    "tpu.region"() ({
      %run_scoped3A_152 = tpu.sem_alloc : memref<!tpu.dma_semaphore, #tpu.memory_space<semaphore_mem>>
      %dma_start3A = arith.constant 0 : i32
      %dma_start3A_153 = arith.constant 0 : i32
      %dma_start3A_154 = tpu.memref_slice %arg5[%add3A_69, %dma_start3A, %dma_start3A_153] : memref<64x20x128xi32, #tpu.memory_space<hbm>> -> memref<1x20x128xi32, #tpu.memory_space<hbm>>
      %dma_start3A_155 = tpu.memref_squeeze %dma_start3A_154 : memref<1x20x128xi32, #tpu.memory_space<hbm>> -> memref<20x128xi32, #tpu.memory_space<hbm>>
      %dma_start3A_156 = arith.constant 0 : i32
      %dma_start3A_157 = arith.constant 0 : i32
      %dma_start3A_158 = tpu.memref_slice %arg5[%add3A_69, %dma_start3A_156, %dma_start3A_157] : memref<64x20x128xi32, #tpu.memory_space<hbm>> -> memref<1x20x128xi32, #tpu.memory_space<hbm>>
      %dma_start3A_159 = tpu.memref_squeeze %dma_start3A_158 : memref<1x20x128xi32, #tpu.memory_space<hbm>> -> memref<20x128xi32, #tpu.memory_space<hbm>>
      tpu.enqueue_dma source(%dma_start3A_159 : memref<20x128xi32, #tpu.memory_space<hbm>>) target(%arg11 : memref<20x128xi32, #tpu.memory_space<vmem>>) target_semaphore(%run_scoped3A_152 : memref<!tpu.dma_semaphore, #tpu.memory_space<semaphore_mem>>)
      %dma_wait3A = arith.constant 0 : i32
      %dma_wait3A_160 = arith.constant 0 : i32
      %dma_wait3A_161 = tpu.memref_slice %arg5[%add3A_69, %dma_wait3A, %dma_wait3A_160] : memref<64x20x128xi32, #tpu.memory_space<hbm>> -> memref<1x20x128xi32, #tpu.memory_space<hbm>>
      %dma_wait3A_162 = tpu.memref_squeeze %dma_wait3A_161 : memref<1x20x128xi32, #tpu.memory_space<hbm>> -> memref<20x128xi32, #tpu.memory_space<hbm>>
      %dma_wait3A_163 = arith.constant 0 : i32
      %dma_wait3A_164 = arith.constant 0 : i32
      %dma_wait3A_165 = tpu.memref_slice %arg5[%add3A_69, %dma_wait3A_163, %dma_wait3A_164] : memref<64x20x128xi32, #tpu.memory_space<hbm>> -> memref<1x20x128xi32, #tpu.memory_space<hbm>>
      %dma_wait3A_166 = tpu.memref_squeeze %dma_wait3A_165 : memref<1x20x128xi32, #tpu.memory_space<hbm>> -> memref<20x128xi32, #tpu.memory_space<hbm>>
      tpu.wait_dma2 semaphore(%run_scoped3A_152 : memref<!tpu.dma_semaphore, #tpu.memory_space<semaphore_mem>>) src(%dma_wait3A_166 : memref<20x128xi32, #tpu.memory_space<hbm>>) dst(%arg11 : memref<20x128xi32, #tpu.memory_space<vmem>>)
      tpu.yield
    }) : () -> ()
    %mul3A_70 = arith.constant 2 : i32
    %mul3A_71 = arith.muli %add3A, %mul3A_70 : i32
    %add3A_72 = arith.constant 1 : i32
    %add3A_73 = arith.addi %mul3A_71, %add3A_72 : i32
    "tpu.region"() ({
      %run_scoped3A_152 = tpu.sem_alloc : memref<!tpu.dma_semaphore, #tpu.memory_space<semaphore_mem>>
      %dma_start3A = arith.constant 0 : i32
      %dma_start3A_153 = arith.constant 0 : i32
      %dma_start3A_154 = tpu.memref_slice %arg6[%add3A_73, %dma_start3A, %dma_start3A_153] : memref<64x20x128xf32, #tpu.memory_space<hbm>> -> memref<1x20x128xf32, #tpu.memory_space<hbm>>
      %dma_start3A_155 = tpu.memref_squeeze %dma_start3A_154 : memref<1x20x128xf32, #tpu.memory_space<hbm>> -> memref<20x128xf32, #tpu.memory_space<hbm>>
      %dma_start3A_156 = arith.constant 0 : i32
      %dma_start3A_157 = arith.constant 0 : i32
      %dma_start3A_158 = tpu.memref_slice %arg6[%add3A_73, %dma_start3A_156, %dma_start3A_157] : memref<64x20x128xf32, #tpu.memory_space<hbm>> -> memref<1x20x128xf32, #tpu.memory_space<hbm>>
      %dma_start3A_159 = tpu.memref_squeeze %dma_start3A_158 : memref<1x20x128xf32, #tpu.memory_space<hbm>> -> memref<20x128xf32, #tpu.memory_space<hbm>>
      tpu.enqueue_dma source(%dma_start3A_159 : memref<20x128xf32, #tpu.memory_space<hbm>>) target(%arg12 : memref<20x128xf32, #tpu.memory_space<vmem>>) target_semaphore(%run_scoped3A_152 : memref<!tpu.dma_semaphore, #tpu.memory_space<semaphore_mem>>)
      %dma_wait3A = arith.constant 0 : i32
      %dma_wait3A_160 = arith.constant 0 : i32
      %dma_wait3A_161 = tpu.memref_slice %arg6[%add3A_73, %dma_wait3A, %dma_wait3A_160] : memref<64x20x128xf32, #tpu.memory_space<hbm>> -> memref<1x20x128xf32, #tpu.memory_space<hbm>>
      %dma_wait3A_162 = tpu.memref_squeeze %dma_wait3A_161 : memref<1x20x128xf32, #tpu.memory_space<hbm>> -> memref<20x128xf32, #tpu.memory_space<hbm>>
      %dma_wait3A_163 = arith.constant 0 : i32
      %dma_wait3A_164 = arith.constant 0 : i32
      %dma_wait3A_165 = tpu.memref_slice %arg6[%add3A_73, %dma_wait3A_163, %dma_wait3A_164] : memref<64x20x128xf32, #tpu.memory_space<hbm>> -> memref<1x20x128xf32, #tpu.memory_space<hbm>>
      %dma_wait3A_166 = tpu.memref_squeeze %dma_wait3A_165 : memref<1x20x128xf32, #tpu.memory_space<hbm>> -> memref<20x128xf32, #tpu.memory_space<hbm>>
      tpu.wait_dma2 semaphore(%run_scoped3A_152 : memref<!tpu.dma_semaphore, #tpu.memory_space<semaphore_mem>>) src(%dma_wait3A_166 : memref<20x128xf32, #tpu.memory_space<hbm>>) dst(%arg12 : memref<20x128xf32, #tpu.memory_space<vmem>>)
      tpu.yield
    }) : () -> ()
    %scan3A_74 = arith.constant 0 : i32
    %scan3A_75 = arith.constant 0 : i32
    %scan3A_76 = arith.constant 40 : i32
    %scan3A_77 = arith.addi %scan3A_75, %scan3A_76 : i32
    %scan3A_78 = arith.constant 1 : i32
    scf.for %scan3A_152 = %scan3A_75 to %scan3A_77 step %scan3A_78  : i32 {
      %dma_start3A = arith.constant 0 : i32
      %dma_start3A_153 = tpu.memref_slice %arg9[%scan3A_152, %dma_start3A] : memref<41x128xi32, #tpu.memory_space<vmem>> -> memref<1x128xi32, #tpu.memory_space<vmem>>
      %dma_start3A_154 = tpu.memref_squeeze %dma_start3A_153 : memref<1x128xi32, #tpu.memory_space<vmem>> -> memref<128xi32, #tpu.memory_space<vmem>>
      %dma_start3A_155 = arith.constant 0 : i32
      %dma_start3A_156 = arith.constant 0 : i32
      %dma_start3A_157 = tpu.memref_slice %arg2[%dma_start3A_155, %dma_start3A_156] : memref<20480x128xf32, #tpu.memory_space<hbm>> -> memref<20480x128xf32, #tpu.memory_space<hbm>>
      tpu.enqueue_indirect_dma source(%dma_start3A_157 : memref<20480x128xf32, #tpu.memory_space<hbm>>) target(%arg13 : memref<128x128xf32, #tpu.memory_space<vmem>>) offsets(%dma_start3A_154 : memref<128xi32, #tpu.memory_space<vmem>>) semaphore(%arg16 : memref<!tpu.dma_semaphore, #tpu.memory_space<semaphore_mem>>)
      %dma_wait3A = arith.constant 0 : i32
      %dma_wait3A_158 = tpu.memref_slice %arg9[%scan3A_152, %dma_wait3A] : memref<41x128xi32, #tpu.memory_space<vmem>> -> memref<1x128xi32, #tpu.memory_space<vmem>>
      %dma_wait3A_159 = tpu.memref_squeeze %dma_wait3A_158 : memref<1x128xi32, #tpu.memory_space<vmem>> -> memref<128xi32, #tpu.memory_space<vmem>>
      %dma_wait3A_160 = arith.constant 0 : i32
      %dma_wait3A_161 = arith.constant 0 : i32
      %dma_wait3A_162 = tpu.memref_slice %arg2[%dma_wait3A_160, %dma_wait3A_161] : memref<20480x128xf32, #tpu.memory_space<hbm>> -> memref<20480x128xf32, #tpu.memory_space<hbm>>
      tpu.wait_indirect_dma semaphore(%arg16 : memref<!tpu.dma_semaphore, #tpu.memory_space<semaphore_mem>>) src(%dma_wait3A_162 : memref<20480x128xf32, #tpu.memory_space<hbm>>) dst(%arg13 : memref<128x128xf32, #tpu.memory_space<vmem>>)
      "tpu.region"() ({
        %run_scoped3A_163 = tpu.sem_alloc : memref<!tpu.dma_semaphore, #tpu.memory_space<semaphore_mem>>
        %dma_start3A_164 = arith.constant 0 : i32
        %dma_start3A_165 = tpu.memref_slice %arg10[%scan3A_152, %dma_start3A_164] : memref<40x128xi32, #tpu.memory_space<vmem>> -> memref<1x128xi32, #tpu.memory_space<vmem>>
        %dma_start3A_166 = tpu.memref_squeeze %dma_start3A_165 : memref<1x128xi32, #tpu.memory_space<vmem>> -> memref<128xi32, #tpu.memory_space<vmem>>
        %dma_start3A_167 = arith.constant 0 : i32
        %dma_start3A_168 = arith.constant 0 : i32
        %dma_start3A_169 = tpu.memref_slice %arg14[%dma_start3A_167, %dma_start3A_168] : memref<10240x128xf32, #tpu.memory_space<vmem_shared>> -> memref<10240x128xf32, #tpu.memory_space<vmem_shared>>
        tpu.enqueue_indirect_dma source(%arg13 : memref<128x128xf32, #tpu.memory_space<vmem>>) target(%dma_start3A_169 : memref<10240x128xf32, #tpu.memory_space<vmem_shared>>) offsets(%dma_start3A_166 : memref<128xi32, #tpu.memory_space<vmem>>) semaphore(%run_scoped3A_163 : memref<!tpu.dma_semaphore, #tpu.memory_space<semaphore_mem>>) {add = true}
        %dma_wait3A_170 = arith.constant 0 : i32
        %dma_wait3A_171 = tpu.memref_slice %arg10[%scan3A_152, %dma_wait3A_170] : memref<40x128xi32, #tpu.memory_space<vmem>> -> memref<1x128xi32, #tpu.memory_space<vmem>>
        %dma_wait3A_172 = tpu.memref_squeeze %dma_wait3A_171 : memref<1x128xi32, #tpu.memory_space<vmem>> -> memref<128xi32, #tpu.memory_space<vmem>>
        %dma_wait3A_173 = arith.constant 0 : i32
        %dma_wait3A_174 = arith.constant 0 : i32
        %dma_wait3A_175 = tpu.memref_slice %arg14[%dma_wait3A_173, %dma_wait3A_174] : memref<10240x128xf32, #tpu.memory_space<vmem_shared>> -> memref<10240x128xf32, #tpu.memory_space<vmem_shared>>
        tpu.wait_indirect_dma semaphore(%run_scoped3A_163 : memref<!tpu.dma_semaphore, #tpu.memory_space<semaphore_mem>>) src(%arg13 : memref<128x128xf32, #tpu.memory_space<vmem>>) dst(%dma_wait3A_175 : memref<10240x128xf32, #tpu.memory_space<vmem_shared>>)
        tpu.yield
      }) : () -> ()
    }
    %scan3A_79 = arith.constant 40 : i32
    %scan3A_80 = arith.constant 0 : i32
    %scan3A_81 = arith.constant 0 : i32
    %scan3A_82 = arith.constant 20 : i32
    %scan3A_83 = arith.addi %scan3A_81, %scan3A_82 : i32
    %scan3A_84 = arith.constant 1 : i32
    scf.for %scan3A_152 = %scan3A_81 to %scan3A_83 step %scan3A_84  : i32 {
      "tpu.region"() ({
        %run_scoped3A_153 = tpu.sem_alloc : memref<!tpu.dma_semaphore, #tpu.memory_space<semaphore_mem>>
        %dma_start3A = arith.constant 0 : i32
        %dma_start3A_154 = tpu.memref_slice %arg12[%scan3A_152, %dma_start3A] : memref<20x128xf32, #tpu.memory_space<vmem>> -> memref<1x128xf32, #tpu.memory_space<vmem>>
        %dma_start3A_155 = tpu.memref_squeeze %dma_start3A_154 : memref<1x128xf32, #tpu.memory_space<vmem>> -> memref<128xf32, #tpu.memory_space<vmem>>
        %dma_start3A_156 = arith.constant 0 : i32
        %dma_start3A_157 = tpu.memref_slice %arg11[%scan3A_152, %dma_start3A_156] : memref<20x128xi32, #tpu.memory_space<vmem>> -> memref<1x128xi32, #tpu.memory_space<vmem>>
        %dma_start3A_158 = tpu.memref_squeeze %dma_start3A_157 : memref<1x128xi32, #tpu.memory_space<vmem>> -> memref<128xi32, #tpu.memory_space<vmem>>
        %dma_start3A_159 = arith.constant 0 : i32
        %dma_start3A_160 = tpu.memref_slice %arg15[%dma_start3A_159] : memref<10240xf32, #tpu.memory_space<vmem_shared>> -> memref<10240xf32, #tpu.memory_space<vmem_shared>>
        tpu.enqueue_indirect_dma source(%dma_start3A_155 : memref<128xf32, #tpu.memory_space<vmem>>) target(%dma_start3A_160 : memref<10240xf32, #tpu.memory_space<vmem_shared>>) offsets(%dma_start3A_158 : memref<128xi32, #tpu.memory_space<vmem>>) semaphore(%run_scoped3A_153 : memref<!tpu.dma_semaphore, #tpu.memory_space<semaphore_mem>>) {add = true}
        %dma_wait3A = arith.constant 0 : i32
        %dma_wait3A_161 = tpu.memref_slice %arg12[%scan3A_152, %dma_wait3A] : memref<20x128xf32, #tpu.memory_space<vmem>> -> memref<1x128xf32, #tpu.memory_space<vmem>>
        %dma_wait3A_162 = tpu.memref_squeeze %dma_wait3A_161 : memref<1x128xf32, #tpu.memory_space<vmem>> -> memref<128xf32, #tpu.memory_space<vmem>>
        %dma_wait3A_163 = arith.constant 0 : i32
        %dma_wait3A_164 = tpu.memref_slice %arg11[%scan3A_152, %dma_wait3A_163] : memref<20x128xi32, #tpu.memory_space<vmem>> -> memref<1x128xi32, #tpu.memory_space<vmem>>
        %dma_wait3A_165 = tpu.memref_squeeze %dma_wait3A_164 : memref<1x128xi32, #tpu.memory_space<vmem>> -> memref<128xi32, #tpu.memory_space<vmem>>
        %dma_wait3A_166 = arith.constant 0 : i32
        %dma_wait3A_167 = tpu.memref_slice %arg15[%dma_wait3A_166] : memref<10240xf32, #tpu.memory_space<vmem_shared>> -> memref<10240xf32, #tpu.memory_space<vmem_shared>>
        tpu.wait_indirect_dma semaphore(%run_scoped3A_153 : memref<!tpu.dma_semaphore, #tpu.memory_space<semaphore_mem>>) src(%dma_wait3A_162 : memref<128xf32, #tpu.memory_space<vmem>>) dst(%dma_wait3A_167 : memref<10240xf32, #tpu.memory_space<vmem_shared>>)
        tpu.yield
      }) : () -> ()
    }
    %scan3A_85 = arith.constant 20 : i32
    %barrier3A_86 = arith.constant 0 : index
    tpu.barrier barrier_id(%barrier3A_86)
    %mul3A_87 = arith.constant 640 : i32
    %mul3A_88 = arith.muli %arg1, %mul3A_87 : i32
    %add3A_89 = arith.constant 0 : i32
    %add3A_90 = arith.addi %mul3A_88, %add3A_89 : i32
    %mul3A_91 = arith.constant 10240 : i32
    %mul3A_92 = arith.muli %arg0, %mul3A_91 : i32
    %mul3A_93 = arith.constant 640 : i32
    %mul3A_94 = arith.muli %arg1, %mul3A_93 : i32
    %add3A_95 = arith.addi %mul3A_92, %mul3A_94 : i32
    %add3A_96 = arith.constant 0 : i32
    %add3A_97 = arith.addi %add3A_95, %add3A_96 : i32
    "tpu.region"() ({
      %run_scoped3A_152 = tpu.sem_alloc : memref<!tpu.dma_semaphore, #tpu.memory_space<semaphore_mem>>
      %dma_start3A = arith.constant 0 : i32
      %dma_start3A_153 = tpu.memref_slice %arg14[%add3A_90, %dma_start3A] : memref<10240x128xf32, #tpu.memory_space<vmem_shared>> -> memref<128x128xf32, #tpu.memory_space<vmem_shared>>
      %dma_start3A_154 = arith.constant 0 : i32
      %dma_start3A_155 = tpu.memref_slice %arg14[%add3A_90, %dma_start3A_154] : memref<10240x128xf32, #tpu.memory_space<vmem_shared>> -> memref<128x128xf32, #tpu.memory_space<vmem_shared>>
      tpu.enqueue_dma source(%dma_start3A_155 : memref<128x128xf32, #tpu.memory_space<vmem_shared>>) target(%arg13 : memref<128x128xf32, #tpu.memory_space<vmem>>) target_semaphore(%run_scoped3A_152 : memref<!tpu.dma_semaphore, #tpu.memory_space<semaphore_mem>>)
      %dma_wait3A = arith.constant 0 : i32
      %dma_wait3A_156 = tpu.memref_slice %arg14[%add3A_90, %dma_wait3A] : memref<10240x128xf32, #tpu.memory_space<vmem_shared>> -> memref<128x128xf32, #tpu.memory_space<vmem_shared>>
      %dma_wait3A_157 = arith.constant 0 : i32
      %dma_wait3A_158 = tpu.memref_slice %arg14[%add3A_90, %dma_wait3A_157] : memref<10240x128xf32, #tpu.memory_space<vmem_shared>> -> memref<128x128xf32, #tpu.memory_space<vmem_shared>>
      tpu.wait_dma2 semaphore(%run_scoped3A_152 : memref<!tpu.dma_semaphore, #tpu.memory_space<semaphore_mem>>) src(%dma_wait3A_158 : memref<128x128xf32, #tpu.memory_space<vmem_shared>>) dst(%arg13 : memref<128x128xf32, #tpu.memory_space<vmem>>)
      tpu.yield
    }) : () -> ()
    "tpu.region"() ({
      %run_scoped3A_152 = tpu.sem_alloc : memref<!tpu.dma_semaphore, #tpu.memory_space<semaphore_mem>>
      %dma_start3A = arith.constant 0 : i32
      %dma_start3A_153 = tpu.memref_slice %arg7[%add3A_97, %dma_start3A] : memref<20480x128xf32, #tpu.memory_space<hbm>> -> memref<128x128xf32, #tpu.memory_space<hbm>>
      %dma_start3A_154 = arith.constant 0 : i32
      %dma_start3A_155 = tpu.memref_slice %arg7[%add3A_97, %dma_start3A_154] : memref<20480x128xf32, #tpu.memory_space<hbm>> -> memref<128x128xf32, #tpu.memory_space<hbm>>
      tpu.enqueue_dma source(%arg13 : memref<128x128xf32, #tpu.memory_space<vmem>>) target(%dma_start3A_155 : memref<128x128xf32, #tpu.memory_space<hbm>>) target_semaphore(%run_scoped3A_152 : memref<!tpu.dma_semaphore, #tpu.memory_space<semaphore_mem>>)
      %dma_wait3A = arith.constant 0 : i32
      %dma_wait3A_156 = tpu.memref_slice %arg7[%add3A_97, %dma_wait3A] : memref<20480x128xf32, #tpu.memory_space<hbm>> -> memref<128x128xf32, #tpu.memory_space<hbm>>
      %dma_wait3A_157 = arith.constant 0 : i32
      %dma_wait3A_158 = tpu.memref_slice %arg7[%add3A_97, %dma_wait3A_157] : memref<20480x128xf32, #tpu.memory_space<hbm>> -> memref<128x128xf32, #tpu.memory_space<hbm>>
      tpu.wait_dma2 semaphore(%run_scoped3A_152 : memref<!tpu.dma_semaphore, #tpu.memory_space<semaphore_mem>>) src(%arg13 : memref<128x128xf32, #tpu.memory_space<vmem>>) dst(%dma_wait3A_158 : memref<128x128xf32, #tpu.memory_space<hbm>>)
      tpu.yield
    }) : () -> ()
    %run_scoped3A_98 = arith.constant 0 : i32
    "tpu.region"() ({
      %run_scoped3A_152 = tpu.sem_alloc : memref<!tpu.dma_semaphore, #tpu.memory_space<semaphore_mem>>
      %dma_start3A = arith.constant 0 : i32
      %dma_start3A_153 = tpu.memref_slice %arg13[%run_scoped3A_98, %dma_start3A] : memref<128x128xf32, #tpu.memory_space<vmem>> -> memref<1x128xf32, #tpu.memory_space<vmem>>
      %dma_start3A_154 = tpu.memref_squeeze %dma_start3A_153 : memref<1x128xf32, #tpu.memory_space<vmem>> -> memref<128xf32, #tpu.memory_space<vmem>>
      %dma_start3A_155 = tpu.memref_slice %arg15[%add3A_90] : memref<10240xf32, #tpu.memory_space<vmem_shared>> -> memref<128xf32, #tpu.memory_space<vmem_shared>>
      %dma_start3A_156 = arith.constant 0 : i32
      %dma_start3A_157 = tpu.memref_slice %arg13[%run_scoped3A_98, %dma_start3A_156] : memref<128x128xf32, #tpu.memory_space<vmem>> -> memref<1x128xf32, #tpu.memory_space<vmem>>
      %dma_start3A_158 = tpu.memref_squeeze %dma_start3A_157 : memref<1x128xf32, #tpu.memory_space<vmem>> -> memref<128xf32, #tpu.memory_space<vmem>>
      %dma_start3A_159 = tpu.memref_slice %arg15[%add3A_90] : memref<10240xf32, #tpu.memory_space<vmem_shared>> -> memref<128xf32, #tpu.memory_space<vmem_shared>>
      tpu.enqueue_dma source(%dma_start3A_159 : memref<128xf32, #tpu.memory_space<vmem_shared>>) target(%dma_start3A_158 : memref<128xf32, #tpu.memory_space<vmem>>) target_semaphore(%run_scoped3A_152 : memref<!tpu.dma_semaphore, #tpu.memory_space<semaphore_mem>>)
      %dma_wait3A = arith.constant 0 : i32
      %dma_wait3A_160 = tpu.memref_slice %arg13[%run_scoped3A_98, %dma_wait3A] : memref<128x128xf32, #tpu.memory_space<vmem>> -> memref<1x128xf32, #tpu.memory_space<vmem>>
      %dma_wait3A_161 = tpu.memref_squeeze %dma_wait3A_160 : memref<1x128xf32, #tpu.memory_space<vmem>> -> memref<128xf32, #tpu.memory_space<vmem>>
      %dma_wait3A_162 = tpu.memref_slice %arg15[%add3A_90] : memref<10240xf32, #tpu.memory_space<vmem_shared>> -> memref<128xf32, #tpu.memory_space<vmem_shared>>
      %dma_wait3A_163 = arith.constant 0 : i32
      %dma_wait3A_164 = tpu.memref_slice %arg13[%run_scoped3A_98, %dma_wait3A_163] : memref<128x128xf32, #tpu.memory_space<vmem>> -> memref<1x128xf32, #tpu.memory_space<vmem>>
      %dma_wait3A_165 = tpu.memref_squeeze %dma_wait3A_164 : memref<1x128xf32, #tpu.memory_space<vmem>> -> memref<128xf32, #tpu.memory_space<vmem>>
      %dma_wait3A_166 = tpu.memref_slice %arg15[%add3A_90] : memref<10240xf32, #tpu.memory_space<vmem_shared>> -> memref<128xf32, #tpu.memory_space<vmem_shared>>
      tpu.wait_dma2 semaphore(%run_scoped3A_152 : memref<!tpu.dma_semaphore, #tpu.memory_space<semaphore_mem>>) src(%dma_wait3A_166 : memref<128xf32, #tpu.memory_space<vmem_shared>>) dst(%dma_wait3A_165 : memref<128xf32, #tpu.memory_space<vmem>>)
      tpu.yield
    }) : () -> ()
    %run_scoped3A_99 = arith.constant 0 : i32
    "tpu.region"() ({
      %run_scoped3A_152 = tpu.sem_alloc : memref<!tpu.dma_semaphore, #tpu.memory_space<semaphore_mem>>
      %dma_start3A = arith.constant 0 : i32
      %dma_start3A_153 = tpu.memref_slice %arg13[%run_scoped3A_99, %dma_start3A] : memref<128x128xf32, #tpu.memory_space<vmem>> -> memref<1x128xf32, #tpu.memory_space<vmem>>
      %dma_start3A_154 = tpu.memref_squeeze %dma_start3A_153 : memref<1x128xf32, #tpu.memory_space<vmem>> -> memref<128xf32, #tpu.memory_space<vmem>>
      %dma_start3A_155 = tpu.memref_slice %arg8[%add3A_97] : memref<20480xf32, #tpu.memory_space<hbm>> -> memref<128xf32, #tpu.memory_space<hbm>>
      %dma_start3A_156 = tpu.memref_slice %arg8[%add3A_97] : memref<20480xf32, #tpu.memory_space<hbm>> -> memref<128xf32, #tpu.memory_space<hbm>>
      %dma_start3A_157 = arith.constant 0 : i32
      %dma_start3A_158 = tpu.memref_slice %arg13[%run_scoped3A_99, %dma_start3A_157] : memref<128x128xf32, #tpu.memory_space<vmem>> -> memref<1x128xf32, #tpu.memory_space<vmem>>
      %dma_start3A_159 = tpu.memref_squeeze %dma_start3A_158 : memref<1x128xf32, #tpu.memory_space<vmem>> -> memref<128xf32, #tpu.memory_space<vmem>>
      tpu.enqueue_dma source(%dma_start3A_159 : memref<128xf32, #tpu.memory_space<vmem>>) target(%dma_start3A_156 : memref<128xf32, #tpu.memory_space<hbm>>) target_semaphore(%run_scoped3A_152 : memref<!tpu.dma_semaphore, #tpu.memory_space<semaphore_mem>>)
      %dma_wait3A = arith.constant 0 : i32
      %dma_wait3A_160 = tpu.memref_slice %arg13[%run_scoped3A_99, %dma_wait3A] : memref<128x128xf32, #tpu.memory_space<vmem>> -> memref<1x128xf32, #tpu.memory_space<vmem>>
      %dma_wait3A_161 = tpu.memref_squeeze %dma_wait3A_160 : memref<1x128xf32, #tpu.memory_space<vmem>> -> memref<128xf32, #tpu.memory_space<vmem>>
      %dma_wait3A_162 = tpu.memref_slice %arg8[%add3A_97] : memref<20480xf32, #tpu.memory_space<hbm>> -> memref<128xf32, #tpu.memory_space<hbm>>
      %dma_wait3A_163 = tpu.memref_slice %arg8[%add3A_97] : memref<20480xf32, #tpu.memory_space<hbm>> -> memref<128xf32, #tpu.memory_space<hbm>>
      %dma_wait3A_164 = arith.constant 0 : i32
      %dma_wait3A_165 = tpu.memref_slice %arg13[%run_scoped3A_99, %dma_wait3A_164] : memref<128x128xf32, #tpu.memory_space<vmem>> -> memref<1x128xf32, #tpu.memory_space<vmem>>
      %dma_wait3A_166 = tpu.memref_squeeze %dma_wait3A_165 : memref<1x128xf32, #tpu.memory_space<vmem>> -> memref<128xf32, #tpu.memory_space<vmem>>
      tpu.wait_dma2 semaphore(%run_scoped3A_152 : memref<!tpu.dma_semaphore, #tpu.memory_space<semaphore_mem>>) src(%dma_wait3A_166 : memref<128xf32, #tpu.memory_space<vmem>>) dst(%dma_wait3A_163 : memref<128xf32, #tpu.memory_space<hbm>>)
      tpu.yield
    }) : () -> ()
    %mul3A_100 = arith.constant 640 : i32
    %mul3A_101 = arith.muli %arg1, %mul3A_100 : i32
    %add3A_102 = arith.constant 128 : i32
    %add3A_103 = arith.addi %mul3A_101, %add3A_102 : i32
    %mul3A_104 = arith.constant 10240 : i32
    %mul3A_105 = arith.muli %arg0, %mul3A_104 : i32
    %mul3A_106 = arith.constant 640 : i32
    %mul3A_107 = arith.muli %arg1, %mul3A_106 : i32
    %add3A_108 = arith.addi %mul3A_105, %mul3A_107 : i32
    %add3A_109 = arith.constant 128 : i32
    %add3A_110 = arith.addi %add3A_108, %add3A_109 : i32
    "tpu.region"() ({
      %run_scoped3A_152 = tpu.sem_alloc : memref<!tpu.dma_semaphore, #tpu.memory_space<semaphore_mem>>
      %dma_start3A = arith.constant 0 : i32
      %dma_start3A_153 = tpu.memref_slice %arg14[%add3A_103, %dma_start3A] : memref<10240x128xf32, #tpu.memory_space<vmem_shared>> -> memref<128x128xf32, #tpu.memory_space<vmem_shared>>
      %dma_start3A_154 = arith.constant 0 : i32
      %dma_start3A_155 = tpu.memref_slice %arg14[%add3A_103, %dma_start3A_154] : memref<10240x128xf32, #tpu.memory_space<vmem_shared>> -> memref<128x128xf32, #tpu.memory_space<vmem_shared>>
      tpu.enqueue_dma source(%dma_start3A_155 : memref<128x128xf32, #tpu.memory_space<vmem_shared>>) target(%arg13 : memref<128x128xf32, #tpu.memory_space<vmem>>) target_semaphore(%run_scoped3A_152 : memref<!tpu.dma_semaphore, #tpu.memory_space<semaphore_mem>>)
      %dma_wait3A = arith.constant 0 : i32
      %dma_wait3A_156 = tpu.memref_slice %arg14[%add3A_103, %dma_wait3A] : memref<10240x128xf32, #tpu.memory_space<vmem_shared>> -> memref<128x128xf32, #tpu.memory_space<vmem_shared>>
      %dma_wait3A_157 = arith.constant 0 : i32
      %dma_wait3A_158 = tpu.memref_slice %arg14[%add3A_103, %dma_wait3A_157] : memref<10240x128xf32, #tpu.memory_space<vmem_shared>> -> memref<128x128xf32, #tpu.memory_space<vmem_shared>>
      tpu.wait_dma2 semaphore(%run_scoped3A_152 : memref<!tpu.dma_semaphore, #tpu.memory_space<semaphore_mem>>) src(%dma_wait3A_158 : memref<128x128xf32, #tpu.memory_space<vmem_shared>>) dst(%arg13 : memref<128x128xf32, #tpu.memory_space<vmem>>)
      tpu.yield
    }) : () -> ()
    "tpu.region"() ({
      %run_scoped3A_152 = tpu.sem_alloc : memref<!tpu.dma_semaphore, #tpu.memory_space<semaphore_mem>>
      %dma_start3A = arith.constant 0 : i32
      %dma_start3A_153 = tpu.memref_slice %arg7[%add3A_110, %dma_start3A] : memref<20480x128xf32, #tpu.memory_space<hbm>> -> memref<128x128xf32, #tpu.memory_space<hbm>>
      %dma_start3A_154 = arith.constant 0 : i32
      %dma_start3A_155 = tpu.memref_slice %arg7[%add3A_110, %dma_start3A_154] : memref<20480x128xf32, #tpu.memory_space<hbm>> -> memref<128x128xf32, #tpu.memory_space<hbm>>
      tpu.enqueue_dma source(%arg13 : memref<128x128xf32, #tpu.memory_space<vmem>>) target(%dma_start3A_155 : memref<128x128xf32, #tpu.memory_space<hbm>>) target_semaphore(%run_scoped3A_152 : memref<!tpu.dma_semaphore, #tpu.memory_space<semaphore_mem>>)
      %dma_wait3A = arith.constant 0 : i32
      %dma_wait3A_156 = tpu.memref_slice %arg7[%add3A_110, %dma_wait3A] : memref<20480x128xf32, #tpu.memory_space<hbm>> -> memref<128x128xf32, #tpu.memory_space<hbm>>
      %dma_wait3A_157 = arith.constant 0 : i32
      %dma_wait3A_158 = tpu.memref_slice %arg7[%add3A_110, %dma_wait3A_157] : memref<20480x128xf32, #tpu.memory_space<hbm>> -> memref<128x128xf32, #tpu.memory_space<hbm>>
      tpu.wait_dma2 semaphore(%run_scoped3A_152 : memref<!tpu.dma_semaphore, #tpu.memory_space<semaphore_mem>>) src(%arg13 : memref<128x128xf32, #tpu.memory_space<vmem>>) dst(%dma_wait3A_158 : memref<128x128xf32, #tpu.memory_space<hbm>>)
      tpu.yield
    }) : () -> ()
    %run_scoped3A_111 = arith.constant 0 : i32
    "tpu.region"() ({
      %run_scoped3A_152 = tpu.sem_alloc : memref<!tpu.dma_semaphore, #tpu.memory_space<semaphore_mem>>
      %dma_start3A = arith.constant 0 : i32
      %dma_start3A_153 = tpu.memref_slice %arg13[%run_scoped3A_111, %dma_start3A] : memref<128x128xf32, #tpu.memory_space<vmem>> -> memref<1x128xf32, #tpu.memory_space<vmem>>
      %dma_start3A_154 = tpu.memref_squeeze %dma_start3A_153 : memref<1x128xf32, #tpu.memory_space<vmem>> -> memref<128xf32, #tpu.memory_space<vmem>>
      %dma_start3A_155 = tpu.memref_slice %arg15[%add3A_103] : memref<10240xf32, #tpu.memory_space<vmem_shared>> -> memref<128xf32, #tpu.memory_space<vmem_shared>>
      %dma_start3A_156 = arith.constant 0 : i32
      %dma_start3A_157 = tpu.memref_slice %arg13[%run_scoped3A_111, %dma_start3A_156] : memref<128x128xf32, #tpu.memory_space<vmem>> -> memref<1x128xf32, #tpu.memory_space<vmem>>
      %dma_start3A_158 = tpu.memref_squeeze %dma_start3A_157 : memref<1x128xf32, #tpu.memory_space<vmem>> -> memref<128xf32, #tpu.memory_space<vmem>>
      %dma_start3A_159 = tpu.memref_slice %arg15[%add3A_103] : memref<10240xf32, #tpu.memory_space<vmem_shared>> -> memref<128xf32, #tpu.memory_space<vmem_shared>>
      tpu.enqueue_dma source(%dma_start3A_159 : memref<128xf32, #tpu.memory_space<vmem_shared>>) target(%dma_start3A_158 : memref<128xf32, #tpu.memory_space<vmem>>) target_semaphore(%run_scoped3A_152 : memref<!tpu.dma_semaphore, #tpu.memory_space<semaphore_mem>>)
      %dma_wait3A = arith.constant 0 : i32
      %dma_wait3A_160 = tpu.memref_slice %arg13[%run_scoped3A_111, %dma_wait3A] : memref<128x128xf32, #tpu.memory_space<vmem>> -> memref<1x128xf32, #tpu.memory_space<vmem>>
      %dma_wait3A_161 = tpu.memref_squeeze %dma_wait3A_160 : memref<1x128xf32, #tpu.memory_space<vmem>> -> memref<128xf32, #tpu.memory_space<vmem>>
      %dma_wait3A_162 = tpu.memref_slice %arg15[%add3A_103] : memref<10240xf32, #tpu.memory_space<vmem_shared>> -> memref<128xf32, #tpu.memory_space<vmem_shared>>
      %dma_wait3A_163 = arith.constant 0 : i32
      %dma_wait3A_164 = tpu.memref_slice %arg13[%run_scoped3A_111, %dma_wait3A_163] : memref<128x128xf32, #tpu.memory_space<vmem>> -> memref<1x128xf32, #tpu.memory_space<vmem>>
      %dma_wait3A_165 = tpu.memref_squeeze %dma_wait3A_164 : memref<1x128xf32, #tpu.memory_space<vmem>> -> memref<128xf32, #tpu.memory_space<vmem>>
      %dma_wait3A_166 = tpu.memref_slice %arg15[%add3A_103] : memref<10240xf32, #tpu.memory_space<vmem_shared>> -> memref<128xf32, #tpu.memory_space<vmem_shared>>
      tpu.wait_dma2 semaphore(%run_scoped3A_152 : memref<!tpu.dma_semaphore, #tpu.memory_space<semaphore_mem>>) src(%dma_wait3A_166 : memref<128xf32, #tpu.memory_space<vmem_shared>>) dst(%dma_wait3A_165 : memref<128xf32, #tpu.memory_space<vmem>>)
      tpu.yield
    }) : () -> ()
    %run_scoped3A_112 = arith.constant 0 : i32
    "tpu.region"() ({
      %run_scoped3A_152 = tpu.sem_alloc : memref<!tpu.dma_semaphore, #tpu.memory_space<semaphore_mem>>
      %dma_start3A = arith.constant 0 : i32
      %dma_start3A_153 = tpu.memref_slice %arg13[%run_scoped3A_112, %dma_start3A] : memref<128x128xf32, #tpu.memory_space<vmem>> -> memref<1x128xf32, #tpu.memory_space<vmem>>
      %dma_start3A_154 = tpu.memref_squeeze %dma_start3A_153 : memref<1x128xf32, #tpu.memory_space<vmem>> -> memref<128xf32, #tpu.memory_space<vmem>>
      %dma_start3A_155 = tpu.memref_slice %arg8[%add3A_110] : memref<20480xf32, #tpu.memory_space<hbm>> -> memref<128xf32, #tpu.memory_space<hbm>>
      %dma_start3A_156 = tpu.memref_slice %arg8[%add3A_110] : memref<20480xf32, #tpu.memory_space<hbm>> -> memref<128xf32, #tpu.memory_space<hbm>>
      %dma_start3A_157 = arith.constant 0 : i32
      %dma_start3A_158 = tpu.memref_slice %arg13[%run_scoped3A_112, %dma_start3A_157] : memref<128x128xf32, #tpu.memory_space<vmem>> -> memref<1x128xf32, #tpu.memory_space<vmem>>
      %dma_start3A_159 = tpu.memref_squeeze %dma_start3A_158 : memref<1x128xf32, #tpu.memory_space<vmem>> -> memref<128xf32, #tpu.memory_space<vmem>>
      tpu.enqueue_dma source(%dma_start3A_159 : memref<128xf32, #tpu.memory_space<vmem>>) target(%dma_start3A_156 : memref<128xf32, #tpu.memory_space<hbm>>) target_semaphore(%run_scoped3A_152 : memref<!tpu.dma_semaphore, #tpu.memory_space<semaphore_mem>>)
      %dma_wait3A = arith.constant 0 : i32
      %dma_wait3A_160 = tpu.memref_slice %arg13[%run_scoped3A_112, %dma_wait3A] : memref<128x128xf32, #tpu.memory_space<vmem>> -> memref<1x128xf32, #tpu.memory_space<vmem>>
      %dma_wait3A_161 = tpu.memref_squeeze %dma_wait3A_160 : memref<1x128xf32, #tpu.memory_space<vmem>> -> memref<128xf32, #tpu.memory_space<vmem>>
      %dma_wait3A_162 = tpu.memref_slice %arg8[%add3A_110] : memref<20480xf32, #tpu.memory_space<hbm>> -> memref<128xf32, #tpu.memory_space<hbm>>
      %dma_wait3A_163 = tpu.memref_slice %arg8[%add3A_110] : memref<20480xf32, #tpu.memory_space<hbm>> -> memref<128xf32, #tpu.memory_space<hbm>>
      %dma_wait3A_164 = arith.constant 0 : i32
      %dma_wait3A_165 = tpu.memref_slice %arg13[%run_scoped3A_112, %dma_wait3A_164] : memref<128x128xf32, #tpu.memory_space<vmem>> -> memref<1x128xf32, #tpu.memory_space<vmem>>
      %dma_wait3A_166 = tpu.memref_squeeze %dma_wait3A_165 : memref<1x128xf32, #tpu.memory_space<vmem>> -> memref<128xf32, #tpu.memory_space<vmem>>
      tpu.wait_dma2 semaphore(%run_scoped3A_152 : memref<!tpu.dma_semaphore, #tpu.memory_space<semaphore_mem>>) src(%dma_wait3A_166 : memref<128xf32, #tpu.memory_space<vmem>>) dst(%dma_wait3A_163 : memref<128xf32, #tpu.memory_space<hbm>>)
      tpu.yield
    }) : () -> ()
    %mul3A_113 = arith.constant 640 : i32
    %mul3A_114 = arith.muli %arg1, %mul3A_113 : i32
    %add3A_115 = arith.constant 256 : i32
    %add3A_116 = arith.addi %mul3A_114, %add3A_115 : i32
    %mul3A_117 = arith.constant 10240 : i32
    %mul3A_118 = arith.muli %arg0, %mul3A_117 : i32
    %mul3A_119 = arith.constant 640 : i32
    %mul3A_120 = arith.muli %arg1, %mul3A_119 : i32
    %add3A_121 = arith.addi %mul3A_118, %mul3A_120 : i32
    %add3A_122 = arith.constant 256 : i32
    %add3A_123 = arith.addi %add3A_121, %add3A_122 : i32
    "tpu.region"() ({
      %run_scoped3A_152 = tpu.sem_alloc : memref<!tpu.dma_semaphore, #tpu.memory_space<semaphore_mem>>
      %dma_start3A = arith.constant 0 : i32
      %dma_start3A_153 = tpu.memref_slice %arg14[%add3A_116, %dma_start3A] : memref<10240x128xf32, #tpu.memory_space<vmem_shared>> -> memref<128x128xf32, #tpu.memory_space<vmem_shared>>
      %dma_start3A_154 = arith.constant 0 : i32
      %dma_start3A_155 = tpu.memref_slice %arg14[%add3A_116, %dma_start3A_154] : memref<10240x128xf32, #tpu.memory_space<vmem_shared>> -> memref<128x128xf32, #tpu.memory_space<vmem_shared>>
      tpu.enqueue_dma source(%dma_start3A_155 : memref<128x128xf32, #tpu.memory_space<vmem_shared>>) target(%arg13 : memref<128x128xf32, #tpu.memory_space<vmem>>) target_semaphore(%run_scoped3A_152 : memref<!tpu.dma_semaphore, #tpu.memory_space<semaphore_mem>>)
      %dma_wait3A = arith.constant 0 : i32
      %dma_wait3A_156 = tpu.memref_slice %arg14[%add3A_116, %dma_wait3A] : memref<10240x128xf32, #tpu.memory_space<vmem_shared>> -> memref<128x128xf32, #tpu.memory_space<vmem_shared>>
      %dma_wait3A_157 = arith.constant 0 : i32
      %dma_wait3A_158 = tpu.memref_slice %arg14[%add3A_116, %dma_wait3A_157] : memref<10240x128xf32, #tpu.memory_space<vmem_shared>> -> memref<128x128xf32, #tpu.memory_space<vmem_shared>>
      tpu.wait_dma2 semaphore(%run_scoped3A_152 : memref<!tpu.dma_semaphore, #tpu.memory_space<semaphore_mem>>) src(%dma_wait3A_158 : memref<128x128xf32, #tpu.memory_space<vmem_shared>>) dst(%arg13 : memref<128x128xf32, #tpu.memory_space<vmem>>)
      tpu.yield
    }) : () -> ()
    "tpu.region"() ({
      %run_scoped3A_152 = tpu.sem_alloc : memref<!tpu.dma_semaphore, #tpu.memory_space<semaphore_mem>>
      %dma_start3A = arith.constant 0 : i32
      %dma_start3A_153 = tpu.memref_slice %arg7[%add3A_123, %dma_start3A] : memref<20480x128xf32, #tpu.memory_space<hbm>> -> memref<128x128xf32, #tpu.memory_space<hbm>>
      %dma_start3A_154 = arith.constant 0 : i32
      %dma_start3A_155 = tpu.memref_slice %arg7[%add3A_123, %dma_start3A_154] : memref<20480x128xf32, #tpu.memory_space<hbm>> -> memref<128x128xf32, #tpu.memory_space<hbm>>
      tpu.enqueue_dma source(%arg13 : memref<128x128xf32, #tpu.memory_space<vmem>>) target(%dma_start3A_155 : memref<128x128xf32, #tpu.memory_space<hbm>>) target_semaphore(%run_scoped3A_152 : memref<!tpu.dma_semaphore, #tpu.memory_space<semaphore_mem>>)
      %dma_wait3A = arith.constant 0 : i32
      %dma_wait3A_156 = tpu.memref_slice %arg7[%add3A_123, %dma_wait3A] : memref<20480x128xf32, #tpu.memory_space<hbm>> -> memref<128x128xf32, #tpu.memory_space<hbm>>
      %dma_wait3A_157 = arith.constant 0 : i32
      %dma_wait3A_158 = tpu.memref_slice %arg7[%add3A_123, %dma_wait3A_157] : memref<20480x128xf32, #tpu.memory_space<hbm>> -> memref<128x128xf32, #tpu.memory_space<hbm>>
      tpu.wait_dma2 semaphore(%run_scoped3A_152 : memref<!tpu.dma_semaphore, #tpu.memory_space<semaphore_mem>>) src(%arg13 : memref<128x128xf32, #tpu.memory_space<vmem>>) dst(%dma_wait3A_158 : memref<128x128xf32, #tpu.memory_space<hbm>>)
      tpu.yield
    }) : () -> ()
    %run_scoped3A_124 = arith.constant 0 : i32
    "tpu.region"() ({
      %run_scoped3A_152 = tpu.sem_alloc : memref<!tpu.dma_semaphore, #tpu.memory_space<semaphore_mem>>
      %dma_start3A = arith.constant 0 : i32
      %dma_start3A_153 = tpu.memref_slice %arg13[%run_scoped3A_124, %dma_start3A] : memref<128x128xf32, #tpu.memory_space<vmem>> -> memref<1x128xf32, #tpu.memory_space<vmem>>
      %dma_start3A_154 = tpu.memref_squeeze %dma_start3A_153 : memref<1x128xf32, #tpu.memory_space<vmem>> -> memref<128xf32, #tpu.memory_space<vmem>>
      %dma_start3A_155 = tpu.memref_slice %arg15[%add3A_116] : memref<10240xf32, #tpu.memory_space<vmem_shared>> -> memref<128xf32, #tpu.memory_space<vmem_shared>>
      %dma_start3A_156 = arith.constant 0 : i32
      %dma_start3A_157 = tpu.memref_slice %arg13[%run_scoped3A_124, %dma_start3A_156] : memref<128x128xf32, #tpu.memory_space<vmem>> -> memref<1x128xf32, #tpu.memory_space<vmem>>
      %dma_start3A_158 = tpu.memref_squeeze %dma_start3A_157 : memref<1x128xf32, #tpu.memory_space<vmem>> -> memref<128xf32, #tpu.memory_space<vmem>>
      %dma_start3A_159 = tpu.memref_slice %arg15[%add3A_116] : memref<10240xf32, #tpu.memory_space<vmem_shared>> -> memref<128xf32, #tpu.memory_space<vmem_shared>>
      tpu.enqueue_dma source(%dma_start3A_159 : memref<128xf32, #tpu.memory_space<vmem_shared>>) target(%dma_start3A_158 : memref<128xf32, #tpu.memory_space<vmem>>) target_semaphore(%run_scoped3A_152 : memref<!tpu.dma_semaphore, #tpu.memory_space<semaphore_mem>>)
      %dma_wait3A = arith.constant 0 : i32
      %dma_wait3A_160 = tpu.memref_slice %arg13[%run_scoped3A_124, %dma_wait3A] : memref<128x128xf32, #tpu.memory_space<vmem>> -> memref<1x128xf32, #tpu.memory_space<vmem>>
      %dma_wait3A_161 = tpu.memref_squeeze %dma_wait3A_160 : memref<1x128xf32, #tpu.memory_space<vmem>> -> memref<128xf32, #tpu.memory_space<vmem>>
      %dma_wait3A_162 = tpu.memref_slice %arg15[%add3A_116] : memref<10240xf32, #tpu.memory_space<vmem_shared>> -> memref<128xf32, #tpu.memory_space<vmem_shared>>
      %dma_wait3A_163 = arith.constant 0 : i32
      %dma_wait3A_164 = tpu.memref_slice %arg13[%run_scoped3A_124, %dma_wait3A_163] : memref<128x128xf32, #tpu.memory_space<vmem>> -> memref<1x128xf32, #tpu.memory_space<vmem>>
      %dma_wait3A_165 = tpu.memref_squeeze %dma_wait3A_164 : memref<1x128xf32, #tpu.memory_space<vmem>> -> memref<128xf32, #tpu.memory_space<vmem>>
      %dma_wait3A_166 = tpu.memref_slice %arg15[%add3A_116] : memref<10240xf32, #tpu.memory_space<vmem_shared>> -> memref<128xf32, #tpu.memory_space<vmem_shared>>
      tpu.wait_dma2 semaphore(%run_scoped3A_152 : memref<!tpu.dma_semaphore, #tpu.memory_space<semaphore_mem>>) src(%dma_wait3A_166 : memref<128xf32, #tpu.memory_space<vmem_shared>>) dst(%dma_wait3A_165 : memref<128xf32, #tpu.memory_space<vmem>>)
      tpu.yield
    }) : () -> ()
    %run_scoped3A_125 = arith.constant 0 : i32
    "tpu.region"() ({
      %run_scoped3A_152 = tpu.sem_alloc : memref<!tpu.dma_semaphore, #tpu.memory_space<semaphore_mem>>
      %dma_start3A = arith.constant 0 : i32
      %dma_start3A_153 = tpu.memref_slice %arg13[%run_scoped3A_125, %dma_start3A] : memref<128x128xf32, #tpu.memory_space<vmem>> -> memref<1x128xf32, #tpu.memory_space<vmem>>
      %dma_start3A_154 = tpu.memref_squeeze %dma_start3A_153 : memref<1x128xf32, #tpu.memory_space<vmem>> -> memref<128xf32, #tpu.memory_space<vmem>>
      %dma_start3A_155 = tpu.memref_slice %arg8[%add3A_123] : memref<20480xf32, #tpu.memory_space<hbm>> -> memref<128xf32, #tpu.memory_space<hbm>>
      %dma_start3A_156 = tpu.memref_slice %arg8[%add3A_123] : memref<20480xf32, #tpu.memory_space<hbm>> -> memref<128xf32, #tpu.memory_space<hbm>>
      %dma_start3A_157 = arith.constant 0 : i32
      %dma_start3A_158 = tpu.memref_slice %arg13[%run_scoped3A_125, %dma_start3A_157] : memref<128x128xf32, #tpu.memory_space<vmem>> -> memref<1x128xf32, #tpu.memory_space<vmem>>
      %dma_start3A_159 = tpu.memref_squeeze %dma_start3A_158 : memref<1x128xf32, #tpu.memory_space<vmem>> -> memref<128xf32, #tpu.memory_space<vmem>>
      tpu.enqueue_dma source(%dma_start3A_159 : memref<128xf32, #tpu.memory_space<vmem>>) target(%dma_start3A_156 : memref<128xf32, #tpu.memory_space<hbm>>) target_semaphore(%run_scoped3A_152 : memref<!tpu.dma_semaphore, #tpu.memory_space<semaphore_mem>>)
      %dma_wait3A = arith.constant 0 : i32
      %dma_wait3A_160 = tpu.memref_slice %arg13[%run_scoped3A_125, %dma_wait3A] : memref<128x128xf32, #tpu.memory_space<vmem>> -> memref<1x128xf32, #tpu.memory_space<vmem>>
      %dma_wait3A_161 = tpu.memref_squeeze %dma_wait3A_160 : memref<1x128xf32, #tpu.memory_space<vmem>> -> memref<128xf32, #tpu.memory_space<vmem>>
      %dma_wait3A_162 = tpu.memref_slice %arg8[%add3A_123] : memref<20480xf32, #tpu.memory_space<hbm>> -> memref<128xf32, #tpu.memory_space<hbm>>
      %dma_wait3A_163 = tpu.memref_slice %arg8[%add3A_123] : memref<20480xf32, #tpu.memory_space<hbm>> -> memref<128xf32, #tpu.memory_space<hbm>>
      %dma_wait3A_164 = arith.constant 0 : i32
      %dma_wait3A_165 = tpu.memref_slice %arg13[%run_scoped3A_125, %dma_wait3A_164] : memref<128x128xf32, #tpu.memory_space<vmem>> -> memref<1x128xf32, #tpu.memory_space<vmem>>
      %dma_wait3A_166 = tpu.memref_squeeze %dma_wait3A_165 : memref<1x128xf32, #tpu.memory_space<vmem>> -> memref<128xf32, #tpu.memory_space<vmem>>
      tpu.wait_dma2 semaphore(%run_scoped3A_152 : memref<!tpu.dma_semaphore, #tpu.memory_space<semaphore_mem>>) src(%dma_wait3A_166 : memref<128xf32, #tpu.memory_space<vmem>>) dst(%dma_wait3A_163 : memref<128xf32, #tpu.memory_space<hbm>>)
      tpu.yield
    }) : () -> ()
    %mul3A_126 = arith.constant 640 : i32
    %mul3A_127 = arith.muli %arg1, %mul3A_126 : i32
    %add3A_128 = arith.constant 384 : i32
    %add3A_129 = arith.addi %mul3A_127, %add3A_128 : i32
    %mul3A_130 = arith.constant 10240 : i32
    %mul3A_131 = arith.muli %arg0, %mul3A_130 : i32
    %mul3A_132 = arith.constant 640 : i32
    %mul3A_133 = arith.muli %arg1, %mul3A_132 : i32
    %add3A_134 = arith.addi %mul3A_131, %mul3A_133 : i32
    %add3A_135 = arith.constant 384 : i32
    %add3A_136 = arith.addi %add3A_134, %add3A_135 : i32
    "tpu.region"() ({
      %run_scoped3A_152 = tpu.sem_alloc : memref<!tpu.dma_semaphore, #tpu.memory_space<semaphore_mem>>
      %dma_start3A = arith.constant 0 : i32
      %dma_start3A_153 = tpu.memref_slice %arg14[%add3A_129, %dma_start3A] : memref<10240x128xf32, #tpu.memory_space<vmem_shared>> -> memref<128x128xf32, #tpu.memory_space<vmem_shared>>
      %dma_start3A_154 = arith.constant 0 : i32
      %dma_start3A_155 = tpu.memref_slice %arg14[%add3A_129, %dma_start3A_154] : memref<10240x128xf32, #tpu.memory_space<vmem_shared>> -> memref<128x128xf32, #tpu.memory_space<vmem_shared>>
      tpu.enqueue_dma source(%dma_start3A_155 : memref<128x128xf32, #tpu.memory_space<vmem_shared>>) target(%arg13 : memref<128x128xf32, #tpu.memory_space<vmem>>) target_semaphore(%run_scoped3A_152 : memref<!tpu.dma_semaphore, #tpu.memory_space<semaphore_mem>>)
      %dma_wait3A = arith.constant 0 : i32
      %dma_wait3A_156 = tpu.memref_slice %arg14[%add3A_129, %dma_wait3A] : memref<10240x128xf32, #tpu.memory_space<vmem_shared>> -> memref<128x128xf32, #tpu.memory_space<vmem_shared>>
      %dma_wait3A_157 = arith.constant 0 : i32
      %dma_wait3A_158 = tpu.memref_slice %arg14[%add3A_129, %dma_wait3A_157] : memref<10240x128xf32, #tpu.memory_space<vmem_shared>> -> memref<128x128xf32, #tpu.memory_space<vmem_shared>>
      tpu.wait_dma2 semaphore(%run_scoped3A_152 : memref<!tpu.dma_semaphore, #tpu.memory_space<semaphore_mem>>) src(%dma_wait3A_158 : memref<128x128xf32, #tpu.memory_space<vmem_shared>>) dst(%arg13 : memref<128x128xf32, #tpu.memory_space<vmem>>)
      tpu.yield
    }) : () -> ()
    "tpu.region"() ({
      %run_scoped3A_152 = tpu.sem_alloc : memref<!tpu.dma_semaphore, #tpu.memory_space<semaphore_mem>>
      %dma_start3A = arith.constant 0 : i32
      %dma_start3A_153 = tpu.memref_slice %arg7[%add3A_136, %dma_start3A] : memref<20480x128xf32, #tpu.memory_space<hbm>> -> memref<128x128xf32, #tpu.memory_space<hbm>>
      %dma_start3A_154 = arith.constant 0 : i32
      %dma_start3A_155 = tpu.memref_slice %arg7[%add3A_136, %dma_start3A_154] : memref<20480x128xf32, #tpu.memory_space<hbm>> -> memref<128x128xf32, #tpu.memory_space<hbm>>
      tpu.enqueue_dma source(%arg13 : memref<128x128xf32, #tpu.memory_space<vmem>>) target(%dma_start3A_155 : memref<128x128xf32, #tpu.memory_space<hbm>>) target_semaphore(%run_scoped3A_152 : memref<!tpu.dma_semaphore, #tpu.memory_space<semaphore_mem>>)
      %dma_wait3A = arith.constant 0 : i32
      %dma_wait3A_156 = tpu.memref_slice %arg7[%add3A_136, %dma_wait3A] : memref<20480x128xf32, #tpu.memory_space<hbm>> -> memref<128x128xf32, #tpu.memory_space<hbm>>
      %dma_wait3A_157 = arith.constant 0 : i32
      %dma_wait3A_158 = tpu.memref_slice %arg7[%add3A_136, %dma_wait3A_157] : memref<20480x128xf32, #tpu.memory_space<hbm>> -> memref<128x128xf32, #tpu.memory_space<hbm>>
      tpu.wait_dma2 semaphore(%run_scoped3A_152 : memref<!tpu.dma_semaphore, #tpu.memory_space<semaphore_mem>>) src(%arg13 : memref<128x128xf32, #tpu.memory_space<vmem>>) dst(%dma_wait3A_158 : memref<128x128xf32, #tpu.memory_space<hbm>>)
      tpu.yield
    }) : () -> ()
    %run_scoped3A_137 = arith.constant 0 : i32
    "tpu.region"() ({
      %run_scoped3A_152 = tpu.sem_alloc : memref<!tpu.dma_semaphore, #tpu.memory_space<semaphore_mem>>
      %dma_start3A = arith.constant 0 : i32
      %dma_start3A_153 = tpu.memref_slice %arg13[%run_scoped3A_137, %dma_start3A] : memref<128x128xf32, #tpu.memory_space<vmem>> -> memref<1x128xf32, #tpu.memory_space<vmem>>
      %dma_start3A_154 = tpu.memref_squeeze %dma_start3A_153 : memref<1x128xf32, #tpu.memory_space<vmem>> -> memref<128xf32, #tpu.memory_space<vmem>>
      %dma_start3A_155 = tpu.memref_slice %arg15[%add3A_129] : memref<10240xf32, #tpu.memory_space<vmem_shared>> -> memref<128xf32, #tpu.memory_space<vmem_shared>>
      %dma_start3A_156 = arith.constant 0 : i32
      %dma_start3A_157 = tpu.memref_slice %arg13[%run_scoped3A_137, %dma_start3A_156] : memref<128x128xf32, #tpu.memory_space<vmem>> -> memref<1x128xf32, #tpu.memory_space<vmem>>
      %dma_start3A_158 = tpu.memref_squeeze %dma_start3A_157 : memref<1x128xf32, #tpu.memory_space<vmem>> -> memref<128xf32, #tpu.memory_space<vmem>>
      %dma_start3A_159 = tpu.memref_slice %arg15[%add3A_129] : memref<10240xf32, #tpu.memory_space<vmem_shared>> -> memref<128xf32, #tpu.memory_space<vmem_shared>>
      tpu.enqueue_dma source(%dma_start3A_159 : memref<128xf32, #tpu.memory_space<vmem_shared>>) target(%dma_start3A_158 : memref<128xf32, #tpu.memory_space<vmem>>) target_semaphore(%run_scoped3A_152 : memref<!tpu.dma_semaphore, #tpu.memory_space<semaphore_mem>>)
      %dma_wait3A = arith.constant 0 : i32
      %dma_wait3A_160 = tpu.memref_slice %arg13[%run_scoped3A_137, %dma_wait3A] : memref<128x128xf32, #tpu.memory_space<vmem>> -> memref<1x128xf32, #tpu.memory_space<vmem>>
      %dma_wait3A_161 = tpu.memref_squeeze %dma_wait3A_160 : memref<1x128xf32, #tpu.memory_space<vmem>> -> memref<128xf32, #tpu.memory_space<vmem>>
      %dma_wait3A_162 = tpu.memref_slice %arg15[%add3A_129] : memref<10240xf32, #tpu.memory_space<vmem_shared>> -> memref<128xf32, #tpu.memory_space<vmem_shared>>
      %dma_wait3A_163 = arith.constant 0 : i32
      %dma_wait3A_164 = tpu.memref_slice %arg13[%run_scoped3A_137, %dma_wait3A_163] : memref<128x128xf32, #tpu.memory_space<vmem>> -> memref<1x128xf32, #tpu.memory_space<vmem>>
      %dma_wait3A_165 = tpu.memref_squeeze %dma_wait3A_164 : memref<1x128xf32, #tpu.memory_space<vmem>> -> memref<128xf32, #tpu.memory_space<vmem>>
      %dma_wait3A_166 = tpu.memref_slice %arg15[%add3A_129] : memref<10240xf32, #tpu.memory_space<vmem_shared>> -> memref<128xf32, #tpu.memory_space<vmem_shared>>
      tpu.wait_dma2 semaphore(%run_scoped3A_152 : memref<!tpu.dma_semaphore, #tpu.memory_space<semaphore_mem>>) src(%dma_wait3A_166 : memref<128xf32, #tpu.memory_space<vmem_shared>>) dst(%dma_wait3A_165 : memref<128xf32, #tpu.memory_space<vmem>>)
      tpu.yield
    }) : () -> ()
    %run_scoped3A_138 = arith.constant 0 : i32
    "tpu.region"() ({
      %run_scoped3A_152 = tpu.sem_alloc : memref<!tpu.dma_semaphore, #tpu.memory_space<semaphore_mem>>
      %dma_start3A = arith.constant 0 : i32
      %dma_start3A_153 = tpu.memref_slice %arg13[%run_scoped3A_138, %dma_start3A] : memref<128x128xf32, #tpu.memory_space<vmem>> -> memref<1x128xf32, #tpu.memory_space<vmem>>
      %dma_start3A_154 = tpu.memref_squeeze %dma_start3A_153 : memref<1x128xf32, #tpu.memory_space<vmem>> -> memref<128xf32, #tpu.memory_space<vmem>>
      %dma_start3A_155 = tpu.memref_slice %arg8[%add3A_136] : memref<20480xf32, #tpu.memory_space<hbm>> -> memref<128xf32, #tpu.memory_space<hbm>>
      %dma_start3A_156 = tpu.memref_slice %arg8[%add3A_136] : memref<20480xf32, #tpu.memory_space<hbm>> -> memref<128xf32, #tpu.memory_space<hbm>>
      %dma_start3A_157 = arith.constant 0 : i32
      %dma_start3A_158 = tpu.memref_slice %arg13[%run_scoped3A_138, %dma_start3A_157] : memref<128x128xf32, #tpu.memory_space<vmem>> -> memref<1x128xf32, #tpu.memory_space<vmem>>
      %dma_start3A_159 = tpu.memref_squeeze %dma_start3A_158 : memref<1x128xf32, #tpu.memory_space<vmem>> -> memref<128xf32, #tpu.memory_space<vmem>>
      tpu.enqueue_dma source(%dma_start3A_159 : memref<128xf32, #tpu.memory_space<vmem>>) target(%dma_start3A_156 : memref<128xf32, #tpu.memory_space<hbm>>) target_semaphore(%run_scoped3A_152 : memref<!tpu.dma_semaphore, #tpu.memory_space<semaphore_mem>>)
      %dma_wait3A = arith.constant 0 : i32
      %dma_wait3A_160 = tpu.memref_slice %arg13[%run_scoped3A_138, %dma_wait3A] : memref<128x128xf32, #tpu.memory_space<vmem>> -> memref<1x128xf32, #tpu.memory_space<vmem>>
      %dma_wait3A_161 = tpu.memref_squeeze %dma_wait3A_160 : memref<1x128xf32, #tpu.memory_space<vmem>> -> memref<128xf32, #tpu.memory_space<vmem>>
      %dma_wait3A_162 = tpu.memref_slice %arg8[%add3A_136] : memref<20480xf32, #tpu.memory_space<hbm>> -> memref<128xf32, #tpu.memory_space<hbm>>
      %dma_wait3A_163 = tpu.memref_slice %arg8[%add3A_136] : memref<20480xf32, #tpu.memory_space<hbm>> -> memref<128xf32, #tpu.memory_space<hbm>>
      %dma_wait3A_164 = arith.constant 0 : i32
      %dma_wait3A_165 = tpu.memref_slice %arg13[%run_scoped3A_138, %dma_wait3A_164] : memref<128x128xf32, #tpu.memory_space<vmem>> -> memref<1x128xf32, #tpu.memory_space<vmem>>
      %dma_wait3A_166 = tpu.memref_squeeze %dma_wait3A_165 : memref<1x128xf32, #tpu.memory_space<vmem>> -> memref<128xf32, #tpu.memory_space<vmem>>
      tpu.wait_dma2 semaphore(%run_scoped3A_152 : memref<!tpu.dma_semaphore, #tpu.memory_space<semaphore_mem>>) src(%dma_wait3A_166 : memref<128xf32, #tpu.memory_space<vmem>>) dst(%dma_wait3A_163 : memref<128xf32, #tpu.memory_space<hbm>>)
      tpu.yield
    }) : () -> ()
    %mul3A_139 = arith.constant 640 : i32
    %mul3A_140 = arith.muli %arg1, %mul3A_139 : i32
    %add3A_141 = arith.constant 512 : i32
    %add3A_142 = arith.addi %mul3A_140, %add3A_141 : i32
    %mul3A_143 = arith.constant 10240 : i32
    %mul3A_144 = arith.muli %arg0, %mul3A_143 : i32
    %mul3A_145 = arith.constant 640 : i32
    %mul3A_146 = arith.muli %arg1, %mul3A_145 : i32
    %add3A_147 = arith.addi %mul3A_144, %mul3A_146 : i32
    %add3A_148 = arith.constant 512 : i32
    %add3A_149 = arith.addi %add3A_147, %add3A_148 : i32
    "tpu.region"() ({
      %run_scoped3A_152 = tpu.sem_alloc : memref<!tpu.dma_semaphore, #tpu.memory_space<semaphore_mem>>
      %dma_start3A = arith.constant 0 : i32
      %dma_start3A_153 = tpu.memref_slice %arg14[%add3A_142, %dma_start3A] : memref<10240x128xf32, #tpu.memory_space<vmem_shared>> -> memref<128x128xf32, #tpu.memory_space<vmem_shared>>
      %dma_start3A_154 = arith.constant 0 : i32
      %dma_start3A_155 = tpu.memref_slice %arg14[%add3A_142, %dma_start3A_154] : memref<10240x128xf32, #tpu.memory_space<vmem_shared>> -> memref<128x128xf32, #tpu.memory_space<vmem_shared>>
      tpu.enqueue_dma source(%dma_start3A_155 : memref<128x128xf32, #tpu.memory_space<vmem_shared>>) target(%arg13 : memref<128x128xf32, #tpu.memory_space<vmem>>) target_semaphore(%run_scoped3A_152 : memref<!tpu.dma_semaphore, #tpu.memory_space<semaphore_mem>>)
      %dma_wait3A = arith.constant 0 : i32
      %dma_wait3A_156 = tpu.memref_slice %arg14[%add3A_142, %dma_wait3A] : memref<10240x128xf32, #tpu.memory_space<vmem_shared>> -> memref<128x128xf32, #tpu.memory_space<vmem_shared>>
      %dma_wait3A_157 = arith.constant 0 : i32
      %dma_wait3A_158 = tpu.memref_slice %arg14[%add3A_142, %dma_wait3A_157] : memref<10240x128xf32, #tpu.memory_space<vmem_shared>> -> memref<128x128xf32, #tpu.memory_space<vmem_shared>>
      tpu.wait_dma2 semaphore(%run_scoped3A_152 : memref<!tpu.dma_semaphore, #tpu.memory_space<semaphore_mem>>) src(%dma_wait3A_158 : memref<128x128xf32, #tpu.memory_space<vmem_shared>>) dst(%arg13 : memref<128x128xf32, #tpu.memory_space<vmem>>)
      tpu.yield
    }) : () -> ()
    "tpu.region"() ({
      %run_scoped3A_152 = tpu.sem_alloc : memref<!tpu.dma_semaphore, #tpu.memory_space<semaphore_mem>>
      %dma_start3A = arith.constant 0 : i32
      %dma_start3A_153 = tpu.memref_slice %arg7[%add3A_149, %dma_start3A] : memref<20480x128xf32, #tpu.memory_space<hbm>> -> memref<128x128xf32, #tpu.memory_space<hbm>>
      %dma_start3A_154 = arith.constant 0 : i32
      %dma_start3A_155 = tpu.memref_slice %arg7[%add3A_149, %dma_start3A_154] : memref<20480x128xf32, #tpu.memory_space<hbm>> -> memref<128x128xf32, #tpu.memory_space<hbm>>
      tpu.enqueue_dma source(%arg13 : memref<128x128xf32, #tpu.memory_space<vmem>>) target(%dma_start3A_155 : memref<128x128xf32, #tpu.memory_space<hbm>>) target_semaphore(%run_scoped3A_152 : memref<!tpu.dma_semaphore, #tpu.memory_space<semaphore_mem>>)
      %dma_wait3A = arith.constant 0 : i32
      %dma_wait3A_156 = tpu.memref_slice %arg7[%add3A_149, %dma_wait3A] : memref<20480x128xf32, #tpu.memory_space<hbm>> -> memref<128x128xf32, #tpu.memory_space<hbm>>
      %dma_wait3A_157 = arith.constant 0 : i32
      %dma_wait3A_158 = tpu.memref_slice %arg7[%add3A_149, %dma_wait3A_157] : memref<20480x128xf32, #tpu.memory_space<hbm>> -> memref<128x128xf32, #tpu.memory_space<hbm>>
      tpu.wait_dma2 semaphore(%run_scoped3A_152 : memref<!tpu.dma_semaphore, #tpu.memory_space<semaphore_mem>>) src(%arg13 : memref<128x128xf32, #tpu.memory_space<vmem>>) dst(%dma_wait3A_158 : memref<128x128xf32, #tpu.memory_space<hbm>>)
      tpu.yield
    }) : () -> ()
    %run_scoped3A_150 = arith.constant 0 : i32
    "tpu.region"() ({
      %run_scoped3A_152 = tpu.sem_alloc : memref<!tpu.dma_semaphore, #tpu.memory_space<semaphore_mem>>
      %dma_start3A = arith.constant 0 : i32
      %dma_start3A_153 = tpu.memref_slice %arg13[%run_scoped3A_150, %dma_start3A] : memref<128x128xf32, #tpu.memory_space<vmem>> -> memref<1x128xf32, #tpu.memory_space<vmem>>
      %dma_start3A_154 = tpu.memref_squeeze %dma_start3A_153 : memref<1x128xf32, #tpu.memory_space<vmem>> -> memref<128xf32, #tpu.memory_space<vmem>>
      %dma_start3A_155 = tpu.memref_slice %arg15[%add3A_142] : memref<10240xf32, #tpu.memory_space<vmem_shared>> -> memref<128xf32, #tpu.memory_space<vmem_shared>>
      %dma_start3A_156 = arith.constant 0 : i32
      %dma_start3A_157 = tpu.memref_slice %arg13[%run_scoped3A_150, %dma_start3A_156] : memref<128x128xf32, #tpu.memory_space<vmem>> -> memref<1x128xf32, #tpu.memory_space<vmem>>
      %dma_start3A_158 = tpu.memref_squeeze %dma_start3A_157 : memref<1x128xf32, #tpu.memory_space<vmem>> -> memref<128xf32, #tpu.memory_space<vmem>>
      %dma_start3A_159 = tpu.memref_slice %arg15[%add3A_142] : memref<10240xf32, #tpu.memory_space<vmem_shared>> -> memref<128xf32, #tpu.memory_space<vmem_shared>>
      tpu.enqueue_dma source(%dma_start3A_159 : memref<128xf32, #tpu.memory_space<vmem_shared>>) target(%dma_start3A_158 : memref<128xf32, #tpu.memory_space<vmem>>) target_semaphore(%run_scoped3A_152 : memref<!tpu.dma_semaphore, #tpu.memory_space<semaphore_mem>>)
      %dma_wait3A = arith.constant 0 : i32
      %dma_wait3A_160 = tpu.memref_slice %arg13[%run_scoped3A_150, %dma_wait3A] : memref<128x128xf32, #tpu.memory_space<vmem>> -> memref<1x128xf32, #tpu.memory_space<vmem>>
      %dma_wait3A_161 = tpu.memref_squeeze %dma_wait3A_160 : memref<1x128xf32, #tpu.memory_space<vmem>> -> memref<128xf32, #tpu.memory_space<vmem>>
      %dma_wait3A_162 = tpu.memref_slice %arg15[%add3A_142] : memref<10240xf32, #tpu.memory_space<vmem_shared>> -> memref<128xf32, #tpu.memory_space<vmem_shared>>
      %dma_wait3A_163 = arith.constant 0 : i32
      %dma_wait3A_164 = tpu.memref_slice %arg13[%run_scoped3A_150, %dma_wait3A_163] : memref<128x128xf32, #tpu.memory_space<vmem>> -> memref<1x128xf32, #tpu.memory_space<vmem>>
      %dma_wait3A_165 = tpu.memref_squeeze %dma_wait3A_164 : memref<1x128xf32, #tpu.memory_space<vmem>> -> memref<128xf32, #tpu.memory_space<vmem>>
      %dma_wait3A_166 = tpu.memref_slice %arg15[%add3A_142] : memref<10240xf32, #tpu.memory_space<vmem_shared>> -> memref<128xf32, #tpu.memory_space<vmem_shared>>
      tpu.wait_dma2 semaphore(%run_scoped3A_152 : memref<!tpu.dma_semaphore, #tpu.memory_space<semaphore_mem>>) src(%dma_wait3A_166 : memref<128xf32, #tpu.memory_space<vmem_shared>>) dst(%dma_wait3A_165 : memref<128xf32, #tpu.memory_space<vmem>>)
      tpu.yield
    }) : () -> ()
    %run_scoped3A_151 = arith.constant 0 : i32
    "tpu.region"() ({
      %run_scoped3A_152 = tpu.sem_alloc : memref<!tpu.dma_semaphore, #tpu.memory_space<semaphore_mem>>
      %dma_start3A = arith.constant 0 : i32
      %dma_start3A_153 = tpu.memref_slice %arg13[%run_scoped3A_151, %dma_start3A] : memref<128x128xf32, #tpu.memory_space<vmem>> -> memref<1x128xf32, #tpu.memory_space<vmem>>
      %dma_start3A_154 = tpu.memref_squeeze %dma_start3A_153 : memref<1x128xf32, #tpu.memory_space<vmem>> -> memref<128xf32, #tpu.memory_space<vmem>>
      %dma_start3A_155 = tpu.memref_slice %arg8[%add3A_149] : memref<20480xf32, #tpu.memory_space<hbm>> -> memref<128xf32, #tpu.memory_space<hbm>>
      %dma_start3A_156 = tpu.memref_slice %arg8[%add3A_149] : memref<20480xf32, #tpu.memory_space<hbm>> -> memref<128xf32, #tpu.memory_space<hbm>>
      %dma_start3A_157 = arith.constant 0 : i32
      %dma_start3A_158 = tpu.memref_slice %arg13[%run_scoped3A_151, %dma_start3A_157] : memref<128x128xf32, #tpu.memory_space<vmem>> -> memref<1x128xf32, #tpu.memory_space<vmem>>
      %dma_start3A_159 = tpu.memref_squeeze %dma_start3A_158 : memref<1x128xf32, #tpu.memory_space<vmem>> -> memref<128xf32, #tpu.memory_space<vmem>>
      tpu.enqueue_dma source(%dma_start3A_159 : memref<128xf32, #tpu.memory_space<vmem>>) target(%dma_start3A_156 : memref<128xf32, #tpu.memory_space<hbm>>) target_semaphore(%run_scoped3A_152 : memref<!tpu.dma_semaphore, #tpu.memory_space<semaphore_mem>>)
      %dma_wait3A = arith.constant 0 : i32
      %dma_wait3A_160 = tpu.memref_slice %arg13[%run_scoped3A_151, %dma_wait3A] : memref<128x128xf32, #tpu.memory_space<vmem>> -> memref<1x128xf32, #tpu.memory_space<vmem>>
      %dma_wait3A_161 = tpu.memref_squeeze %dma_wait3A_160 : memref<1x128xf32, #tpu.memory_space<vmem>> -> memref<128xf32, #tpu.memory_space<vmem>>
      %dma_wait3A_162 = tpu.memref_slice %arg8[%add3A_149] : memref<20480xf32, #tpu.memory_space<hbm>> -> memref<128xf32, #tpu.memory_space<hbm>>
      %dma_wait3A_163 = tpu.memref_slice %arg8[%add3A_149] : memref<20480xf32, #tpu.memory_space<hbm>> -> memref<128xf32, #tpu.memory_space<hbm>>
      %dma_wait3A_164 = arith.constant 0 : i32
      %dma_wait3A_165 = tpu.memref_slice %arg13[%run_scoped3A_151, %dma_wait3A_164] : memref<128x128xf32, #tpu.memory_space<vmem>> -> memref<1x128xf32, #tpu.memory_space<vmem>>
      %dma_wait3A_166 = tpu.memref_squeeze %dma_wait3A_165 : memref<1x128xf32, #tpu.memory_space<vmem>> -> memref<128xf32, #tpu.memory_space<vmem>>
      tpu.wait_dma2 semaphore(%run_scoped3A_152 : memref<!tpu.dma_semaphore, #tpu.memory_space<semaphore_mem>>) src(%dma_wait3A_166 : memref<128xf32, #tpu.memory_space<vmem>>) dst(%dma_wait3A_163 : memref<128xf32, #tpu.memory_space<hbm>>)
      tpu.yield
    }) : () -> ()
    return
  }
}

module attributes {stable_mosaic.version = 14 : i64} {
  func.func @_tc1_body(%arg0: i32, %arg1: memref<512x256xf32, #tpu.memory_space<vmem>>, %arg2: memref<256x512xf32, #tpu.memory_space<vmem>>, %arg3: memref<512x256xf32, #tpu.memory_space<vmem>>, %arg4: memref<2x512x128xf32, #tpu.memory_space<vmem>>) attributes {dimension_semantics = [#tpu.dimension_semantics<arbitrary>], iteration_bounds = array<i64: 20>, scalar_prefetch = 0 : i64, scratch_operands = 0 : i64, tpu.core_type = #tpu.core_type<tc>, window_params = [{transform_indices = @transform_0, window_bounds = array<i64: 512, 256>}, {pipeline_mode = #tpu.pipeline_mode<synchronous>, transform_indices = @transform_1, window_bounds = array<i64: 256, 512>}, {transform_indices = @transform_2, window_bounds = array<i64: 512, 256>}, {transform_indices = @transform_3, window_bounds = array<i64: 2, 512, 128>}]} {
    %get3A = arith.constant 0 : index
    %get3A_0 = arith.constant 0 : index
    %get3A_1 = vector.load %arg1[%get3A, %get3A_0] : memref<512x256xf32, #tpu.memory_space<vmem>>, vector<512x256xf32>
    %get3A_2 = arith.constant 0 : index
    %get3A_3 = arith.constant 0 : index
    %get3A_4 = vector.load %arg2[%get3A_2, %get3A_3] : memref<256x512xf32, #tpu.memory_space<vmem>>, vector<256x512xf32>
    %dot_general3A = arith.constant dense<0.000000e+00> : vector<512x512xf32>
    %dot_general3A_5 = tpu.matmul %get3A_1, %get3A_4, %dot_general3A {dimension_numbers = #tpu.dot_dimension_numbers<[1], [0], [0], [1], [0, 0, 1, 1], [], []>, transpose_lhs_hint = false} : vector<512x256xf32>, vector<256x512xf32>, vector<512x512xf32> -> vector<512x512xf32>
    %slice3A = vector.extract_strided_slice %dot_general3A_5 {offsets = [0, 0], sizes = [512, 256], strides = [1, 1]} : vector<512x512xf32> to vector<512x256xf32>
    %swap3A = arith.constant 0 : index
    %swap3A_6 = arith.constant 0 : index
    %swap3A_7 = vector.load %arg3[%swap3A, %swap3A_6] : memref<512x256xf32, #tpu.memory_space<vmem>>, vector<512x256xf32>
    tpu.vector_store %arg3[%swap3A, %swap3A_6], %slice3A {strides = array<i32>} : memref<512x256xf32, #tpu.memory_space<vmem>>, vector<512x256xf32>,
    %slice3A_8 = vector.extract_strided_slice %dot_general3A_5 {offsets = [0, 256], sizes = [512, 128], strides = [1, 1]} : vector<512x512xf32> to vector<512x128xf32>
    %swap3A_9 = arith.constant 0 : index
    %swap3A_10 = arith.constant 0 : index
    %swap3A_11 = arith.constant 0 : index
    %swap3A_12 = vector.load %arg4[%swap3A_9, %swap3A_10, %swap3A_11] : memref<2x512x128xf32, #tpu.memory_space<vmem>>, vector<1x512x128xf32>
    %swap3A_13 = vector.shape_cast %swap3A_12 : vector<1x512x128xf32> to vector<512x128xf32>
    %swap3A_14 = vector.shape_cast %slice3A_8 : vector<512x128xf32> to vector<1x512x128xf32>
    tpu.vector_store %arg4[%swap3A_9, %swap3A_10, %swap3A_11], %swap3A_14 {strides = array<i32>} : memref<2x512x128xf32, #tpu.memory_space<vmem>>, vector<1x512x128xf32>,
    %slice3A_15 = vector.extract_strided_slice %dot_general3A_5 {offsets = [0, 384], sizes = [512, 128], strides = [1, 1]} : vector<512x512xf32> to vector<512x128xf32>
    %swap3A_16 = arith.constant 1 : index
    %swap3A_17 = arith.constant 0 : index
    %swap3A_18 = arith.constant 0 : index
    %swap3A_19 = vector.load %arg4[%swap3A_16, %swap3A_17, %swap3A_18] : memref<2x512x128xf32, #tpu.memory_space<vmem>>, vector<1x512x128xf32>
    %swap3A_20 = vector.shape_cast %swap3A_19 : vector<1x512x128xf32> to vector<512x128xf32>
    %swap3A_21 = vector.shape_cast %slice3A_15 : vector<512x128xf32> to vector<1x512x128xf32>
    tpu.vector_store %arg4[%swap3A_16, %swap3A_17, %swap3A_18], %swap3A_21 {strides = array<i32>} : memref<2x512x128xf32, #tpu.memory_space<vmem>>, vector<1x512x128xf32>,
    return
  }
  func.func @transform_0(%arg0: i32) -> (i32, i32) {
    %c0_i32 = arith.constant 0 : i32
    %c0_i32_0 = arith.constant 0 : i32
    return %arg0, %c0_i32 : i32, i32
  }
  func.func @transform_1(%arg0: i32) -> (i32, i32) {
    %c0_i32 = arith.constant 0 : i32
    %c0_i32_0 = arith.constant 0 : i32
    %c0_i32_1 = arith.constant 0 : i32
    return %c0_i32, %c0_i32_0 : i32, i32
  }
  func.func @transform_2(%arg0: i32) -> (i32, i32) {
    %c0_i32 = arith.constant 0 : i32
    %c0_i32_0 = arith.constant 0 : i32
    return %arg0, %c0_i32 : i32, i32
  }
  func.func @transform_3(%arg0: i32) -> (i32, i32, i32) {
    %c0_i32 = arith.constant 0 : i32
    %c0_i32_0 = arith.constant 0 : i32
    %c0_i32_1 = arith.constant 0 : i32
    return %c0_i32, %arg0, %c0_i32_0 : i32, i32, i32
  }
}

module attributes {stable_mosaic.version = 14 : i64} {
  func.func @_tc3_body(%arg0: i32, %arg1: memref<512x128xf32, #tpu.memory_space<vmem>>, %arg2: memref<512x128xf32, #tpu.memory_space<vmem>>, %arg3: memref<512x128xf32, #tpu.memory_space<vmem>>, %arg4: memref<512x1xf32, #tpu.memory_space<vmem>>, %arg5: memref<512x1xf32, #tpu.memory_space<vmem>>, %arg6: memref<1x128xf32, #tpu.memory_space<vmem>>, %arg7: memref<512x128xf32, #tpu.memory_space<vmem>>) attributes {dimension_semantics = [#tpu.dimension_semantics<arbitrary>], iteration_bounds = array<i64: 20>, scalar_prefetch = 0 : i64, scratch_operands = 0 : i64, tpu.core_type = #tpu.core_type<tc>, window_params = [{transform_indices = @transform_0, window_bounds = array<i64: 512, 128>}, {transform_indices = @transform_1, window_bounds = array<i64: 512, 128>}, {transform_indices = @transform_2, window_bounds = array<i64: 512, 128>}, {transform_indices = @transform_3, window_bounds = array<i64: 512, 1>}, {transform_indices = @transform_4, window_bounds = array<i64: 512, 1>}, {pipeline_mode = #tpu.pipeline_mode<synchronous>, transform_indices = @transform_5, window_bounds = array<i64: 1, 128>}, {transform_indices = @transform_6, window_bounds = array<i64: 512, 128>}]} {
    %get3A = arith.constant 0 : index
    %get3A_0 = arith.constant 0 : index
    %get3A_1 = vector.load %arg4[%get3A, %get3A_0] : memref<512x1xf32, #tpu.memory_space<vmem>>, vector<512x1xf32>
    %get3A_2 = arith.constant 0 : index
    %get3A_3 = arith.constant 0 : index
    %get3A_4 = vector.load %arg5[%get3A_2, %get3A_3] : memref<512x1xf32, #tpu.memory_space<vmem>>, vector<512x1xf32>
    %add3A = arith.addf %get3A_1, %get3A_4 : vector<512x1xf32>
    %max3A = arith.constant 1.000000e+00 : f32
    %max3A_5 = vector.broadcast %max3A : f32 to vector<512x1xf32>
    %max3A_6 = arith.maximumf %add3A, %max3A_5 : vector<512x1xf32>
    %div3A = arith.constant 1.000000e+00 : f32
    %div3A_7 = vector.broadcast %div3A : f32 to vector<512x1xf32>
    %div3A_8 = arith.divf %div3A_7, %max3A_6 : vector<512x1xf32>
    %get3A_9 = arith.constant 0 : index
    %get3A_10 = arith.constant 0 : index
    %get3A_11 = vector.load %arg2[%get3A_9, %get3A_10] : memref<512x128xf32, #tpu.memory_space<vmem>>, vector<512x128xf32>
    %get3A_12 = arith.constant 0 : index
    %get3A_13 = arith.constant 0 : index
    %get3A_14 = vector.load %arg3[%get3A_12, %get3A_13] : memref<512x128xf32, #tpu.memory_space<vmem>>, vector<512x128xf32>
    %add3A_15 = arith.addf %get3A_11, %get3A_14 : vector<512x128xf32>
    %get3A_16 = arith.constant 0 : index
    %get3A_17 = arith.constant 0 : index
    %get3A_18 = vector.load %arg1[%get3A_16, %get3A_17] : memref<512x128xf32, #tpu.memory_space<vmem>>, vector<512x128xf32>
    %get3A_19 = arith.constant 0 : index
    %get3A_20 = arith.constant 0 : index
    %get3A_21 = vector.load %arg6[%get3A_19, %get3A_20] : memref<1x128xf32, #tpu.memory_space<vmem>>, vector<1x128xf32>
    %add3A_22 = vector.broadcast %get3A_21 : vector<1x128xf32> to vector<512x128xf32>
    %add3A_23 = arith.addf %get3A_18, %add3A_22 : vector<512x128xf32>
    %mul3A = vector.broadcast %div3A_8 : vector<512x1xf32> to vector<512x128xf32>
    %mul3A_24 = arith.mulf %add3A_15, %mul3A : vector<512x128xf32>
    %add3A_25 = arith.addf %add3A_23, %mul3A_24 : vector<512x128xf32>
    %swap3A = arith.constant 0 : index
    %swap3A_26 = arith.constant 0 : index
    %swap3A_27 = vector.load %arg7[%swap3A, %swap3A_26] : memref<512x128xf32, #tpu.memory_space<vmem>>, vector<512x128xf32>
    tpu.vector_store %arg7[%swap3A, %swap3A_26], %add3A_25 {strides = array<i32>} : memref<512x128xf32, #tpu.memory_space<vmem>>, vector<512x128xf32>,
    return
  }
  func.func @transform_0(%arg0: i32) -> (i32, i32) {
    %c0_i32 = arith.constant 0 : i32
    %c0_i32_0 = arith.constant 0 : i32
    return %arg0, %c0_i32 : i32, i32
  }
  func.func @transform_1(%arg0: i32) -> (i32, i32) {
    %c0_i32 = arith.constant 0 : i32
    %c0_i32_0 = arith.constant 0 : i32
    return %arg0, %c0_i32 : i32, i32
  }
  func.func @transform_2(%arg0: i32) -> (i32, i32) {
    %add3A = arith.constant 20 : i32
    %add3A_0 = arith.addi %arg0, %add3A : i32
    %c0_i32 = arith.constant 0 : i32
    %c0_i32_1 = arith.constant 0 : i32
    return %add3A_0, %c0_i32 : i32, i32
  }
  func.func @transform_3(%arg0: i32) -> (i32, i32) {
    %c0_i32 = arith.constant 0 : i32
    %c0_i32_0 = arith.constant 0 : i32
    return %arg0, %c0_i32 : i32, i32
  }
  func.func @transform_4(%arg0: i32) -> (i32, i32) {
    %add3A = arith.constant 20 : i32
    %add3A_0 = arith.addi %arg0, %add3A : i32
    %c0_i32 = arith.constant 0 : i32
    %c0_i32_1 = arith.constant 0 : i32
    return %add3A_0, %c0_i32 : i32, i32
  }
  func.func @transform_5(%arg0: i32) -> (i32, i32) {
    %c0_i32 = arith.constant 0 : i32
    %c0_i32_0 = arith.constant 0 : i32
    %c0_i32_1 = arith.constant 0 : i32
    return %c0_i32, %c0_i32_0 : i32, i32
  }
  func.func @transform_6(%arg0: i32) -> (i32, i32) {
    %c0_i32 = arith.constant 0 : i32
    %c0_i32_0 = arith.constant 0 : i32
    return %arg0, %c0_i32 : i32, i32
  }
}

module attributes {stable_mosaic.version = 14 : i64} {
  func.func @_tc2_body(%arg0: i32, %arg1: memref<512x256xf32, #tpu.memory_space<vmem>>, %arg2: memref<2x512x128xf32, #tpu.memory_space<vmem>>, %arg3: memref<512x1xf32, #tpu.memory_space<vmem>>, %arg4: memref<512x1xf32, #tpu.memory_space<vmem>>, %arg5: memref<1x256xf32, #tpu.memory_space<vmem>>, %arg6: memref<256x256xf32, #tpu.memory_space<vmem>>, %arg7: memref<512x128xf32, #tpu.memory_space<vmem>>, %arg8: memref<512x128xf32, #tpu.memory_space<vmem>>) attributes {dimension_semantics = [#tpu.dimension_semantics<arbitrary>], iteration_bounds = array<i64: 20>, scalar_prefetch = 0 : i64, scratch_operands = 0 : i64, tpu.core_type = #tpu.core_type<tc>, window_params = [{transform_indices = @transform_0, window_bounds = array<i64: 512, 256>}, {transform_indices = @transform_1, window_bounds = array<i64: 2, 512, 128>}, {transform_indices = @transform_2, window_bounds = array<i64: 512, 1>}, {transform_indices = @transform_3, window_bounds = array<i64: 512, 1>}, {pipeline_mode = #tpu.pipeline_mode<synchronous>, transform_indices = @transform_4, window_bounds = array<i64: 1, 256>}, {pipeline_mode = #tpu.pipeline_mode<synchronous>, transform_indices = @transform_5, window_bounds = array<i64: 256, 256>}, {transform_indices = @transform_6, window_bounds = array<i64: 512, 128>}, {transform_indices = @transform_7, window_bounds = array<i64: 512, 128>}]} {
    %get3A = arith.constant 0 : index
    %get3A_0 = arith.constant 0 : index
    %get3A_1 = vector.load %arg3[%get3A, %get3A_0] : memref<512x1xf32, #tpu.memory_space<vmem>>, vector<512x1xf32>
    %get3A_2 = arith.constant 0 : index
    %get3A_3 = arith.constant 0 : index
    %get3A_4 = vector.load %arg4[%get3A_2, %get3A_3] : memref<512x1xf32, #tpu.memory_space<vmem>>, vector<512x1xf32>
    %add3A = arith.addf %get3A_1, %get3A_4 : vector<512x1xf32>
    %max3A = arith.constant 1.000000e+00 : f32
    %max3A_5 = vector.broadcast %max3A : f32 to vector<512x1xf32>
    %max3A_6 = arith.maximumf %add3A, %max3A_5 : vector<512x1xf32>
    %div3A = arith.constant 1.000000e+00 : f32
    %div3A_7 = vector.broadcast %div3A : f32 to vector<512x1xf32>
    %div3A_8 = arith.divf %div3A_7, %max3A_6 : vector<512x1xf32>
    %get3A_9 = arith.constant 0 : index
    %get3A_10 = arith.constant 0 : index
    %get3A_11 = arith.constant 0 : index
    %get3A_12 = vector.load %arg2[%get3A_9, %get3A_10, %get3A_11] : memref<2x512x128xf32, #tpu.memory_space<vmem>>, vector<1x512x128xf32>
    %get3A_13 = vector.shape_cast %get3A_12 : vector<1x512x128xf32> to vector<512x128xf32>
    %get3A_14 = arith.constant 1 : index
    %get3A_15 = arith.constant 0 : index
    %get3A_16 = arith.constant 0 : index
    %get3A_17 = vector.load %arg2[%get3A_14, %get3A_15, %get3A_16] : memref<2x512x128xf32, #tpu.memory_space<vmem>>, vector<1x512x128xf32>
    %get3A_18 = vector.shape_cast %get3A_17 : vector<1x512x128xf32> to vector<512x128xf32>
    %concatenate3A = tpu.concatenate %get3A_13, %get3A_18 in 1 : vector<512x128xf32>, vector<512x128xf32> -> vector<512x256xf32>
    %get3A_19 = arith.constant 0 : index
    %get3A_20 = arith.constant 0 : index
    %get3A_21 = vector.load %arg1[%get3A_19, %get3A_20] : memref<512x256xf32, #tpu.memory_space<vmem>>, vector<512x256xf32>
    %get3A_22 = arith.constant 0 : index
    %get3A_23 = arith.constant 0 : index
    %get3A_24 = vector.load %arg5[%get3A_22, %get3A_23] : memref<1x256xf32, #tpu.memory_space<vmem>>, vector<1x256xf32>
    %add3A_25 = vector.broadcast %get3A_24 : vector<1x256xf32> to vector<512x256xf32>
    %add3A_26 = arith.addf %get3A_21, %add3A_25 : vector<512x256xf32>
    %mul3A = vector.broadcast %div3A_8 : vector<512x1xf32> to vector<512x256xf32>
    %mul3A_27 = arith.mulf %concatenate3A, %mul3A : vector<512x256xf32>
    %add3A_28 = arith.addf %add3A_26, %mul3A_27 : vector<512x256xf32>
    %mul3A_29 = arith.constant 512 : i32
    %mul3A_30 = arith.muli %arg0, %mul3A_29 : i32
    %iota3A = tpu.iota {dimensions = array<i32: 0>} : vector<512x1xi32>
    %add3A_31 = vector.broadcast %mul3A_30 : i32 to vector<512x1xi32>
    %add3A_32 = arith.addi %add3A_31, %iota3A : vector<512x1xi32>
    %lt3A = arith.constant 10000 : i32
    %lt3A_33 = vector.broadcast %lt3A : i32 to vector<512x1xi32>
    %lt3A_34 = arith.cmpi slt, %add3A_32, %lt3A_33 : vector<512x1xi32>
    %max3A_35 = arith.constant 0.000000e+00 : f32
    %max3A_36 = vector.broadcast %max3A_35 : f32 to vector<512x256xf32>
    %max3A_37 = arith.maximumf %add3A_28, %max3A_36 : vector<512x256xf32>
    %jit3A = arith.constant 0.000000e+00 : f32
    %broadcast_in_dim3A = vector.shape_cast %lt3A_34 : vector<512x1xi1> to vector<512x1xi1>
    %broadcast_in_dim3A_38 = vector.broadcast %broadcast_in_dim3A : vector<512x1xi1> to vector<512x256xi1>
    %broadcast_in_dim3A_39 = vector.broadcast %jit3A : f32 to vector<512x256xf32>
    %select_n3A = arith.select %broadcast_in_dim3A_38, %max3A_37, %broadcast_in_dim3A_39 : vector<512x256xi1>, vector<512x256xf32>
    %get3A_40 = arith.constant 0 : index
    %get3A_41 = arith.constant 0 : index
    %get3A_42 = vector.load %arg6[%get3A_40, %get3A_41] : memref<256x256xf32, #tpu.memory_space<vmem>>, vector<256x256xf32>
    %dot_general3A = arith.constant dense<0.000000e+00> : vector<512x256xf32>
    %dot_general3A_43 = tpu.matmul %select_n3A, %get3A_42, %dot_general3A {dimension_numbers = #tpu.dot_dimension_numbers<[1], [0], [0], [1], [0, 0, 1, 1], [], []>, transpose_lhs_hint = false} : vector<512x256xf32>, vector<256x256xf32>, vector<512x256xf32> -> vector<512x256xf32>
    %slice3A = vector.extract_strided_slice %dot_general3A_43 {offsets = [0, 0], sizes = [512, 128], strides = [1, 1]} : vector<512x256xf32> to vector<512x128xf32>
    %swap3A = arith.constant 0 : index
    %swap3A_44 = arith.constant 0 : index
    %swap3A_45 = vector.load %arg7[%swap3A, %swap3A_44] : memref<512x128xf32, #tpu.memory_space<vmem>>, vector<512x128xf32>
    tpu.vector_store %arg7[%swap3A, %swap3A_44], %slice3A {strides = array<i32>} : memref<512x128xf32, #tpu.memory_space<vmem>>, vector<512x128xf32>,
    %slice3A_46 = vector.extract_strided_slice %dot_general3A_43 {offsets = [0, 128], sizes = [512, 128], strides = [1, 1]} : vector<512x256xf32> to vector<512x128xf32>
    %swap3A_47 = arith.constant 0 : index
    %swap3A_48 = arith.constant 0 : index
    %swap3A_49 = vector.load %arg8[%swap3A_47, %swap3A_48] : memref<512x128xf32, #tpu.memory_space<vmem>>, vector<512x128xf32>
    tpu.vector_store %arg8[%swap3A_47, %swap3A_48], %slice3A_46 {strides = array<i32>} : memref<512x128xf32, #tpu.memory_space<vmem>>, vector<512x128xf32>,
    return
  }
  func.func @transform_0(%arg0: i32) -> (i32, i32) {
    %c0_i32 = arith.constant 0 : i32
    %c0_i32_0 = arith.constant 0 : i32
    return %arg0, %c0_i32 : i32, i32
  }
  func.func @transform_1(%arg0: i32) -> (i32, i32, i32) {
    %c0_i32 = arith.constant 0 : i32
    %c0_i32_0 = arith.constant 0 : i32
    %c0_i32_1 = arith.constant 0 : i32
    return %c0_i32, %arg0, %c0_i32_0 : i32, i32, i32
  }
  func.func @transform_2(%arg0: i32) -> (i32, i32) {
    %c0_i32 = arith.constant 0 : i32
    %c0_i32_0 = arith.constant 0 : i32
    return %arg0, %c0_i32 : i32, i32
  }
  func.func @transform_3(%arg0: i32) -> (i32, i32) {
    %add3A = arith.constant 20 : i32
    %add3A_0 = arith.addi %arg0, %add3A : i32
    %c0_i32 = arith.constant 0 : i32
    %c0_i32_1 = arith.constant 0 : i32
    return %add3A_0, %c0_i32 : i32, i32
  }
  func.func @transform_4(%arg0: i32) -> (i32, i32) {
    %c0_i32 = arith.constant 0 : i32
    %c0_i32_0 = arith.constant 0 : i32
    %c0_i32_1 = arith.constant 0 : i32
    return %c0_i32, %c0_i32_0 : i32, i32
  }
  func.func @transform_5(%arg0: i32) -> (i32, i32) {
    %c0_i32 = arith.constant 0 : i32
    %c0_i32_0 = arith.constant 0 : i32
    %c0_i32_1 = arith.constant 0 : i32
    return %c0_i32, %c0_i32_0 : i32, i32
  }
  func.func @transform_6(%arg0: i32) -> (i32, i32) {
    %c0_i32 = arith.constant 0 : i32
    %c0_i32_0 = arith.constant 0 : i32
    return %arg0, %c0_i32 : i32, i32
  }
  func.func @transform_7(%arg0: i32) -> (i32, i32) {
    %c0_i32 = arith.constant 0 : i32
    %c0_i32_0 = arith.constant 0 : i32
    return %arg0, %c0_i32 : i32, i32
  }
}

</mosaic_0001>

<sc_bundles>
// kernel: kernel.10.cloned.1.call-start
scs
__scs_entry_jumppad:
0x0: {  	(pc) =	sbr.rel $0x88, $3  }
0x1: {  	(tag) =	ssettag $0x0;
	lr =	simm.s32 $0x1  }
0x2: {  	[smem:$0x3F9B] =	sst lr;
	_ =	strace $0xD0000000  }
0x3: {  	_ = 	snop  }
0x4: {  	_ = 	snop  }
0x5: {  	_ = 	snop  }
0x6: {  	_ = 	snop  }
0x7: {  	_ = 	snop  }
__scs_overlays_trampoline_lowered:
0x8: {  	[smem:$0x3FAA] =	sst s0  }
0x9: {  	[smem:$0x3FAB] =	sst s1  }
0xa: {  	[smem:$0x3FAC] =	sst s2  }
0xb: {  	[smem:$0x3FAD] =	sst s3  }
0xc: {  	[smem:$0x3FAE] =	sst s4  }
0xd: {  	[smem:$0x3FAF] =	sst s5  }
0xe: {  	[smem:$0x3FB0] =	sst s6  }
0xf: {  	[smem:$0x3FB1] =	sst s7  }
0x10: {  	[smem:$0x3FB2] =	sst s8  }
0x11: {  	[smem:$0x3FB3] =	sst s9;
	s0 =	simm.s32 @!p0 $0x0  }
0x12: {  	s1 =	sld [smem:$0x3F99];
	s0 =	simm.s32 @p0 $0x1  }
0x13: {  	[smem:$0x3FB4] =	sst s0;
	s0 =	simm.s32 @!p1 $0x0  }
0x14: {  	s2 =	sld [smem:$0x3F98];
	s0 =	simm.s32 @p1 $0x1  }
0x15: {  	[smem:$0x3FB5] =	sst s0;
	s0 =	simm.s32 @!p2 $0x0  }
0x16: {  	s3 =	sld [smem:$0x3FDB];
	s0 =	simm.s32 @p2 $0x1  }
0x17: {  	s4 =	simm.s32 $0x1BF5;
	[smem:$0x3FB7] =	sst s0  }
0x18: {  	s0 =	sld [smem:$0x3F9A];
	_ =	swait.ge [sflag:s4], $0x0  }
0x19: {  	s7 =	sld [smem:$0x3F9B]  }
0x1a: {  	s8 =	sadd.s32 $0xFFFFE003, lr  }
0x1b: {  	s9 =	sadd.s32 $0xFFFFFEF7, lr;
	s5 =	simm.s32 $0xFFFFFFFF;
	p2 =	slt.u32 s8, $0xFFFFF086  }
0x1c: {  	p1 =	slt.u32 s9, $0xF7A;
	s5 =	simm.s32 @!p2 $0x0  }
0x1d: {  	s5 =	simm.s32 @p1 $0x1;
	p0 =	seq.s32 s7, s2  }
0x1e: {  	s7 =	smul.u32 @!p0 $0xF7A, s2;
	p2 =	seq.s32 @!p0 s5, $0x0  }
0x1f: {  	s9 =	smul.u32 $0xF7A, s1;
	s8 =	simm.s32 @!p0 $0x1BF5;
	p2 =	por !p2, p0  }
0x20: {  	[sflag:s8] =	ssyncset.s32 @!p0 $0xFFFFF086;
	s6 =	sadd.s32 @!p0 s3, s7;
	s7 =	simm.s32 @!p0 $0x108  }
0x21: {  	s3 =	sadd.s32 s3, s9;
	s6 =	sadd.s32 @!p0 $0x88, s6;
	s7 =	simm.s32 @p2 $0x1082  }
0x22: {  	[simem:s7], [sflag:s8] =	dma.local @!p0 [hbm:s6], $0xF7A  }
0x23: {  	s9 =	sor.u32 $0xD0000000, s2;
	s6 =	simm.s32 $0x108;
	_ =	swait.ge @!p0 [sflag:s8], $0x0  }
0x24: {  	s3 =	sadd.s32 $0x88, s3;
	s6 =	simm.s32 @!p1 $0x1082;
	[sflag:s4] =	ssyncset.s32 $0xFFFFF086  }
0x25: {  	[simem:s6], [sflag:s4] =	dma.local [hbm:s3], $0xF7A  }
0x26: {  	[smem:$0x3F9B] =	sst s1;
	(tag) =	ssettag s2;
	_ =	strace s9  }
0x27: {  	s1 =	sld [smem:$0x3FAB]  }
0x28: {  	s2 =	sld [smem:$0x3FAC]  }
0x29: {  	s4 =	sld [smem:$0x3FAE]  }
0x2a: {  	p0 =	seq.s32 s5, $0x0;
	s5 =	sld [smem:$0x3FAF]  }
0x2b: {  	s6 =	sld [smem:$0x3FB0]  }
0x2c: {  	s7 =	sld [smem:$0x3FB1]  }
0x2d: {  	s3 =	simm.s32 $0x108;
	s8 =	sld [smem:$0x3FB2]  }
0x2e: {  	s3 =	simm.s32 @!p0 $0x1082;
	s9 =	sld [smem:$0x3FB3]  }
0x2f: {  	lr =	sadd.s32 s0, s3;
	s0 =	sld [smem:$0x3FAA]  }
0x30: {  	s3 =	sld [smem:$0x3FAD]  }
0x31: {  	[smem:$0x3FB6] =	sst s10  }
0x32: {  	s10 =	sld [smem:$0x3FB4];
	_ =	sdelay $0x3  }
0x33: {  	p0 =	seq.s32 s10, $0x1;
	s10 =	sld [smem:$0x3FB6];
	_ =	sdelay $0x3  }
0x34: {  	[smem:$0x3FB6] =	sst s10  }
0x35: {  	s10 =	sld [smem:$0x3FB5];
	_ =	sdelay $0x3  }
0x36: {  	p1 =	seq.s32 s10, $0x1;
	s10 =	sld [smem:$0x3FB6];
	_ =	sdelay $0x3  }
0x37: {  	[smem:$0x3FB6] =	sst s10  }
0x38: {  	s10 =	sld [smem:$0x3FB7]  }
0x39: {  	_ = 	snop;
	(pc) =	sbr.ind lr, $3  }
0x3a: {  	_ = 	snop  }
0x3b: {  	_ = 	snop  }
0x3c: {  	p2 =	seq.s32 s10, $0x1;
	s10 =	sld [smem:$0x3FB6]  }
0x3d: {  	_ =	shalt  }
0x3e: {  	_ =	shalt  }
0x3f: {  	_ =	shalt  }
0x40: {  	_ =	shalt  }
0x41: {  	_ =	shalt  }
0x42: {  	_ =	shalt  }
0x43: {  	_ =	shalt  }
0x44: {  	_ =	shalt  }
0x45: {  	_ =	shalt  }
0x46: {  	_ =	shalt  }
0x47: {  	_ =	shalt  }
0x48: {  	_ =	shalt  }
0x49: {  	_ =	shalt  }
0x4a: {  	_ =	shalt  }
0x4b: {  	_ =	shalt  }
0x4c: {  	_ =	shalt  }
0x4d: {  	_ =	shalt  }
0x4e: {  	_ =	shalt  }
0x4f: {  	_ =	shalt  }
0x50: {  	_ =	shalt  }
0x51: {  	_ =	shalt  }
0x52: {  	_ =	shalt  }
0x53: {  	_ =	shalt  }
0x54: {  	_ =	shalt  }
0x55: {  	_ =	shalt  }
0x56: {  	_ =	shalt  }
0x57: {  	_ =	shalt  }
0x58: {  	_ =	shalt  }
0x59: {  	_ =	shalt  }
0x5a: {  	_ =	shalt  }
0x5b: {  	_ =	shalt  }
0x5c: {  	_ =	shalt  }
0x5d: {  	_ =	shalt  }
0x5e: {  	_ =	shalt  }
0x5f: {  	_ =	shalt  }
0x60: {  	_ =	shalt  }
0x61: {  	_ =	shalt  }
0x62: {  	_ =	shalt  }
0x63: {  	_ =	shalt  }
0x64: {  	_ =	shalt  }
0x65: {  	_ =	shalt  }
0x66: {  	_ =	shalt  }
0x67: {  	_ =	shalt  }
0x68: {  	_ =	shalt  }
0x69: {  	_ =	shalt  }
0x6a: {  	_ =	shalt  }
0x6b: {  	_ =	shalt  }
0x6c: {  	_ =	shalt  }
0x6d: {  	_ =	shalt  }
0x6e: {  	_ =	shalt  }
0x6f: {  	_ =	shalt  }
0x70: {  	_ =	shalt  }
0x71: {  	_ =	shalt  }
0x72: {  	_ =	shalt  }
0x73: {  	_ =	shalt  }
0x74: {  	_ =	shalt  }
0x75: {  	_ =	shalt  }
0x76: {  	_ =	shalt  }
0x77: {  	_ =	shalt  }
0x78: {  	_ =	shalt  }
0x79: {  	_ =	shalt  }
0x7a: {  	_ =	shalt  }
0x7b: {  	_ =	shalt  }
0x7c: {  	_ =	shalt  }
0x7d: {  	_ =	shalt  }
0x7e: {  	_ =	shalt  }
0x7f: {  	_ =	shalt  }
0x80: {  	_ =	shalt  }
0x81: {  	_ =	shalt  }
0x82: {  	_ =	shalt  }
0x83: {  	_ =	shalt  }
0x84: {  	_ =	shalt  }
0x85: {  	_ =	shalt  }
0x86: {  	_ =	shalt  }
0x87: {  	_ =	shalt  }
.Lfunc_end0:
.L_simem_size_0:
called_computation.1_lowered:
.L_overlay_start_0:
0x88: {  	s2 =	sld [smem:$0x3FD9]  }
0x89: {  	s3 =	sld [smem:$0x3FFE];
	_ =	sdelay $0x1  }
0x8a: {  	s1 =	srdreg.scid  }
0x8b: {  	s0 =	sand.u32 $0x1, s1  }
0x8c: {  	s16 =	sshll.u32 s0, $0xA;
	s2 =	sadd.s32 s3, s2  }
0x8d: {  	s2 =	sadd.s32 s2, s16  }
0x8e: {  	[smem:$0x3FC2] =	sst s2  }
0x8f: {  	_ = 	snop  }
0x90: {  	(tm) =	ssettm $0x1  }
0x91: {  	s17 =	sld [smem:$0x3FFB];
	_ =	sdelay $0x3  }
0x92: {  	_ =	strace s17  }
0x93: {  	s2 =	sld [smem:$0x3FFC];
	_ =	sdelay $0x3  }
0x94: {  	_ =	strace s2  }
0x95: {  	s2 =	sld [smem:$0x3FFD];
	_ =	sdelay $0x3  }
0x96: {  	_ =	strace s2  }
0x97: {  	_ =	strace $0x8FFFFFFF  }
0x98: {  	s18 =	sld [smem:$0x3FDB];
	_ =	sdelay $0x1  }
0x99: {  	s19 =	simm.s32 $_scs_section_size  }
0x9a: {  	s4 =	simm.s32 $_size__tile_overlayer_lowered;
	s5 =	simm.s32 $_tile_overlayer_lowered  }
0x9b: {  	s22 =	simm.s32 $0x1BFF;
	s21 =	sshll.u32 s5, $0x1;
	s2 =	sadd.s32 s19, s18  }
0x9c: {  	s6 =	simm.s32 $0x0;
	s20 =	sshll.u32 s4, $0x1;
	s4 =	sadd.s32 s21, s2  }
0x9d: {  	[timem:s6], [sflag:s22] =	dma.local [hbm:s4], s20  }
0x9e: {  	_ =	swait.ge [sflag:s22], s20  }
0x9f: {  	s3 =	ssub.s32 $0x0, s20;
	[sflag:s22] =	ssyncset.done $0x0  }
0xa0: {  	[sflag:s22] =	ssyncadd.s32 s3;
	_ =	sdelay $0x1  }
0xa1: {  	s23 =	simm.s32 $0x1B8B  }
0xa2: {  	_ =	swait.ge [sflag:s23], $0x1  }
0xa3: {  	[sflag:s23] =	ssyncset.done $0x0  }
0xa4: {  	s25 =	simm.s32 $0x1B8E;
	s24 =	sld [smem:$0x3FFE];
	[sflag:s23] =	ssyncadd.s32 $0xFFFFFFFF  }
0xa5: {  	s26 =	simm.s32 $execute0_lowered;
	[smem:$0x3FD2] =	sst s25  }
0xa6: {  	s4 =	sshll.u32 s26, $0x1;
	_ =	strace $0x80000049;
	[dreg:$0x1] =	wrdreg $0xFFFFFFFF  }
0xa7: {  	s28 =	simm.s32 $_size_execute0_lowered;
	s2 =	sadd.s32 s2, s4;
	[dreg:$0x0] =	wrdreg $0x0  }
0xa8: {  	s4 =	sshll.u32 s28, $0x1;
	[dreg:$0x2] =	wrdreg s2  }
0xa9: {  	[dreg:$0x3] =	wrdreg s4  }
0xaa: {  	[dreg:$0x4] =	wrdreg $0xC0  }
0xab: {  	_ =	task [dreg:s6], $0x5FFFF  }
0xac: {  	[dreg:$0x1] =	wrdreg $0xFFFFFFFF  }
0xad: {  	[dreg:$0x0] =	wrdreg $0x60  }
0xae: {  	[dreg:$0x2] =	wrdreg s24  }
0xaf: {  	[dreg:$0x3] =	wrdreg $0x6C000  }
0xb0: {  	[dreg:$0x4] =	wrdreg $0x9  }
0xb1: {  	_ =	task.clear_ibuf [dreg:s6], $0x5FFFF;
	_ =	strace $0x90000049  }
0xb2: {  	s29 =	simm.s32 $0x9;
	_ =	strace $0x8000004B  }
0xb3: {  	_ =	swait.ge [sflag:s29], $0x1  }
0xb4: {  	[sflag:s29] =	ssyncadd.s32 $0xFFFFFFFF  }
0xb5: {  	_ =	strace $0x9000004B  }
0xb6: {  	_ =	sfence  }
0xb7: {  	s30 =	sld [smem:$0x0];
	_ =	sdelay $0x2  }
0xb8: {  	s31 =	sshll.u32 s1, $0xD;
	s1 =	sshrl.u32 s1, $0x2  }
0xb9: {  	s3 =	sand.u32 $0x4000, s31;
	s1 =	sadd.s32 s1, s30  }
0xba: {  	s0 =	sor.u32 s3, s0;
	s1 =	sshll.u32 s1, $0x11  }
0xbb: {  	s0 =	sor.u32 s1, s0  }
0xbc: {  	s0 =	sadd.s32 $0x8F2B, s0  }
0xbd: {  	[sflag:s0] =	ssyncadd.remote.s32 $0x1  }
0xbe: {  	_ =	sfence.sel $0xFFFF  }
0xbf: {  	[dreg:$0x0] =	wrdreg $0xFFFFFFFF;
	(pc) =	sbr.abs _section_cstart, $3  }
0xc0: {  	[dreg:$0x1] =	wrdreg $0xFFFFFFFF  }
0xc1: {  	_ =	task.clear_ibuf [dreg:s6], $0x2FFFF;
	_ =	strace $0x9FFFFFFF  }
0xc2: {  	(tm) =	ssettm $0x7FFFFFFF  }
0xc3: {  	_ =	shalt  }
tec
execute0_lowered:
.L_overlay_start_1:
0x0: {  	(tag) =	ssettag $0x1  }
0x1: {  	s1 =	srdreg.scid  }
0x2: {  	s0 =	stileid.u32;
	s6 =	rddreg [dreg:$0x0]  }
0x3: {  	s2 =	rddreg [dreg:$0x1];
	s3 =	simm.s32 $0x0;
	s18 =	simm.s32 $0x2C00  }
0x4: {  	s19 =	simm.s32 $0x2;
	s20 =	simm.s32 $0x1800;
	s21 =	simm.s32 $0x80  }
0x5: {  	s22 =	simm.s32 $0x1;
	s23 =	simm.s32 $0x0;
	s9 =	smul.u32 $0x280, s0  }
0x6: {  	s5 =	sand.u32 $0x1, s1;
	s28 =	sshll.u32 s0, $0x1;
	s29 =	smul.u32 $0x50000, s0  }
0x7: {  	s1 =	rddreg [dreg:$0x2];
	s4 =	sor.u32 s5, s28;
	s10 =	smul.u32 $0x2800, s5  }
0x8: {  	[smem:$0x7FF] =	sst s3;
	s5 =	ssub.s32 $0x2, s5;
	s7 =	smul.u32 $0x300, s4  }
0x9: {  	_ =	strace $0x8000004A;
	s8 =	smul.u32 $0x280, s4;
	s31 =	sshrl.u32 s5, $0x1  }
0xa: {  	s4 =	sadd.s32 $0x56E00, s6;
	s30 =	sadd.s32 s9, s10;
	s17 =	ssub.s32 s5, s31  }
0xb: {  	s11 =	sadd.s32 s7, s6;
	s12 =	sadd.s32 s8, s6;
	s8 =	sshll.u32 s30, $0x4  }
0xc: {  	s7 =	sshrl.u32 s29, $0x2;
	s17 =	smax.u32 s17, $0x1;
	s16 =	sadd.s32 s8, s6  }
0xd: {  	s5 =	sadd.s32 s7, s2;
	s10 =	sadd.s32 $0xB3800, s11;
	s11 =	sadd.s32 $0x1E00, s12  }
0xe: {  	s6 =	sadd.s32 $0x4000, s5;
	s7 =	sadd.s32 $0x8000, s5;
	s8 =	sadd.s32 $0xC000, s5  }
0xf: {  	s9 =	sadd.s32 $0x10000, s5;
	s12 =	sadd.s32 $0xB9800, s16;
	s13 =	sadd.s32 $0xBA000, s16  }
0x10: {  	v0 =	vimm.f32 $0.0e+00;
	s14 =	sadd.s32 $0xBA800, s16;
	s15 =	sadd.s32 $0xBB000, s16;
	s16 =	sadd.s32 $0xBB800, s16  }
.LBB2_1:
0x11: {  	s24 =	sand.u32 $0xFE00, s3  }
0x12: {  	s25 =	sand.u32 $0x70, s3;
	s26 =	sshrl.u32 s24, $0x2  }
0x13: {  	s24 =	simm.s32 $0x40;
	s26 =	sor.u32 s25, s26;
	s25 =	simm.s32 $0x0  }
.LBB2_2:
0x14: {  	p0 =	sne.s32 s24, $0xFFC0  }
0x15: {  	[tilespmem:s26+$0x2C00] =	vst v0;
	s25 =	sadd.s32 $0x10, s25;
	s26 =	smov.u32 s24;
	s24 =	sadd.s32 $0x40, s24  }
.Ltmp0:
0x16: {  	(pc) =	sbr.rel @p0 .LBB2_2-.Ltmp0, $4  }
0x17: {  	_ = 	snop  }
0x18: {  	s26 =	sand.u32 $0xFE00, s26  }
0x19: {  	s28 =	sand.u32 $0x70, s25;
	s26 =	sshrl.u32 s26, $0x2  }
0x1a: {  	s26 =	sor.u32 s28, s26  }
0x1b: {  	[tilespmem:s26+$0x2C00] =	vst v0  }
0x1c: {  	[spmem:s5] =	stream.linear.scatter [tilespmem:s18], [sflag:$0x2], $0x4000, $0x38;
	[tilespmem:$0x1AC00] =	vst v63  }
0x1d: {  	_ =	swait.ge [sflag:s19], $0x4000  }
0x1e: {  	[sflag:s19] =	ssyncset.done $0x0  }
0x1f: {  	[sflag:s19] =	ssyncadd.s32 $0xFFFFC000  }
0x20: {  	[spmem:s6] =	stream.linear.scatter [tilespmem:s18], [sflag:$0x2], $0x4000, $0x38;
	[tilespmem:$0x1AC00] =	vst v63  }
0x21: {  	_ =	swait.ge [sflag:s19], $0x4000  }
0x22: {  	[sflag:s19] =	ssyncset.done $0x0  }
0x23: {  	[sflag:s19] =	ssyncadd.s32 $0xFFFFC000  }
0x24: {  	[spmem:s7] =	stream.linear.scatter [tilespmem:s18], [sflag:$0x2], $0x4000, $0x38;
	[tilespmem:$0x1AC00] =	vst v63  }
0x25: {  	_ =	swait.ge [sflag:s19], $0x4000  }
0x26: {  	[sflag:s19] =	ssyncset.done $0x0  }
0x27: {  	[sflag:s19] =	ssyncadd.s32 $0xFFFFC000  }
0x28: {  	[spmem:s8] =	stream.linear.scatter [tilespmem:s18], [sflag:$0x2], $0x4000, $0x38;
	[tilespmem:$0x1AC00] =	vst v63  }
0x29: {  	_ =	swait.ge [sflag:s19], $0x4000  }
0x2a: {  	[sflag:s19] =	ssyncset.done $0x0  }
0x2b: {  	[sflag:s19] =	ssyncadd.s32 $0xFFFFC000  }
0x2c: {  	[spmem:s9] =	stream.linear.scatter [tilespmem:s18], [sflag:$0x2], $0x4000, $0x38;
	[tilespmem:$0x1AC00] =	vst v63  }
0x2d: {  	_ =	swait.ge [sflag:s19], $0x4000  }
0x2e: {  	[sflag:s19] =	ssyncset.done $0x0  }
0x2f: {  	[sflag:s19] =	ssyncadd.s32 $0xFFFFC000  }
0x30: {  	s24 =	simm.s32 $0x0;
	[bflag:$0x0] =	sbarrier.arrive $0xFFFF  }
0x31: {  	[tilespmem:s24], [sflag:$0x2] =	stream.linear.gather [hbm4b:s10+s24], $0x1480, $0x38;
	[tilespmem:$0x1AC00] =	vst v63  }
0x32: {  	_ =	swait.ge [sflag:s19], $0x1480  }
0x33: {  	[sflag:s19] =	ssyncset.done $0x0  }
0x34: {  	[sflag:s19] =	ssyncadd.s32 $0xFFFFEB80  }
0x35: {  	[tilespmem:s20], [sflag:$0x2] =	stream.linear.gather [hbm4b:s11+s24], $0x1400, $0x38;
	[tilespmem:$0x1AC00] =	vst v63  }
0x36: {  	_ =	swait.ge [sflag:s19], $0x1400  }
0x37: {  	[sflag:s19] =	ssyncset.done $0x0  }
0x38: {  	s30 =	simm.s32 $0x0;
	[sflag:s19] =	ssyncadd.s32 $0xFFFFEC00  }
0x39: {  	[tilespmem:s18], [sflag:$0x1] =	stream.indirect.gather [hbm4b:s4+s21], $0x80, s30, s21, $0xb8;
	[tilespmem:$0x1AC00] =	vst v63  }
0x3a: {  	_ =	swait.ge [sflag:s22], $0x4000  }
0x3b: {  	[sflag:s22] =	ssyncset.done $0x0  }
0x3c: {  	s31 =	simm.s32 $0x1800;
	[sflag:s22] =	ssyncadd.s32 $0xFFFFC000  }
0x3d: {  	[spmem:s2] =	stream.indirect.scatter.add.f32 [tilespmem:s18], [sflag:$0x2], $0x80, s31, s21, $0xb8;
	[tilespmem:$0x1AC00] =	vst v63  }
0x3e: {  	_ =	swait.ge [sflag:s19], $0x4000  }
0x3f: {  	s25 =	simm.s32 $0x400;
	s24 =	simm.s32 $0x200;
	[sflag:s19] =	ssyncset.done $0x0  }
.LBB2_4:
0x40: {  	s26 =	sshra.s32 s24, $0x2  }
0x41: {  	[sflag:s19] =	ssyncadd.s32 $0xFFFFC000;
	s24 =	smov.u32 s25;
	s28 =	sadd.s32 $0x200, s25  }
0x42: {  	[tilespmem:s18], [sflag:$0x1] =	stream.indirect.gather [hbm4b:s4+s21], $0x80, s26, s21, $0xb8;
	[tilespmem:$0x1AC00] =	vst v63  }
0x43: {  	p0 =	sne.s32 s25, $0x4E00;
	_ =	swait.ge [sflag:s22], $0x4000  }
.Ltmp1:
0x44: {  	[sflag:s22] =	ssyncset.done $0x0;
	(pc) =	sbr.rel @p0 .LBB2_4-.Ltmp1, $4  }
0x45: {  	s25 =	sadd.s32 $0x1800, s26;
	[sflag:s22] =	ssyncadd.s32 $0xFFFFC000  }
0x46: {  	[spmem:s2] =	stream.indirect.scatter.add.f32 [tilespmem:s18], [sflag:$0x2], $0x80, s25, s21, $0xb8;
	[tilespmem:$0x1AC00] =	vst v63  }
0x47: {  	_ =	swait.ge [sflag:s19], $0x4000  }
0x48: {  	s25 =	smov.u32 s28;
	[sflag:s19] =	ssyncset.done $0x0  }
0x49: {  	s24 =	sshra.s32 s24, $0x2;
	[sflag:s19] =	ssyncadd.s32 $0xFFFFC000  }
0x4a: {  	[tilespmem:s18], [sflag:$0x1] =	stream.indirect.gather [hbm4b:s4+s21], $0x80, s24, s21, $0xb8;
	[tilespmem:$0x1AC00] =	vst v63  }
0x4b: {  	_ =	swait.ge [sflag:s22], $0x4000  }
0x4c: {  	[sflag:s22] =	ssyncset.done $0x0  }
0x4d: {  	s24 =	sadd.s32 $0x1800, s24;
	[sflag:s22] =	ssyncadd.s32 $0xFFFFC000  }
0x4e: {  	[spmem:s2] =	stream.indirect.scatter.add.f32 [tilespmem:s18], [sflag:$0x2], $0x80, s24, s21, $0xb8;
	[tilespmem:$0x1AC00] =	vst v63  }
0x4f: {  	_ =	swait.ge [sflag:s19], $0x4000  }
0x50: {  	[sflag:s19] =	ssyncset.done $0x0  }
0x51: {  	[sflag:s19] =	ssyncadd.s32 $0xFFFFC000  }
0x52: {  	[bflag:$0x0] =	sbarrier.arrive $0xFFFF  }
0x53: {  	[tilespmem:s18], [sflag:$0x2] =	stream.linear.gather [spmem:s5], $0x4000, $0x38;
	[tilespmem:$0x1AC00] =	vst v63  }
0x54: {  	_ =	swait.ge [sflag:s19], $0x4000  }
0x55: {  	[sflag:s19] =	ssyncset.done $0x0  }
0x56: {  	[sflag:s19] =	ssyncadd.s32 $0xFFFFC000  }
0x57: {  	[hbm4b:s12+s3] =	stream.linear.scatter [tilespmem:s18], [sflag:$0x2], $0x4000, $0x38;
	[tilespmem:$0x1AC00] =	vst v63  }
0x58: {  	_ =	swait.ge [sflag:s19], $0x4000  }
0x59: {  	[sflag:s19] =	ssyncset.done $0x0  }
0x5a: {  	[sflag:s19] =	ssyncadd.s32 $0xFFFFC000  }
0x5b: {  	[tilespmem:s18], [sflag:$0x2] =	stream.linear.gather [spmem:s6], $0x4000, $0x38;
	[tilespmem:$0x1AC00] =	vst v63  }
0x5c: {  	_ =	swait.ge [sflag:s19], $0x4000  }
0x5d: {  	[sflag:s19] =	ssyncset.done $0x0  }
0x5e: {  	[sflag:s19] =	ssyncadd.s32 $0xFFFFC000  }
0x5f: {  	[hbm4b:s13+s3] =	stream.linear.scatter [tilespmem:s18], [sflag:$0x2], $0x4000, $0x38;
	[tilespmem:$0x1AC00] =	vst v63  }
0x60: {  	_ =	swait.ge [sflag:s19], $0x4000  }
0x61: {  	[sflag:s19] =	ssyncset.done $0x0  }
0x62: {  	[sflag:s19] =	ssyncadd.s32 $0xFFFFC000  }
0x63: {  	[tilespmem:s18], [sflag:$0x2] =	stream.linear.gather [spmem:s7], $0x4000, $0x38;
	[tilespmem:$0x1AC00] =	vst v63  }
0x64: {  	_ =	swait.ge [sflag:s19], $0x4000  }
0x65: {  	[sflag:s19] =	ssyncset.done $0x0  }
0x66: {  	[sflag:s19] =	ssyncadd.s32 $0xFFFFC000  }
0x67: {  	[hbm4b:s14+s3] =	stream.linear.scatter [tilespmem:s18], [sflag:$0x2], $0x4000, $0x38;
	[tilespmem:$0x1AC00] =	vst v63  }
0x68: {  	_ =	swait.ge [sflag:s19], $0x4000  }
0x69: {  	[sflag:s19] =	ssyncset.done $0x0  }
0x6a: {  	[sflag:s19] =	ssyncadd.s32 $0xFFFFC000  }
0x6b: {  	[tilespmem:s18], [sflag:$0x2] =	stream.linear.gather [spmem:s8], $0x4000, $0x38;
	[tilespmem:$0x1AC00] =	vst v63  }
0x6c: {  	_ =	swait.ge [sflag:s19], $0x4000  }
0x6d: {  	[sflag:s19] =	ssyncset.done $0x0  }
0x6e: {  	[sflag:s19] =	ssyncadd.s32 $0xFFFFC000  }
0x6f: {  	[hbm4b:s15+s3] =	stream.linear.scatter [tilespmem:s18], [sflag:$0x2], $0x4000, $0x38;
	[tilespmem:$0x1AC00] =	vst v63  }
0x70: {  	_ =	swait.ge [sflag:s19], $0x4000  }
0x71: {  	[sflag:s19] =	ssyncset.done $0x0  }
0x72: {  	[sflag:s19] =	ssyncadd.s32 $0xFFFFC000  }
0x73: {  	[tilespmem:s18], [sflag:$0x2] =	stream.linear.gather [spmem:s9], $0x4000, $0x38;
	[tilespmem:$0x1AC00] =	vst v63  }
0x74: {  	s23 =	sadd.s32 $0x1, s23;
	_ =	swait.ge [sflag:s19], $0x4000  }
0x75: {  	p0 =	sne.s32 s23, s17;
	[sflag:s19] =	ssyncset.done $0x0  }
.Ltmp2:
0x76: {  	[sflag:s19] =	ssyncadd.s32 $0xFFFFC000;
	(pc) =	sbr.rel @p0 .LBB2_1-.Ltmp2, $4  }
0x77: {  	[hbm4b:s16+s3] =	stream.linear.scatter [tilespmem:s18], [sflag:$0x2], $0x4000, $0x38;
	[tilespmem:$0x1AC00] =	vst v63  }
0x78: {  	_ =	swait.ge [sflag:s19], $0x4000  }
0x79: {  	[sflag:s19] =	ssyncset.done $0x0  }
0x7a: {  	[sflag:s19] =	ssyncadd.s32 $0xFFFFC000  }
0x7b: {  	_ =	sfence.sel $0x180000  }
0x7c: {  	[bflag:$0x0] =	sbarrier.arrive $0xFFFF  }
0x7d: {  	p0 =	sne.s32 s0, $0x0;
	_ =	strace $0x9000004A  }
0x7e: {  	s0 =	sadd.s32 @!p0 $0x100000, s1;
	[bflag:$0x2] =	sbarrier.arrive $0xFFFF  }
0x7f: {  	[sflag:s0] =	ssyncadd.tile.s32 @!p0 $0x1;
	_ =	shalt  }
.Lfunc_end2:
_tile_overlayer_lowered:
.L_overlay_start_2:
0x80: {  	(tag) =	ssettag $0x2  }
0x81: {  	s0 =	rddreg [dreg:$0x0];
	s2 =	stileid.u32  }
0x82: {  	s1 =	rddreg [dreg:$0x1];
	p0 =	sne.s32 s2, $0x0  }
0x83: {  	s3 =	rddreg [dreg:$0x2];
	[bflag:$0x3] =	sbarrier.arrive $0xFFFF;
	s2 =	simm.s32 @!p0 $0x1C02  }
0x84: {  	[timem:s3], [sflag:s2] =	dma.local @!p0 [hbm:s0], s1  }
0x85: {  	s0 =	simm.s32 @!p0 $0x2  }
0x86: {  	_ =	swait.ge @!p0 [sflag:s0], s1  }
0x87: {  	s1 =	ssub.s32 @!p0 $0x0, s1;
	[sflag:s0] =	ssyncset.done @!p0 $0x0  }
0x88: {  	[sflag:s0] =	ssyncadd.s32 @!p0 s1  }
0x89: {  	[bflag:$0x3] =	sbarrier.arrive $0xFFFF  }
0x8a: {  	_ =	shalt  }

// kernel: kernel.7.cloned.1.call-start
scs
__scs_entry_jumppad:
0x0: {  	(pc) =	sbr.rel $0x88, $3  }
0x1: {  	(tag) =	ssettag $0x0;
	lr =	simm.s32 $0x1  }
0x2: {  	[smem:$0x3F9B] =	sst lr;
	_ =	strace $0xD0000000  }
0x3: {  	_ = 	snop  }
0x4: {  	_ = 	snop  }
0x5: {  	_ = 	snop  }
0x6: {  	_ = 	snop  }
0x7: {  	_ = 	snop  }
__scs_overlays_trampoline_lowered:
0x8: {  	[smem:$0x3FAA] =	sst s0  }
0x9: {  	[smem:$0x3FAB] =	sst s1  }
0xa: {  	[smem:$0x3FAC] =	sst s2  }
0xb: {  	[smem:$0x3FAD] =	sst s3  }
0xc: {  	[smem:$0x3FAE] =	sst s4  }
0xd: {  	[smem:$0x3FAF] =	sst s5  }
0xe: {  	[smem:$0x3FB0] =	sst s6  }
0xf: {  	[smem:$0x3FB1] =	sst s7  }
0x10: {  	[smem:$0x3FB2] =	sst s8  }
0x11: {  	[smem:$0x3FB3] =	sst s9;
	s0 =	simm.s32 @!p0 $0x0  }
0x12: {  	s1 =	sld [smem:$0x3F99];
	s0 =	simm.s32 @p0 $0x1  }
0x13: {  	[smem:$0x3FB4] =	sst s0;
	s0 =	simm.s32 @!p1 $0x0  }
0x14: {  	s2 =	sld [smem:$0x3F98];
	s0 =	simm.s32 @p1 $0x1  }
0x15: {  	[smem:$0x3FB5] =	sst s0;
	s0 =	simm.s32 @!p2 $0x0  }
0x16: {  	s3 =	sld [smem:$0x3FDB];
	s0 =	simm.s32 @p2 $0x1  }
0x17: {  	s4 =	simm.s32 $0x1BF5;
	[smem:$0x3FB7] =	sst s0  }
0x18: {  	s0 =	sld [smem:$0x3F9A];
	_ =	swait.ge [sflag:s4], $0x0  }
0x19: {  	s7 =	sld [smem:$0x3F9B]  }
0x1a: {  	s8 =	sadd.s32 $0xFFFFE003, lr  }
0x1b: {  	s9 =	sadd.s32 $0xFFFFFEF7, lr;
	s5 =	simm.s32 $0xFFFFFFFF;
	p2 =	slt.u32 s8, $0xFFFFF086  }
0x1c: {  	p1 =	slt.u32 s9, $0xF7A;
	s5 =	simm.s32 @!p2 $0x0  }
0x1d: {  	s5 =	simm.s32 @p1 $0x1;
	p0 =	seq.s32 s7, s2  }
0x1e: {  	s7 =	smul.u32 @!p0 $0xF7A, s2;
	p2 =	seq.s32 @!p0 s5, $0x0  }
0x1f: {  	s9 =	smul.u32 $0xF7A, s1;
	s8 =	simm.s32 @!p0 $0x1BF5;
	p2 =	por !p2, p0  }
0x20: {  	[sflag:s8] =	ssyncset.s32 @!p0 $0xFFFFF086;
	s6 =	sadd.s32 @!p0 s3, s7;
	s7 =	simm.s32 @!p0 $0x108  }
0x21: {  	s3 =	sadd.s32 s3, s9;
	s6 =	sadd.s32 @!p0 $0x88, s6;
	s7 =	simm.s32 @p2 $0x1082  }
0x22: {  	[simem:s7], [sflag:s8] =	dma.local @!p0 [hbm:s6], $0xF7A  }
0x23: {  	s9 =	sor.u32 $0xD0000000, s2;
	s6 =	simm.s32 $0x108;
	_ =	swait.ge @!p0 [sflag:s8], $0x0  }
0x24: {  	s3 =	sadd.s32 $0x88, s3;
	s6 =	simm.s32 @!p1 $0x1082;
	[sflag:s4] =	ssyncset.s32 $0xFFFFF086  }
0x25: {  	[simem:s6], [sflag:s4] =	dma.local [hbm:s3], $0xF7A  }
0x26: {  	[smem:$0x3F9B] =	sst s1;
	(tag) =	ssettag s2;
	_ =	strace s9  }
0x27: {  	s1 =	sld [smem:$0x3FAB]  }
0x28: {  	s2 =	sld [smem:$0x3FAC]  }
0x29: {  	s4 =	sld [smem:$0x3FAE]  }
0x2a: {  	p0 =	seq.s32 s5, $0x0;
	s5 =	sld [smem:$0x3FAF]  }
0x2b: {  	s6 =	sld [smem:$0x3FB0]  }
0x2c: {  	s7 =	sld [smem:$0x3FB1]  }
0x2d: {  	s3 =	simm.s32 $0x108;
	s8 =	sld [smem:$0x3FB2]  }
0x2e: {  	s3 =	simm.s32 @!p0 $0x1082;
	s9 =	sld [smem:$0x3FB3]  }
0x2f: {  	lr =	sadd.s32 s0, s3;
	s0 =	sld [smem:$0x3FAA]  }
0x30: {  	s3 =	sld [smem:$0x3FAD]  }
0x31: {  	[smem:$0x3FB6] =	sst s10  }
0x32: {  	s10 =	sld [smem:$0x3FB4];
	_ =	sdelay $0x3  }
0x33: {  	p0 =	seq.s32 s10, $0x1;
	s10 =	sld [smem:$0x3FB6];
	_ =	sdelay $0x3  }
0x34: {  	[smem:$0x3FB6] =	sst s10  }
0x35: {  	s10 =	sld [smem:$0x3FB5];
	_ =	sdelay $0x3  }
0x36: {  	p1 =	seq.s32 s10, $0x1;
	s10 =	sld [smem:$0x3FB6];
	_ =	sdelay $0x3  }
0x37: {  	[smem:$0x3FB6] =	sst s10  }
0x38: {  	s10 =	sld [smem:$0x3FB7]  }
0x39: {  	_ = 	snop;
	(pc) =	sbr.ind lr, $3  }
0x3a: {  	_ = 	snop  }
0x3b: {  	_ = 	snop  }
0x3c: {  	p2 =	seq.s32 s10, $0x1;
	s10 =	sld [smem:$0x3FB6]  }
0x3d: {  	_ =	shalt  }
0x3e: {  	_ =	shalt  }
0x3f: {  	_ =	shalt  }
0x40: {  	_ =	shalt  }
0x41: {  	_ =	shalt  }
0x42: {  	_ =	shalt  }
0x43: {  	_ =	shalt  }
0x44: {  	_ =	shalt  }
0x45: {  	_ =	shalt  }
0x46: {  	_ =	shalt  }
0x47: {  	_ =	shalt  }
0x48: {  	_ =	shalt  }
0x49: {  	_ =	shalt  }
0x4a: {  	_ =	shalt  }
0x4b: {  	_ =	shalt  }
0x4c: {  	_ =	shalt  }
0x4d: {  	_ =	shalt  }
0x4e: {  	_ =	shalt  }
0x4f: {  	_ =	shalt  }
0x50: {  	_ =	shalt  }
0x51: {  	_ =	shalt  }
0x52: {  	_ =	shalt  }
0x53: {  	_ =	shalt  }
0x54: {  	_ =	shalt  }
0x55: {  	_ =	shalt  }
0x56: {  	_ =	shalt  }
0x57: {  	_ =	shalt  }
0x58: {  	_ =	shalt  }
0x59: {  	_ =	shalt  }
0x5a: {  	_ =	shalt  }
0x5b: {  	_ =	shalt  }
0x5c: {  	_ =	shalt  }
0x5d: {  	_ =	shalt  }
0x5e: {  	_ =	shalt  }
0x5f: {  	_ =	shalt  }
0x60: {  	_ =	shalt  }
0x61: {  	_ =	shalt  }
0x62: {  	_ =	shalt  }
0x63: {  	_ =	shalt  }
0x64: {  	_ =	shalt  }
0x65: {  	_ =	shalt  }
0x66: {  	_ =	shalt  }
0x67: {  	_ =	shalt  }
0x68: {  	_ =	shalt  }
0x69: {  	_ =	shalt  }
0x6a: {  	_ =	shalt  }
0x6b: {  	_ =	shalt  }
0x6c: {  	_ =	shalt  }
0x6d: {  	_ =	shalt  }
0x6e: {  	_ =	shalt  }
0x6f: {  	_ =	shalt  }
0x70: {  	_ =	shalt  }
0x71: {  	_ =	shalt  }
0x72: {  	_ =	shalt  }
0x73: {  	_ =	shalt  }
0x74: {  	_ =	shalt  }
0x75: {  	_ =	shalt  }
0x76: {  	_ =	shalt  }
0x77: {  	_ =	shalt  }
0x78: {  	_ =	shalt  }
0x79: {  	_ =	shalt  }
0x7a: {  	_ =	shalt  }
0x7b: {  	_ =	shalt  }
0x7c: {  	_ =	shalt  }
0x7d: {  	_ =	shalt  }
0x7e: {  	_ =	shalt  }
0x7f: {  	_ =	shalt  }
0x80: {  	_ =	shalt  }
0x81: {  	_ =	shalt  }
0x82: {  	_ =	shalt  }
0x83: {  	_ =	shalt  }
0x84: {  	_ =	shalt  }
0x85: {  	_ =	shalt  }
0x86: {  	_ =	shalt  }
0x87: {  	_ =	shalt  }
.Lfunc_end0:
.L_simem_size_0:
called_computation_lowered:
.L_overlay_start_0:
0x88: {  	s2 =	sld [smem:$0x3FD9]  }
0x89: {  	s3 =	sld [smem:$0x3FFE];
	_ =	sdelay $0x1  }
0x8a: {  	s1 =	srdreg.scid  }
0x8b: {  	s0 =	sand.u32 $0x1, s1  }
0x8c: {  	s17 =	sshll.u32 s0, $0xA;
	s2 =	sadd.s32 s3, s2  }
0x8d: {  	s2 =	sadd.s32 s2, s17  }
0x8e: {  	[smem:$0x3FC2] =	sst s2  }
0x8f: {  	_ = 	snop  }
0x90: {  	s2 =	sld [smem:$0x3FD0];
	(tm) =	ssettm $0x1  }
0x91: {  	s18 =	sld [smem:$0x3FFB];
	_ =	sdelay $0x3  }
0x92: {  	_ =	strace s18  }
0x93: {  	s3 =	sld [smem:$0x3FFC];
	_ =	sdelay $0x3  }
0x94: {  	_ =	strace s3  }
0x95: {  	s3 =	sld [smem:$0x3FFD];
	_ =	sdelay $0x3  }
0x96: {  	_ =	strace s3  }
0x97: {  	_ =	strace $0x8FFFFFFF  }
0x98: {  	s19 =	sld [smem:$0x3FDB];
	_ =	sdelay $0x1  }
0x99: {  	s4 =	simm.s32 $_scs_section_size  }
0x9a: {  	s5 =	simm.s32 $_size__tile_overlayer_lowered;
	s6 =	simm.s32 $_tile_overlayer_lowered  }
0x9b: {  	s22 =	simm.s32 $0x1BFF;
	s21 =	sshll.u32 s6, $0x1;
	s3 =	sadd.s32 s4, s19  }
0x9c: {  	s7 =	simm.s32 $0x0;
	s20 =	sshll.u32 s5, $0x1;
	s5 =	sadd.s32 s21, s3  }
0x9d: {  	[timem:s7], [sflag:s22] =	dma.local [hbm:s5], s20  }
0x9e: {  	_ =	swait.ge [sflag:s22], s20  }
0x9f: {  	s4 =	ssub.s32 $0x0, s20;
	[sflag:s22] =	ssyncset.done $0x0  }
0xa0: {  	[sflag:s22] =	ssyncadd.s32 s4;
	_ =	sdelay $0x1  }
0xa1: {  	s23 =	simm.s32 $0x1B8B  }
0xa2: {  	_ =	swait.ge [sflag:s23], $0x1  }
0xa3: {  	[sflag:s23] =	ssyncset.done $0x0  }
0xa4: {  	s25 =	simm.s32 $0x1B8E;
	s24 =	sld [smem:$0x3FFE];
	[sflag:s23] =	ssyncadd.s32 $0xFFFFFFFF  }
0xa5: {  	s26 =	simm.s32 $execute0_lowered;
	[smem:$0x3FD2] =	sst s25  }
0xa6: {  	s5 =	sshll.u32 s26, $0x1;
	_ =	strace $0x80000046;
	[dreg:$0x1] =	wrdreg $0xFFFFFFFF  }
0xa7: {  	s28 =	simm.s32 $_size_execute0_lowered;
	s3 =	sadd.s32 s3, s5;
	[dreg:$0x0] =	wrdreg $0x0  }
0xa8: {  	s5 =	sshll.u32 s28, $0x1;
	[dreg:$0x2] =	wrdreg s3  }
0xa9: {  	[dreg:$0x3] =	wrdreg s5  }
0xaa: {  	[dreg:$0x4] =	wrdreg $0xC0  }
0xab: {  	_ =	task [dreg:s7], $0x5FFFF  }
0xac: {  	[dreg:$0x1] =	wrdreg $0xFFFFFFFF  }
0xad: {  	[dreg:$0x0] =	wrdreg $0x60  }
0xae: {  	[dreg:$0x2] =	wrdreg s24  }
0xaf: {  	[dreg:$0x3] =	wrdreg s2  }
0xb0: {  	[dreg:$0x4] =	wrdreg $0x84000  }
0xb1: {  	[dreg:$0x5] =	wrdreg $0x1C4000  }
0xb2: {  	[dreg:$0x6] =	wrdreg $0x9  }
0xb3: {  	_ =	task.clear_ibuf [dreg:s7], $0x7FFFF;
	_ =	strace $0x90000046  }
0xb4: {  	s29 =	simm.s32 $0x9;
	_ =	strace $0x80000048  }
0xb5: {  	_ =	swait.ge [sflag:s29], $0x1  }
0xb6: {  	[sflag:s29] =	ssyncadd.s32 $0xFFFFFFFF  }
0xb7: {  	_ =	strace $0x90000048  }
0xb8: {  	_ =	sfence  }
0xb9: {  	s30 =	sld [smem:$0x0];
	_ =	sdelay $0x2  }
0xba: {  	s31 =	sshll.u32 s1, $0xD;
	s1 =	sshrl.u32 s1, $0x2  }
0xbb: {  	s3 =	sand.u32 $0x4000, s31;
	s1 =	sadd.s32 s1, s30  }
0xbc: {  	s0 =	sor.u32 s3, s0;
	s1 =	sshll.u32 s1, $0x11  }
0xbd: {  	s0 =	sor.u32 s1, s0  }
0xbe: {  	s0 =	sadd.s32 $0x8F2B, s0  }
0xbf: {  	[sflag:s0] =	ssyncadd.remote.s32 $0x1  }
0xc0: {  	_ =	sfence.sel $0xFFFF  }
0xc1: {  	[dreg:$0x0] =	wrdreg $0xFFFFFFFF;
	(pc) =	sbr.abs _section_cstart, $3  }
0xc2: {  	[dreg:$0x1] =	wrdreg $0xFFFFFFFF  }
0xc3: {  	_ =	task.clear_ibuf [dreg:s7], $0x2FFFF;
	_ =	strace $0x9FFFFFFF  }
0xc4: {  	(tm) =	ssettm $0x7FFFFFFF  }
0xc5: {  	_ =	shalt  }
tec
execute0_lowered:
.L_overlay_start_1:
0x0: {  	(tag) =	ssettag $0x1  }
0x1: {  	s4 =	rddreg [dreg:$0x0]  }
0x2: {  	s6 =	rddreg [dreg:$0x1];
	s0 =	srdreg.scid  }
0x3: {  	s1 =	rddreg [dreg:$0x2];
	s18 =	stileid.u32  }
0x4: {  	s2 =	rddreg [dreg:$0x3];
	s3 =	simm.s32 $0x0;
	s7 =	sand.u32 $0x1, s0  }
0x5: {  	s8 =	sshll.u32 s18, $0x1;
	s0 =	smul.u32 $0x280, s18;
	[smem:$0x7FF] =	sst s3  }
0x6: {  	s26 =	sadd.s32 $0x1E00, s4;
	s10 =	sadd.s32 $0x6E00, s4;
	s12 =	smul.u32 $0x500, s18  }
0x7: {  	s11 =	sadd.s32 $0x5CE00, s4;
	s20 =	smul.u32 $0x2800, s18;
	s5 =	sshll.u32 s7, $0x5  }
0x8: {  	s13 =	ssub.s32 $0x2, s7;
	s7 =	smul.u32 $0x2800, s7;
	s5 =	sor.u32 s8, s5  }
0x9: {  	s16 =	sadd.s32 $0x63800, s4;
	s19 =	sshrl.u32 s13, $0x1;
	s9 =	smul.u32 $0x300, s5  }
0xa: {  	s12 =	sadd.s32 s26, s12;
	s14 =	smul.u32 $0x180, s5;
	s15 =	sor.u32 $0x1, s5  }
0xb: {  	s29 =	sadd.s32 s0, s2;
	s5 =	ssub.s32 s13, s19;
	s17 =	smul.u32 $0x300, s15  }
0xc: {  	[dreg:$0x6] =	wrdreg s12;
	s7 =	sadd.s32 s0, s7;
	s23 =	smul.u32 $0x180, s15  }
0xd: {  	s25 =	sshll.u32 s7, $0x4;
	s15 =	sadd.s32 $0x100, s7;
	s9 =	sadd.s32 s6, s9  }
0xe: {  	s5 =	smax.u32 s5, $0x1;
	s21 =	sadd.s32 s10, s14;
	[dreg:$0x5] =	wrdreg s9  }
0xf: {  	s22 =	sadd.s32 s11, s14;
	s8 =	sadd.s32 s16, s25;
	[dreg:$0x7] =	wrdreg s21  }
0x10: {  	s19 =	sshll.u32 s15, $0x4;
	[dreg:$0x8] =	wrdreg s22;
	s9 =	sshrl.u32 s20, $0x3  }
0x11: {  	s6 =	sadd.s32 s6, s17;
	s24 =	sadd.s32 s10, s23;
	[dreg:$0xc] =	wrdreg s8  }
0x12: {  	s13 =	sadd.s32 s11, s23;
	s17 =	sadd.s32 $0x180, s7;
	[dreg:$0x9] =	wrdreg s6  }
0x13: {  	s21 =	sadd.s32 $0x200, s7;
	s11 =	sadd.s32 s16, s19;
	[dreg:$0xa] =	wrdreg s24  }
0x14: {  	s10 =	smul.u32 $0x50000, s18;
	s6 =	sadd.s32 s26, s9;
	[dreg:$0xb] =	wrdreg s13  }
0x15: {  	s26 =	sadd.s32 $0x80, s7;
	s20 =	sshll.u32 s17, $0x4;
	[dreg:$0xe] =	wrdreg s11  }
0x16: {  	s23 =	sshll.u32 s21, $0x4;
	s24 =	sadd.s32 $0x62E00, s4;
	s7 =	sshrl.u32 s7, $0x3  }
0x17: {  	s9 =	sshrl.u32 s21, $0x3;
	s13 =	sadd.s32 $0x80, s0;
	s14 =	sshll.u32 s26, $0x4  }
0x18: {  	s22 =	sadd.s32 s16, s20;
	s11 =	sadd.s32 s16, s23;
	s7 =	sadd.s32 s24, s7  }
0x19: {  	s25 =	sshrl.u32 s26, $0x3;
	s21 =	sadd.s32 s24, s9;
	[dreg:$0xf] =	wrdreg s22  }
0x1a: {  	s12 =	sshrl.u32 s10, $0x2;
	s9 =	simm.s32 $0x2C00;
	[dreg:$0x10] =	wrdreg s11  }
0x1b: {  	s10 =	simm.s32 $0x3800;
	s8 =	sadd.s32 s16, s14;
	[dreg:$0x11] =	wrdreg s7  }
0x1c: {  	s7 =	sadd.s32 s24, s25;
	s22 =	sadd.s32 $0xCE00, s4;
	s23 =	sadd.s32 s12, s1  }
0x1d: {  	s14 =	sshll.u32 s13, $0x7;
	s25 =	sadd.s32 s13, s2;
	s4 =	sadd.s32 $0x280, s6  }
0x1e: {  	s6 =	simm.s32 $0x4400;
	s11 =	simm.s32 $0x80;
	s12 =	simm.s32 $0x1  }
0x1f: {  	s13 =	simm.s32 $0x0;
	[dreg:$0xd] =	wrdreg s8;
	s8 =	sshrl.u32 s15, $0x3  }
0x20: {  	[dreg:$0x12] =	wrdreg s7;
	s15 =	sadd.s32 $0x100, s0;
	s7 =	simm.s32 $0x2  }
0x21: {  	s26 =	sadd.s32 s24, s8;
	s8 =	sshrl.u32 s17, $0x3;
	s16 =	sshll.u32 s15, $0x7  }
0x22: {  	s28 =	sadd.s32 s15, s2;
	s17 =	sadd.s32 $0x180, s0;
	s0 =	sadd.s32 $0x200, s0  }
0x23: {  	[dreg:$0x13] =	wrdreg s26;
	s20 =	sadd.s32 s24, s8;
	s24 =	sadd.s32 s14, s1  }
0x24: {  	s26 =	sadd.s32 s16, s1;
	s18 =	sshll.u32 s17, $0x7;
	s31 =	sadd.s32 s17, s2  }
0x25: {  	s19 =	sshll.u32 s0, $0x7;
	s0 =	sadd.s32 s0, s2;
	s8 =	simm.s32 $0x1800  }
0x26: {  	v0 =	vimm.f32 $0.0e+00;
	_ =	strace $0x80000047;
	s30 =	sadd.s32 s18, s1;
	s17 =	sadd.s32 s19, s1  }
.LBB2_1:
0x27: {  	s14 =	sand.u32 $0xFE00, s3  }
0x28: {  	s15 =	sand.u32 $0x70, s3;
	s16 =	sshrl.u32 s14, $0x2  }
0x29: {  	s14 =	simm.s32 $0x40;
	s16 =	sor.u32 s15, s16;
	s15 =	simm.s32 $0x0  }
.LBB2_2:
0x2a: {  	p0 =	sne.s32 s14, $0xFFC0  }
0x2b: {  	[tilespmem:s16+$0x4400] =	vst v0;
	s15 =	sadd.s32 $0x10, s15;
	s16 =	smov.u32 s14;
	s14 =	sadd.s32 $0x40, s14  }
.Ltmp0:
0x2c: {  	(pc) =	sbr.rel @p0 .LBB2_2-.Ltmp0, $4  }
0x2d: {  	_ = 	snop  }
0x2e: {  	s16 =	sand.u32 $0xFE00, s16  }
0x2f: {  	s18 =	sand.u32 $0x70, s15;
	s16 =	sshrl.u32 s16, $0x2  }
0x30: {  	s16 =	sor.u32 s18, s16  }
0x31: {  	[tilespmem:s16+$0x4400] =	vst v0  }
0x32: {  	[spmem:s23] =	stream.linear.scatter [tilespmem:s6], [sflag:$0x2], $0x4000, $0x38;
	[tilespmem:$0x1C680] =	vst v63  }
0x33: {  	_ =	swait.ge [sflag:s7], $0x4000  }
0x34: {  	[sflag:s7] =	ssyncset.done $0x0  }
0x35: {  	[sflag:s7] =	ssyncadd.s32 $0xFFFFC000  }
0x36: {  	[spmem:s29] =	stream.linear.scatter [tilespmem:s6], [sflag:$0x2], $0x80, $0x38;
	[tilespmem:$0x1C680] =	vst v63  }
0x37: {  	_ =	swait.ge [sflag:s7], $0x80  }
0x38: {  	[sflag:s7] =	ssyncset.done $0x0  }
0x39: {  	[sflag:s7] =	ssyncadd.s32 $0xFFFFFF80  }
0x3a: {  	[spmem:s24] =	stream.linear.scatter [tilespmem:s6], [sflag:$0x2], $0x4000, $0x38;
	[tilespmem:$0x1C680] =	vst v63  }
0x3b: {  	_ =	swait.ge [sflag:s7], $0x4000  }
0x3c: {  	[sflag:s7] =	ssyncset.done $0x0  }
0x3d: {  	[sflag:s7] =	ssyncadd.s32 $0xFFFFC000  }
0x3e: {  	[spmem:s25] =	stream.linear.scatter [tilespmem:s6], [sflag:$0x2], $0x80, $0x38;
	[tilespmem:$0x1C680] =	vst v63  }
0x3f: {  	_ =	swait.ge [sflag:s7], $0x80  }
0x40: {  	[sflag:s7] =	ssyncset.done $0x0  }
0x41: {  	[sflag:s7] =	ssyncadd.s32 $0xFFFFFF80  }
0x42: {  	[spmem:s26] =	stream.linear.scatter [tilespmem:s6], [sflag:$0x2], $0x4000, $0x38;
	[tilespmem:$0x1C680] =	vst v63  }
0x43: {  	_ =	swait.ge [sflag:s7], $0x4000  }
0x44: {  	[sflag:s7] =	ssyncset.done $0x0  }
0x45: {  	[sflag:s7] =	ssyncadd.s32 $0xFFFFC000  }
0x46: {  	[spmem:s28] =	stream.linear.scatter [tilespmem:s6], [sflag:$0x2], $0x80, $0x38;
	[tilespmem:$0x1C680] =	vst v63  }
0x47: {  	_ =	swait.ge [sflag:s7], $0x80  }
0x48: {  	[sflag:s7] =	ssyncset.done $0x0  }
0x49: {  	[sflag:s7] =	ssyncadd.s32 $0xFFFFFF80  }
0x4a: {  	[spmem:s30] =	stream.linear.scatter [tilespmem:s6], [sflag:$0x2], $0x4000, $0x38;
	[tilespmem:$0x1C680] =	vst v63  }
0x4b: {  	_ =	swait.ge [sflag:s7], $0x4000  }
0x4c: {  	[sflag:s7] =	ssyncset.done $0x0  }
0x4d: {  	[sflag:s7] =	ssyncadd.s32 $0xFFFFC000  }
0x4e: {  	[spmem:s31] =	stream.linear.scatter [tilespmem:s6], [sflag:$0x2], $0x80, $0x38;
	[tilespmem:$0x1C680] =	vst v63  }
0x4f: {  	_ =	swait.ge [sflag:s7], $0x80  }
0x50: {  	[sflag:s7] =	ssyncset.done $0x0  }
0x51: {  	[sflag:s7] =	ssyncadd.s32 $0xFFFFFF80  }
0x52: {  	[spmem:s17] =	stream.linear.scatter [tilespmem:s6], [sflag:$0x2], $0x4000, $0x38;
	[tilespmem:$0x1C680] =	vst v63  }
0x53: {  	_ =	swait.ge [sflag:s7], $0x4000  }
0x54: {  	[sflag:s7] =	ssyncset.done $0x0  }
0x55: {  	[sflag:s7] =	ssyncadd.s32 $0xFFFFC000  }
0x56: {  	[spmem:s0] =	stream.linear.scatter [tilespmem:s6], [sflag:$0x2], $0x80, $0x38;
	[tilespmem:$0x1C680] =	vst v63  }
0x57: {  	_ =	swait.ge [sflag:s7], $0x80  }
0x58: {  	[sflag:s7] =	ssyncset.done $0x0  }
0x59: {  	[sflag:s7] =	ssyncadd.s32 $0xFFFFFF80  }
0x5a: {  	[bflag:$0x0] =	sbarrier.arrive $0xFFFF  }
0x5b: {  	s14 =	simm.s32 $0x0;
	s15 =	rddreg [dreg:$0x5]  }
0x5c: {  	[tilespmem:s14], [sflag:$0x2] =	stream.linear.gather [hbm4b:s15+s14], $0x1480, $0x38;
	[tilespmem:$0x1C680] =	vst v63  }
0x5d: {  	_ =	swait.ge [sflag:s7], $0x1480  }
0x5e: {  	[sflag:s7] =	ssyncset.done $0x0  }
0x5f: {  	s18 =	rddreg [dreg:$0x6];
	[sflag:s7] =	ssyncadd.s32 $0xFFFFEB80  }
0x60: {  	[tilespmem:s8], [sflag:$0x2] =	stream.linear.gather [hbm4b:s18+s14], $0x1400, $0x38;
	[tilespmem:$0x1C680] =	vst v63  }
0x61: {  	_ =	swait.ge [sflag:s7], $0x1400  }
0x62: {  	[sflag:s7] =	ssyncset.done $0x0  }
0x63: {  	s19 =	rddreg [dreg:$0x7];
	[sflag:s7] =	ssyncadd.s32 $0xFFFFEC00  }
0x64: {  	[tilespmem:s9], [sflag:$0x2] =	stream.linear.gather [hbm4b:s19+s14], $0xA00, $0x38;
	[tilespmem:$0x1C680] =	vst v63  }
0x65: {  	_ =	swait.ge [sflag:s7], $0xA00  }
0x66: {  	[sflag:s7] =	ssyncset.done $0x0  }
0x67: {  	s16 =	rddreg [dreg:$0x8];
	[sflag:s7] =	ssyncadd.s32 $0xFFFFF600  }
0x68: {  	[tilespmem:s10], [sflag:$0x2] =	stream.linear.gather [hbm4b:s16+s14], $0xA00, $0x38;
	[tilespmem:$0x1C680] =	vst v63  }
0x69: {  	_ =	swait.ge [sflag:s7], $0xA00  }
0x6a: {  	[sflag:s7] =	ssyncset.done $0x0  }
0x6b: {  	s18 =	simm.s32 $0x0;
	[sflag:s7] =	ssyncadd.s32 $0xFFFFF600  }
0x6c: {  	[tilespmem:s6], [sflag:$0x1] =	stream.indirect.gather [hbm4b:s22+s11], $0x80, s18, s11, $0xb8;
	[tilespmem:$0x1C680] =	vst v63  }
0x6d: {  	_ =	swait.ge [sflag:s12], $0x4000  }
0x6e: {  	[sflag:s12] =	ssyncset.done $0x0  }
0x6f: {  	s19 =	simm.s32 $0x1800;
	[sflag:s12] =	ssyncadd.s32 $0xFFFFC000  }
0x70: {  	[spmem:s1] =	stream.indirect.scatter.add.f32 [tilespmem:s6], [sflag:$0x2], $0x80, s19, s11, $0xb8;
	[tilespmem:$0x1C680] =	vst v63  }
0x71: {  	s15 =	simm.s32 $0x200;
	_ =	swait.ge [sflag:s7], $0x4000  }
0x72: {  	s14 =	simm.s32 $0x200;
	s16 =	simm.s32 $0x400;
	[sflag:s7] =	ssyncset.done $0x0  }
.LBB2_4:
0x73: {  	s18 =	sshra.s32 s15, $0x2  }
0x74: {  	[sflag:s7] =	ssyncadd.s32 $0xFFFFC000;
	s15 =	smov.u32 s16;
	s19 =	sadd.s32 $0x200, s16  }
0x75: {  	[tilespmem:s6], [sflag:$0x1] =	stream.indirect.gather [hbm4b:s22+s11], $0x80, s18, s11, $0xb8;
	[tilespmem:$0x1C680] =	vst v63  }
0x76: {  	p0 =	sne.s32 s16, $0x4E00;
	_ =	swait.ge [sflag:s12], $0x4000  }
.Ltmp1:
0x77: {  	[sflag:s12] =	ssyncset.done $0x0;
	(pc) =	sbr.rel @p0 .LBB2_4-.Ltmp1, $4  }
0x78: {  	s16 =	sadd.s32 $0x1800, s18;
	[sflag:s12] =	ssyncadd.s32 $0xFFFFC000  }
0x79: {  	[spmem:s1] =	stream.indirect.scatter.add.f32 [tilespmem:s6], [sflag:$0x2], $0x80, s16, s11, $0xb8;
	[tilespmem:$0x1C680] =	vst v63  }
0x7a: {  	_ =	swait.ge [sflag:s7], $0x4000  }
0x7b: {  	s16 =	smov.u32 s19;
	[sflag:s7] =	ssyncset.done $0x0  }
0x7c: {  	s15 =	sshra.s32 s15, $0x2;
	[sflag:s7] =	ssyncadd.s32 $0xFFFFC000  }
0x7d: {  	[tilespmem:s6], [sflag:$0x1] =	stream.indirect.gather [hbm4b:s22+s11], $0x80, s15, s11, $0xb8;
	[tilespmem:$0x1C680] =	vst v63  }
0x7e: {  	_ =	swait.ge [sflag:s12], $0x4000  }
0x7f: {  	[sflag:s12] =	ssyncset.done $0x0  }
0x80: {  	s15 =	sadd.s32 $0x1800, s15;
	[sflag:s12] =	ssyncadd.s32 $0xFFFFC000  }
0x81: {  	[spmem:s1] =	stream.indirect.scatter.add.f32 [tilespmem:s6], [sflag:$0x2], $0x80, s15, s11, $0xb8;
	[tilespmem:$0x1C680] =	vst v63  }
0x82: {  	_ =	swait.ge [sflag:s7], $0x4000  }
0x83: {  	[sflag:s7] =	ssyncset.done $0x0  }
0x84: {  	s19 =	simm.s32 $0x3800;
	s16 =	simm.s32 $0x2C00;
	[sflag:s7] =	ssyncadd.s32 $0xFFFFC000  }
0x85: {  	[spmem:s2] =	stream.indirect.scatter.add.f32 [tilespmem:s19], [sflag:$0x2], $0x1, s16, s11, $0xb8;
	[tilespmem:$0x1C680] =	vst v63  }
0x86: {  	_ =	swait.ge [sflag:s7], $0x80  }
.LBB2_6:
0x87: {  	s15 =	sshra.s32 s14, $0x2  }
0x88: {  	[sflag:s7] =	ssyncset.done $0x0;
	p0 =	sne.s32 s14, $0x2600;
	s16 =	sadd.s32 $0x3800, s15  }
.Ltmp2:
0x89: {  	s15 =	sadd.s32 $0x2C00, s15;
	[sflag:s7] =	ssyncadd.s32 $0xFFFFFF80;
	(pc) =	sbr.rel @p0 .LBB2_6-.Ltmp2, $3  }
0x8a: {  	[spmem:s2] =	stream.indirect.scatter.add.f32 [tilespmem:s16], [sflag:$0x2], $0x1, s15, s11, $0xb8;
	[tilespmem:$0x1C680] =	vst v63  }
0x8b: {  	s14 =	sadd.s32 $0x200, s14;
	_ =	sdelay $0x1  }
0x8c: {  	_ =	swait.ge [sflag:s7], $0x80  }
0x8d: {  	[sflag:s7] =	ssyncset.done $0x0  }
0x8e: {  	s14 =	simm.s32 $0x0;
	s15 =	rddreg [dreg:$0x9];
	[sflag:s7] =	ssyncadd.s32 $0xFFFFFF80  }
0x8f: {  	[tilespmem:s14], [sflag:$0x2] =	stream.linear.gather [hbm4b:s15+s14], $0x1480, $0x38;
	[tilespmem:$0x1C680] =	vst v63  }
0x90: {  	_ =	swait.ge [sflag:s7], $0x1480  }
0x91: {  	[sflag:s7] =	ssyncset.done $0x0  }
0x92: {  	[sflag:s7] =	ssyncadd.s32 $0xFFFFEB80  }
0x93: {  	[tilespmem:s8], [sflag:$0x2] =	stream.linear.gather [hbm4b:s4+s14], $0x1400, $0x38;
	[tilespmem:$0x1C680] =	vst v63  }
0x94: {  	_ =	swait.ge [sflag:s7], $0x1400  }
0x95: {  	[sflag:s7] =	ssyncset.done $0x0  }
0x96: {  	s19 =	rddreg [dreg:$0xa];
	[sflag:s7] =	ssyncadd.s32 $0xFFFFEC00  }
0x97: {  	[tilespmem:s9], [sflag:$0x2] =	stream.linear.gather [hbm4b:s19+s14], $0xA00, $0x38;
	[tilespmem:$0x1C680] =	vst v63  }
0x98: {  	_ =	swait.ge [sflag:s7], $0xA00  }
0x99: {  	[sflag:s7] =	ssyncset.done $0x0  }
0x9a: {  	s16 =	rddreg [dreg:$0xb];
	[sflag:s7] =	ssyncadd.s32 $0xFFFFF600  }
0x9b: {  	[tilespmem:s10], [sflag:$0x2] =	stream.linear.gather [hbm4b:s16+s14], $0xA00, $0x38;
	[tilespmem:$0x1C680] =	vst v63  }
0x9c: {  	_ =	swait.ge [sflag:s7], $0xA00  }
0x9d: {  	[sflag:s7] =	ssyncset.done $0x0  }
0x9e: {  	s18 =	simm.s32 $0x0;
	[sflag:s7] =	ssyncadd.s32 $0xFFFFF600  }
0x9f: {  	[tilespmem:s6], [sflag:$0x1] =	stream.indirect.gather [hbm4b:s22+s11], $0x80, s18, s11, $0xb8;
	[tilespmem:$0x1C680] =	vst v63  }
0xa0: {  	_ =	swait.ge [sflag:s12], $0x4000  }
0xa1: {  	[sflag:s12] =	ssyncset.done $0x0  }
0xa2: {  	s19 =	simm.s32 $0x1800;
	[sflag:s12] =	ssyncadd.s32 $0xFFFFC000  }
0xa3: {  	[spmem:s1] =	stream.indirect.scatter.add.f32 [tilespmem:s6], [sflag:$0x2], $0x80, s19, s11, $0xb8;
	[tilespmem:$0x1C680] =	vst v63  }
0xa4: {  	s15 =	simm.s32 $0x200;
	_ =	swait.ge [sflag:s7], $0x4000  }
0xa5: {  	s14 =	simm.s32 $0x200;
	s16 =	simm.s32 $0x400;
	[sflag:s7] =	ssyncset.done $0x0  }
.LBB2_8:
0xa6: {  	s18 =	sshra.s32 s15, $0x2  }
0xa7: {  	[sflag:s7] =	ssyncadd.s32 $0xFFFFC000;
	s15 =	smov.u32 s16;
	s19 =	sadd.s32 $0x200, s16  }
0xa8: {  	[tilespmem:s6], [sflag:$0x1] =	stream.indirect.gather [hbm4b:s22+s11], $0x80, s18, s11, $0xb8;
	[tilespmem:$0x1C680] =	vst v63  }
0xa9: {  	p0 =	sne.s32 s16, $0x4E00;
	_ =	swait.ge [sflag:s12], $0x4000  }
.Ltmp3:
0xaa: {  	[sflag:s12] =	ssyncset.done $0x0;
	(pc) =	sbr.rel @p0 .LBB2_8-.Ltmp3, $4  }
0xab: {  	s16 =	sadd.s32 $0x1800, s18;
	[sflag:s12] =	ssyncadd.s32 $0xFFFFC000  }
0xac: {  	[spmem:s1] =	stream.indirect.scatter.add.f32 [tilespmem:s6], [sflag:$0x2], $0x80, s16, s11, $0xb8;
	[tilespmem:$0x1C680] =	vst v63  }
0xad: {  	_ =	swait.ge [sflag:s7], $0x4000  }
0xae: {  	s16 =	smov.u32 s19;
	[sflag:s7] =	ssyncset.done $0x0  }
0xaf: {  	s15 =	sshra.s32 s15, $0x2;
	[sflag:s7] =	ssyncadd.s32 $0xFFFFC000  }
0xb0: {  	[tilespmem:s6], [sflag:$0x1] =	stream.indirect.gather [hbm4b:s22+s11], $0x80, s15, s11, $0xb8;
	[tilespmem:$0x1C680] =	vst v63  }
0xb1: {  	_ =	swait.ge [sflag:s12], $0x4000  }
0xb2: {  	[sflag:s12] =	ssyncset.done $0x0  }
0xb3: {  	s15 =	sadd.s32 $0x1800, s15;
	[sflag:s12] =	ssyncadd.s32 $0xFFFFC000  }
0xb4: {  	[spmem:s1] =	stream.indirect.scatter.add.f32 [tilespmem:s6], [sflag:$0x2], $0x80, s15, s11, $0xb8;
	[tilespmem:$0x1C680] =	vst v63  }
0xb5: {  	_ =	swait.ge [sflag:s7], $0x4000  }
0xb6: {  	[sflag:s7] =	ssyncset.done $0x0  }
0xb7: {  	s19 =	simm.s32 $0x3800;
	s16 =	simm.s32 $0x2C00;
	[sflag:s7] =	ssyncadd.s32 $0xFFFFC000  }
0xb8: {  	[spmem:s2] =	stream.indirect.scatter.add.f32 [tilespmem:s19], [sflag:$0x2], $0x1, s16, s11, $0xb8;
	[tilespmem:$0x1C680] =	vst v63  }
0xb9: {  	_ =	swait.ge [sflag:s7], $0x80  }
.LBB2_10:
0xba: {  	s15 =	sshra.s32 s14, $0x2  }
0xbb: {  	[sflag:s7] =	ssyncset.done $0x0;
	p0 =	sne.s32 s14, $0x2600;
	s16 =	sadd.s32 $0x3800, s15  }
.Ltmp4:
0xbc: {  	s15 =	sadd.s32 $0x2C00, s15;
	[sflag:s7] =	ssyncadd.s32 $0xFFFFFF80;
	(pc) =	sbr.rel @p0 .LBB2_10-.Ltmp4, $3  }
0xbd: {  	[spmem:s2] =	stream.indirect.scatter.add.f32 [tilespmem:s16], [sflag:$0x2], $0x1, s15, s11, $0xb8;
	[tilespmem:$0x1C680] =	vst v63  }
0xbe: {  	s14 =	sadd.s32 $0x200, s14;
	_ =	sdelay $0x1  }
0xbf: {  	_ =	swait.ge [sflag:s7], $0x80  }
0xc0: {  	[sflag:s7] =	ssyncset.done $0x0  }
0xc1: {  	[sflag:s7] =	ssyncadd.s32 $0xFFFFFF80  }
0xc2: {  	[bflag:$0x0] =	sbarrier.arrive $0xFFFF  }
0xc3: {  	[tilespmem:s6], [sflag:$0x2] =	stream.linear.gather [spmem:s23], $0x4000, $0x38;
	[tilespmem:$0x1C680] =	vst v63  }
0xc4: {  	_ =	swait.ge [sflag:s7], $0x4000  }
0xc5: {  	[sflag:s7] =	ssyncset.done $0x0  }
0xc6: {  	s14 =	rddreg [dreg:$0xc];
	[sflag:s7] =	ssyncadd.s32 $0xFFFFC000  }
0xc7: {  	[hbm4b:s14+s3] =	stream.linear.scatter [tilespmem:s6], [sflag:$0x2], $0x4000, $0x38;
	[tilespmem:$0x1C680] =	vst v63  }
0xc8: {  	_ =	swait.ge [sflag:s7], $0x4000  }
0xc9: {  	[sflag:s7] =	ssyncset.done $0x0  }
0xca: {  	[sflag:s7] =	ssyncadd.s32 $0xFFFFC000  }
0xcb: {  	[tilespmem:s6], [sflag:$0x2] =	stream.linear.gather [spmem:s29], $0x80, $0x38;
	[tilespmem:$0x1C680] =	vst v63  }
0xcc: {  	_ =	swait.ge [sflag:s7], $0x80  }
0xcd: {  	[sflag:s7] =	ssyncset.done $0x0  }
0xce: {  	s16 =	rddreg [dreg:$0x11];
	[sflag:s7] =	ssyncadd.s32 $0xFFFFFF80  }
0xcf: {  	[hbm4b:s16+s3] =	stream.linear.scatter [tilespmem:s6], [sflag:$0x2], $0x80, $0x38;
	[tilespmem:$0x1C680] =	vst v63  }
0xd0: {  	_ =	swait.ge [sflag:s7], $0x80  }
0xd1: {  	[sflag:s7] =	ssyncset.done $0x0  }
0xd2: {  	[sflag:s7] =	ssyncadd.s32 $0xFFFFFF80  }
0xd3: {  	[tilespmem:s6], [sflag:$0x2] =	stream.linear.gather [spmem:s24], $0x4000, $0x38;
	[tilespmem:$0x1C680] =	vst v63  }
0xd4: {  	_ =	swait.ge [sflag:s7], $0x4000  }
0xd5: {  	[sflag:s7] =	ssyncset.done $0x0  }
0xd6: {  	s18 =	rddreg [dreg:$0xd];
	[sflag:s7] =	ssyncadd.s32 $0xFFFFC000  }
0xd7: {  	[hbm4b:s18+s3] =	stream.linear.scatter [tilespmem:s6], [sflag:$0x2], $0x4000, $0x38;
	[tilespmem:$0x1C680] =	vst v63  }
0xd8: {  	_ =	swait.ge [sflag:s7], $0x4000  }
0xd9: {  	[sflag:s7] =	ssyncset.done $0x0  }
0xda: {  	[sflag:s7] =	ssyncadd.s32 $0xFFFFC000  }
0xdb: {  	[tilespmem:s6], [sflag:$0x2] =	stream.linear.gather [spmem:s25], $0x80, $0x38;
	[tilespmem:$0x1C680] =	vst v63  }
0xdc: {  	_ =	swait.ge [sflag:s7], $0x80  }
0xdd: {  	[sflag:s7] =	ssyncset.done $0x0  }
0xde: {  	s19 =	rddreg [dreg:$0x12];
	[sflag:s7] =	ssyncadd.s32 $0xFFFFFF80  }
0xdf: {  	[hbm4b:s19+s3] =	stream.linear.scatter [tilespmem:s6], [sflag:$0x2], $0x80, $0x38;
	[tilespmem:$0x1C680] =	vst v63  }
0xe0: {  	_ =	swait.ge [sflag:s7], $0x80  }
0xe1: {  	[sflag:s7] =	ssyncset.done $0x0  }
0xe2: {  	[sflag:s7] =	ssyncadd.s32 $0xFFFFFF80  }
0xe3: {  	[tilespmem:s6], [sflag:$0x2] =	stream.linear.gather [spmem:s26], $0x4000, $0x38;
	[tilespmem:$0x1C680] =	vst v63  }
0xe4: {  	_ =	swait.ge [sflag:s7], $0x4000  }
0xe5: {  	[sflag:s7] =	ssyncset.done $0x0  }
0xe6: {  	s15 =	rddreg [dreg:$0xe];
	[sflag:s7] =	ssyncadd.s32 $0xFFFFC000  }
0xe7: {  	[hbm4b:s15+s3] =	stream.linear.scatter [tilespmem:s6], [sflag:$0x2], $0x4000, $0x38;
	[tilespmem:$0x1C680] =	vst v63  }
0xe8: {  	_ =	swait.ge [sflag:s7], $0x4000  }
0xe9: {  	[sflag:s7] =	ssyncset.done $0x0  }
0xea: {  	[sflag:s7] =	ssyncadd.s32 $0xFFFFC000  }
0xeb: {  	[tilespmem:s6], [sflag:$0x2] =	stream.linear.gather [spmem:s28], $0x80, $0x38;
	[tilespmem:$0x1C680] =	vst v63  }
0xec: {  	_ =	swait.ge [sflag:s7], $0x80  }
0xed: {  	[sflag:s7] =	ssyncset.done $0x0  }
0xee: {  	s16 =	rddreg [dreg:$0x13];
	[sflag:s7] =	ssyncadd.s32 $0xFFFFFF80  }
0xef: {  	[hbm4b:s16+s3] =	stream.linear.scatter [tilespmem:s6], [sflag:$0x2], $0x80, $0x38;
	[tilespmem:$0x1C680] =	vst v63  }
0xf0: {  	_ =	swait.ge [sflag:s7], $0x80  }
0xf1: {  	[sflag:s7] =	ssyncset.done $0x0  }
0xf2: {  	[sflag:s7] =	ssyncadd.s32 $0xFFFFFF80  }
0xf3: {  	[tilespmem:s6], [sflag:$0x2] =	stream.linear.gather [spmem:s30], $0x4000, $0x38;
	[tilespmem:$0x1C680] =	vst v63  }
0xf4: {  	_ =	swait.ge [sflag:s7], $0x4000  }
0xf5: {  	[sflag:s7] =	ssyncset.done $0x0  }
0xf6: {  	s18 =	rddreg [dreg:$0xf];
	[sflag:s7] =	ssyncadd.s32 $0xFFFFC000  }
0xf7: {  	[hbm4b:s18+s3] =	stream.linear.scatter [tilespmem:s6], [sflag:$0x2], $0x4000, $0x38;
	[tilespmem:$0x1C680] =	vst v63  }
0xf8: {  	_ =	swait.ge [sflag:s7], $0x4000  }
0xf9: {  	[sflag:s7] =	ssyncset.done $0x0  }
0xfa: {  	[sflag:s7] =	ssyncadd.s32 $0xFFFFC000  }
0xfb: {  	[tilespmem:s6], [sflag:$0x2] =	stream.linear.gather [spmem:s31], $0x80, $0x38;
	[tilespmem:$0x1C680] =	vst v63  }
0xfc: {  	_ =	swait.ge [sflag:s7], $0x80  }
0xfd: {  	[sflag:s7] =	ssyncset.done $0x0  }
0xfe: {  	[sflag:s7] =	ssyncadd.s32 $0xFFFFFF80  }
0xff: {  	[hbm4b:s20+s3] =	stream.linear.scatter [tilespmem:s6], [sflag:$0x2], $0x80, $0x38;
	[tilespmem:$0x1C680] =	vst v63  }
0x100: {  	_ =	swait.ge [sflag:s7], $0x80  }
0x101: {  	[sflag:s7] =	ssyncset.done $0x0  }
0x102: {  	[sflag:s7] =	ssyncadd.s32 $0xFFFFFF80  }
0x103: {  	[tilespmem:s6], [sflag:$0x2] =	stream.linear.gather [spmem:s17], $0x4000, $0x38;
	[tilespmem:$0x1C680] =	vst v63  }
0x104: {  	_ =	swait.ge [sflag:s7], $0x4000  }
0x105: {  	[sflag:s7] =	ssyncset.done $0x0  }
0x106: {  	s19 =	rddreg [dreg:$0x10];
	[sflag:s7] =	ssyncadd.s32 $0xFFFFC000  }
0x107: {  	[hbm4b:s19+s3] =	stream.linear.scatter [tilespmem:s6], [sflag:$0x2], $0x4000, $0x38;
	[tilespmem:$0x1C680] =	vst v63  }
0x108: {  	_ =	swait.ge [sflag:s7], $0x4000  }
0x109: {  	[sflag:s7] =	ssyncset.done $0x0  }
0x10a: {  	[sflag:s7] =	ssyncadd.s32 $0xFFFFC000  }
0x10b: {  	[tilespmem:s6], [sflag:$0x2] =	stream.linear.gather [spmem:s0], $0x80, $0x38;
	[tilespmem:$0x1C680] =	vst v63  }
0x10c: {  	s13 =	sadd.s32 $0x1, s13;
	_ =	swait.ge [sflag:s7], $0x80  }
0x10d: {  	p0 =	sne.s32 s13, s5;
	[sflag:s7] =	ssyncset.done $0x0  }
.Ltmp5:
0x10e: {  	[sflag:s7] =	ssyncadd.s32 $0xFFFFFF80;
	(pc) =	sbr.rel @p0 .LBB2_1-.Ltmp5, $4  }
0x10f: {  	[hbm4b:s21+s3] =	stream.linear.scatter [tilespmem:s6], [sflag:$0x2], $0x80, $0x38;
	[tilespmem:$0x1C680] =	vst v63  }
0x110: {  	_ =	swait.ge [sflag:s7], $0x80  }
0x111: {  	[sflag:s7] =	ssyncset.done $0x0  }
0x112: {  	[sflag:s7] =	ssyncadd.s32 $0xFFFFFF80  }
0x113: {  	_ =	sfence.sel $0x180000  }
0x114: {  	[bflag:$0x0] =	sbarrier.arrive $0xFFFF  }
0x115: {  	_ =	strace $0x90000047  }
0x116: {  	s0 =	stileid.u32;
	[bflag:$0x2] =	sbarrier.arrive $0xFFFF  }
0x117: {  	p0 =	sne.s32 s0, $0x0;
	s0 =	rddreg [dreg:$0x4]  }
0x118: {  	s0 =	sadd.s32 @!p0 $0x100000, s0  }
0x119: {  	[sflag:s0] =	ssyncadd.tile.s32 @!p0 $0x1;
	_ =	shalt  }
.Lfunc_end2:
_tile_overlayer_lowered:
.L_overlay_start_2:
0x11a: {  	(tag) =	ssettag $0x2  }
0x11b: {  	s0 =	rddreg [dreg:$0x0];
	s2 =	stileid.u32  }
0x11c: {  	s1 =	rddreg [dreg:$0x1];
	p0 =	sne.s32 s2, $0x0  }
0x11d: {  	s3 =	rddreg [dreg:$0x2];
	[bflag:$0x3] =	sbarrier.arrive $0xFFFF;
	s2 =	simm.s32 @!p0 $0x1C02  }
0x11e: {  	[timem:s3], [sflag:s2] =	dma.local @!p0 [hbm:s0], s1  }
0x11f: {  	s0 =	simm.s32 @!p0 $0x2  }
0x120: {  	_ =	swait.ge @!p0 [sflag:s0], s1  }
0x121: {  	s1 =	ssub.s32 @!p0 $0x0, s1;
	[sflag:s0] =	ssyncset.done @!p0 $0x0  }
0x122: {  	[sflag:s0] =	ssyncadd.s32 @!p0 s1  }
0x123: {  	[bflag:$0x3] =	sbarrier.arrive $0xFFFF  }
0x124: {  	_ =	shalt  }

</sc_bundles>
